<compile_context>
chip_gen: v7x
topology: tpu7x:2x2x1
jax: 0.10.2.dev20260603
libtpu: 0.0.44.dev20260713+nightly
codegen_flags: <defaults>
</compile_context>

<pallas_src>
import functools

import jax
import jax.numpy as jnp
from jax import lax
from jax.experimental import pallas as pl
from jax.experimental.pallas import tpu as pltpu
from jax.experimental.pallas import tpu_sc as plsc

N_SRC = 10000
N_DST = 10000
E = 320000
D = 128
ND_PAD = 10240
ROWS_BLK = 2000
GRID = N_SRC // ROWS_BLK

NC = 2
NS = 16
NW = NC * NS
EW = E // NW
K = 80
NCHUNK = EW // K
RPT = ND_PAD // NS
ZR = 64


def _project_body(x_ref, f_ref, wsrc_ref, wdst_ref, asrc_ref, adst_ref,
                  h_ref, als_ref, ald_ref, cvec_ref, ms_ref, md_ref):
    i = pl.program_id(0)
    h = jnp.dot(x_ref[...], wsrc_ref[...], preferred_element_type=jnp.float32)
    h_ref[...] = h
    als = jnp.sum(h * asrc_ref[...], axis=1, keepdims=True)
    als_ref[...] = als
    u = jnp.sum(wdst_ref[...] * adst_ref[...], axis=1, keepdims=True)
    ald = jnp.dot(f_ref[...], u, preferred_element_type=jnp.float32)
    ald_ref[...] = ald

    @pl.when(i == 0)
    def _():
        ms_ref[0, 0] = -jnp.inf
        md_ref[0, 0] = -jnp.inf

    ms_ref[0, 0] = jnp.maximum(ms_ref[0, 0], jnp.max(als))
    md_ref[0, 0] = jnp.maximum(md_ref[0, 0], jnp.max(ald))

    @pl.when(i == GRID - 1)
    def _():
        c = jnp.maximum(ms_ref[0, 0] + md_ref[0, 0], 0.0)
        cvec_ref[...] = jnp.full((1, 16), c, jnp.float32)


_project = pl.pallas_call(
    _project_body,
    grid=(GRID,),
    in_specs=[
        pl.BlockSpec((ROWS_BLK, D), lambda i: (i, 0)),
        pl.BlockSpec((ROWS_BLK, D), lambda i: (i, 0)),
        pl.BlockSpec((D, D), lambda i: (0, 0)),
        pl.BlockSpec((D, D), lambda i: (0, 0)),
        pl.BlockSpec((1, D), lambda i: (0, 0)),
        pl.BlockSpec((1, D), lambda i: (0, 0)),
    ],
    out_specs=[
        pl.BlockSpec((ROWS_BLK, D), lambda i: (i, 0)),
        pl.BlockSpec((ROWS_BLK, 1), lambda i: (i, 0)),
        pl.BlockSpec((ROWS_BLK, 1), lambda i: (i, 0)),
        pl.BlockSpec((1, 16), lambda i: (0, 0)),
    ],
    out_shape=[
        jax.ShapeDtypeStruct((N_SRC, D), jnp.float32),
        jax.ShapeDtypeStruct((N_SRC, 1), jnp.float32),
        jax.ShapeDtypeStruct((N_DST, 1), jnp.float32),
        jax.ShapeDtypeStruct((1, 16), jnp.float32),
    ],
    scratch_shapes=[
        pltpu.SMEM((1, 1), jnp.float32),
        pltpu.SMEM((1, 1), jnp.float32),
    ],
    compiler_params=pltpu.CompilerParams(
        dimension_semantics=("arbitrary",)),
)


_sc_mesh = plsc.VectorSubcoreMesh(core_axis_name="c", subcore_axis_name="s")


@functools.partial(
    pl.kernel,
    out_type=[
        jax.ShapeDtypeStruct((NC, ND_PAD, D), jnp.float32),
        jax.ShapeDtypeStruct((NC, ND_PAD), jnp.float32),
    ],
    mesh=_sc_mesh,
    compiler_params=pltpu.CompilerParams(needs_layout_passes=False),
    scratch_types=[
        pltpu.VMEM((16,), jnp.float32),
        pltpu.VMEM((K,), jnp.int32),
        pltpu.VMEM((K,), jnp.int32),
        pltpu.VMEM((K,), jnp.int32),
        pltpu.VMEM((K,), jnp.int32),
        pltpu.VMEM((K,), jnp.int32),
        pltpu.VMEM((K,), jnp.int32),
        pltpu.VMEM((K, D), jnp.float32),
        pltpu.VMEM((K, D), jnp.float32),
        pltpu.VMEM((K, D), jnp.float32),
        pltpu.VMEM((K,), jnp.float32),
        pltpu.VMEM((K,), jnp.float32),
        pltpu.VMEM((K,), jnp.float32),
        pltpu.VMEM((K,), jnp.float32),
        pltpu.VMEM((K,), jnp.float32),
        pltpu.VMEM((K,), jnp.float32),
        pltpu.VMEM((K,), jnp.float32),
        pltpu.VMEM((K,), jnp.float32),
        pltpu.VMEM((K,), jnp.float32),
        pltpu.VMEM((K,), jnp.int32),
        pltpu.VMEM((K,), jnp.int32),
        pltpu.VMEM((K,), jnp.int32),
        pltpu.VMEM((ZR, D), jnp.float32),
        pltpu.VMEM((RPT,), jnp.float32),
        pltpu.VMEM_SHARED((ND_PAD, D), jnp.float32),
        pltpu.VMEM_SHARED((ND_PAD,), jnp.float32),
        pltpu.VMEM_SHARED((N_SRC,), jnp.float32),
        pltpu.VMEM_SHARED((N_DST,), jnp.float32),
        pltpu.SemaphoreType.DMA,
        pltpu.SemaphoreType.DMA,
        pltpu.SemaphoreType.DMA,
        pltpu.SemaphoreType.DMA,
        pltpu.SemaphoreType.DMA,
        pltpu.SemaphoreType.DMA,
        pltpu.SemaphoreType.DMA,
        pltpu.SemaphoreType.DMA,
        pltpu.SemaphoreType.DMA,
        pltpu.SemaphoreType.DMA,
        pltpu.SemaphoreType.DMA,
        pltpu.SemaphoreType.DMA,
        pltpu.SemaphoreType.DMA,
    ],
)
def _sc_edge(eidx_hbm, asrc_hbm, adst_hbm, h_hbm, cvec_hbm, zacc_hbm,
             zden_hbm, acc_out, den_out, cvec_v,
             esv0, esv1, esv2, edv0, edv1, edv2,
             rows0, rows1, rows2, wbuf0, wbuf1, wbuf2, asb0, asb1, asb2,
             adb0, adb1, adb2, eraw0, eraw1, eraw2, zrow, zden, acc_sh,
             den_sh, asrc_sh,
             adst_sh, gsem0, gsem1, gsem2, asem0, asem1, asem2,
             ssem0, ssem1, ssem2, esem0, esem1, esem2, zsem):
    cid = lax.axis_index("c")
    sid = lax.axis_index("s")
    wid = sid * NC + cid

    esv = (esv0, esv1, esv2)
    edv = (edv0, edv1, edv2)
    rows = (rows0, rows1, rows2)
    wbuf = (wbuf0, wbuf1, wbuf2)
    asb = (asb0, asb1, asb2)
    adb = (adb0, adb1, adb2)
    eraw = (eraw0, eraw1, eraw2)
    gsem = (gsem0, gsem1, gsem2)
    asem = (asem0, asem1, asem2)
    ssem = (ssem0, ssem1, ssem2)
    esem = (esem0, esem1, esem2)

    pltpu.sync_copy(cvec_hbm, cvec_v)
    pltpu.sync_copy(zacc_hbm, zrow)
    pltpu.sync_copy(zden_hbm, zden)

    @pl.when(sid == 0)
    def _():
        pltpu.sync_copy(asrc_hbm, asrc_sh)
        pltpu.sync_copy(adst_hbm, adst_sh)

    r0 = sid * RPT

    def zloop(i, _):
        pltpu.async_copy(zrow, acc_sh.at[pl.ds(r0 + i * ZR, ZR)], zsem)
        return 0

    lax.fori_loop(0, RPT // ZR, zloop, 0)
    pltpu.sync_copy(zden, den_sh.at[pl.ds(r0, RPT)])

    def zwait(i, _):
        pltpu.make_async_copy(zrow, acc_sh.at[pl.ds(r0 + i * ZR, ZR)],
                              zsem).wait()
        return 0

    lax.fori_loop(0, RPT // ZR, zwait, 0)
    plsc.subcore_barrier()

    cvec = cvec_v[...]
    ebase = wid * EW

    def fetch_idx(c, b):
        pltpu.async_copy(eidx_hbm.at[pl.ds(ebase + c * K, K)], eraw[b],
                         esem[b])

    def launch(c, b):
        pltpu.make_async_copy(eidx_hbm.at[pl.ds(ebase + c * K, K)], eraw[b],
                              esem[b]).wait()

        @plsc.parallel_loop(0, K // 16, 1, unroll=K // 16)
        def _u(g):
            sl = pl.ds(g * 16, 16)
            v = eraw[b][sl]
            esv[b][sl] = lax.shift_right_logical(v, 16)
            edv[b][sl] = lax.bitwise_and(v, 65535)

        pltpu.async_copy(h_hbm.at[esv[b]], rows[b], gsem[b])
        pltpu.async_copy(asrc_sh.at[esv[b]], asb[b], asem[b])
        pltpu.async_copy(adst_sh.at[edv[b]], adb[b], asem[b])

    def finish(c, b):
        pltpu.make_async_copy(asrc_sh.at[esv[b]], asb[b], asem[b]).wait()
        pltpu.make_async_copy(adst_sh.at[edv[b]], adb[b], asem[b]).wait()

        @plsc.parallel_loop(0, K // 16, 1, unroll=K // 16)
        def _w(g):
            raw = asb[b][pl.ds(g * 16, 16)] + adb[b][pl.ds(g * 16, 16)]
            lg = jnp.where(raw >= 0.0, raw, 0.2 * raw)
            wbuf[b][pl.ds(g * 16, 16)] = jnp.exp(lg - cvec)

        pltpu.make_async_copy(h_hbm.at[esv[b]], rows[b], gsem[b]).wait()

        @plsc.parallel_loop(0, K, 1, unroll=2)
        def _s(j):
            jv = jnp.zeros((16,), jnp.int32) + j
            wj = plsc.load_gather(wbuf[b], [jv])
            for r in range(D // 16):
                sl = pl.ds(r * 16, 16)
                rows[b][j, sl] = rows[b][j, sl] * wj

        pltpu.async_copy(rows[b], acc_sh.at[edv[b]], ssem[b], add=True)
        pltpu.async_copy(wbuf[b], den_sh.at[edv[b]], ssem[b], add=True)

    def wait_scatter(b):
        pltpu.make_async_copy(rows[b], acc_sh.at[edv[b]], ssem[b]).wait()
        pltpu.make_async_copy(wbuf[b], den_sh.at[edv[b]], ssem[b]).wait()

    fetch_idx(0, 0)
    fetch_idx(1, 1)
    launch(0, 0)

    def triple(g, _):
        for k in range(3):
            c = 3 * g + k
            b = k
            launch(c + 1, (k + 1) % 3)
            fetch_idx(c + 2, (k + 2) % 3)
            finish(c, b)
            if k == 0:
                @pl.when(g > 0)
                def _():
                    wait_scatter(2)
            else:
                wait_scatter(k - 1)
        return 0

    lax.fori_loop(0, (NCHUNK - 2) // 3, triple, 0)

    launch(NCHUNK - 1, 1)
    finish(NCHUNK - 2, 0)
    wait_scatter(2)
    finish(NCHUNK - 1, 1)
    wait_scatter(0)
    wait_scatter(1)

    plsc.subcore_barrier()
    cp1 = pltpu.async_copy(acc_sh.at[pl.ds(r0, RPT)],
                           acc_out.at[cid, pl.ds(r0, RPT)], zsem)
    cp2 = pltpu.async_copy(den_sh.at[pl.ds(r0, RPT)],
                           den_out.at[cid, pl.ds(r0, RPT)], zsem)
    cp1.wait()
    cp2.wait()


def _finalize_body(a0_ref, a1_ref, d0_ref, d1_ref, bias_ref, out_ref):
    s = a0_ref[...].reshape(ROWS_BLK, D) + a1_ref[...].reshape(ROWS_BLK, D)
    den = d0_ref[...].reshape(ROWS_BLK, 1) + d1_ref[...].reshape(ROWS_BLK, 1)
    out_ref[...] = jnp.maximum(s / (den + 1e-16) + bias_ref[...], 0.0)


_finalize = pl.pallas_call(
    _finalize_body,
    grid=(GRID,),
    in_specs=[
        pl.BlockSpec((1, ROWS_BLK, D), lambda i: (0, i, 0)),
        pl.BlockSpec((1, ROWS_BLK, D), lambda i: (1, i, 0)),
        pl.BlockSpec((1, ROWS_BLK, 1), lambda i: (0, i, 0)),
        pl.BlockSpec((1, ROWS_BLK, 1), lambda i: (1, i, 0)),
        pl.BlockSpec((1, D), lambda i: (0, 0)),
    ],
    out_specs=pl.BlockSpec((ROWS_BLK, D), lambda i: (i, 0)),
    out_shape=jax.ShapeDtypeStruct((N_DST, D), jnp.float32),
    compiler_params=pltpu.CompilerParams(
        dimension_semantics=("arbitrary",)),
)


def kernel(pi_edge_index, slice1_feature, slice2_X, W_src, W_dst, a_src,
           a_dst, bias):
    e_src = pi_edge_index[0].astype(jnp.int32)
    e_dst = pi_edge_index[1].astype(jnp.int32)
    eidx = jnp.bitwise_or(jnp.left_shift(e_src, 16), e_dst)

    h_src, als, ald, cvec = _project(
        slice2_X, slice1_feature, W_src, W_dst,
        a_src.reshape(1, D), a_dst.reshape(1, D))

    zacc = jnp.zeros((ZR, D), jnp.float32)
    zden = jnp.zeros((RPT,), jnp.float32)

    acc, den = _sc_edge(eidx, als.reshape(N_SRC), ald.reshape(N_DST),
                        h_src, cvec.reshape(16), zacc, zden)

    return _finalize(acc, acc, den[:, :, None], den[:, :, None],
                     bias.reshape(1, D))

# --- scband reference (transcript-rebuilt; emitter-appended) ---
"""Pipeline reference for scband-decoder-80032420593995 (READ-ONLY COPY).

The authoritative reference and input builder live on the scoring server;
editing this copy changes nothing except your own understanding.
"""

import jax, jax.numpy as jnp
import numpy as np

N_SRC = 10000  # slice2_spots_num
N_DST = 10000  # slice1_spots_num
E = 320000
D_SRC = 128    # slice2_genes_num
D_DST_IN = 128 # hidden_dim (slice1_feature dim)
D_OUT = 128    # slice1_genes_num


def setup_inputs(seed: int = 0) -> dict:
    key = jax.random.key(seed)
    k1, k2, k3, k4, k5, k6, k7, k8 = jax.random.split(key, 8)
    pi_edge_index = jax.random.randint(k1, (2, E), 0, N_SRC, dtype=jnp.int64)
    slice1_feature = jax.random.normal(k2, (N_DST, D_DST_IN), dtype=jnp.float32)
    slice2_X = jax.random.normal(k3, (N_SRC, D_SRC), dtype=jnp.float32)
    # Learned params of BipartiteGATDecoder (single-head bipartite GAT)
    W_src = jax.random.normal(k4, (D_SRC, D_OUT), dtype=jnp.float32) * (1.0 / np.sqrt(D_SRC))
    W_dst = jax.random.normal(k5, (D_DST_IN, D_OUT), dtype=jnp.float32) * (1.0 / np.sqrt(D_DST_IN))
    a_src = jax.random.normal(k6, (D_OUT,), dtype=jnp.float32) * 0.1
    a_dst = jax.random.normal(k7, (D_OUT,), dtype=jnp.float32) * 0.1
    bias = jnp.zeros((D_OUT,), dtype=jnp.float32)
    return {"pi_edge_index": pi_edge_index, "slice1_feature": slice1_feature,
            "slice2_X": slice2_X, "W_src": W_src, "W_dst": W_dst,
            "a_src": a_src, "a_dst": a_dst, "bias": bias}


def _leaky_relu(x, slope=0.2):
    return jnp.where(x >= 0, x, slope * x)


def reference(pi_edge_index, slice1_feature, slice2_X, W_src, W_dst, a_src, a_dst, bias):
    e_src = pi_edge_index[0]  # indices into slice2 spots (source)
    e_dst = pi_edge_index[1]  # indices into slice1 spots (target)
    # project src/dst features
    h_src = slice2_X @ W_src          # [N_SRC, D_OUT]
    h_dst = slice1_feature @ W_dst    # [N_DST, D_OUT]
    # per-edge attention logits (gather)
    alpha_src = (h_src * a_src[None, :]).sum(-1)  # [N_SRC]
    alpha_dst = (h_dst * a_dst[None, :]).sum(-1)  # [N_DST]
    logits = _leaky_relu(alpha_src[e_src] + alpha_dst[e_dst])  # [E]
    # segment softmax over incoming edges per dst node
    seg_max = jax.ops.segment_max(logits, e_dst, num_segments=N_DST)
    seg_max = jnp.where(jnp.isfinite(seg_max), seg_max, 0.0)
    ex = jnp.exp(logits - seg_max[e_dst])
    denom = jax.ops.segment_sum(ex, e_dst, num_segments=N_DST)
    alpha = ex / (denom[e_dst] + 1e-16)  # [E]
    # weighted message aggregation (gather + scatter-add)
    msg = alpha[:, None] * h_src[e_src]  # [E, D_OUT]
    out = jax.ops.segment_sum(msg, e_dst, num_segments=N_DST) + bias[None, :]
    # Decoder act
    return jax.nn.relu(out)

if __name__ == "__main__":
    import jax
    _d = setup_inputs()
    print(jax.jit(kernel)(*tuple(_d.values())))

</pallas_src>

<mosaic_0001>
#map = affine_map<(d0, d1) -> (0)>
#map1 = affine_map<(d0, d1) -> (0, 0)>
#map2 = affine_map<(d0, d1) -> (0, 0, 0)>
module attributes {stable_mosaic.version = 14 : i64} {
  func.func @_sc_edge(%arg0: i32, %arg1: i32, %arg2: memref<320000xi32, #tpu.memory_space<hbm>>, %arg3: memref<10000xf32, #tpu.memory_space<hbm>>, %arg4: memref<10000xf32, #tpu.memory_space<hbm>>, %arg5: memref<10000x128xf32, #tpu.memory_space<hbm>>, %arg6: memref<16xf32, #tpu.memory_space<hbm>>, %arg7: memref<64x128xf32, #tpu.memory_space<hbm>>, %arg8: memref<640xf32, #tpu.memory_space<hbm>>, %arg9: memref<2x10240x128xf32, #tpu.memory_space<hbm>>, %arg10: memref<2x10240xf32, #tpu.memory_space<hbm>>, %arg11: memref<16xf32, #tpu.memory_space<vmem>>, %arg12: memref<80xi32, #tpu.memory_space<vmem>>, %arg13: memref<80xi32, #tpu.memory_space<vmem>>, %arg14: memref<80xi32, #tpu.memory_space<vmem>>, %arg15: memref<80xi32, #tpu.memory_space<vmem>>, %arg16: memref<80xi32, #tpu.memory_space<vmem>>, %arg17: memref<80xi32, #tpu.memory_space<vmem>>, %arg18: memref<80x128xf32, #tpu.memory_space<vmem>>, %arg19: memref<80x128xf32, #tpu.memory_space<vmem>>, %arg20: memref<80x128xf32, #tpu.memory_space<vmem>>, %arg21: memref<80xf32, #tpu.memory_space<vmem>>, %arg22: memref<80xf32, #tpu.memory_space<vmem>>, %arg23: memref<80xf32, #tpu.memory_space<vmem>>, %arg24: memref<80xf32, #tpu.memory_space<vmem>>, %arg25: memref<80xf32, #tpu.memory_space<vmem>>, %arg26: memref<80xf32, #tpu.memory_space<vmem>>, %arg27: memref<80xf32, #tpu.memory_space<vmem>>, %arg28: memref<80xf32, #tpu.memory_space<vmem>>, %arg29: memref<80xf32, #tpu.memory_space<vmem>>, %arg30: memref<80xi32, #tpu.memory_space<vmem>>, %arg31: memref<80xi32, #tpu.memory_space<vmem>>, %arg32: memref<80xi32, #tpu.memory_space<vmem>>, %arg33: memref<64x128xf32, #tpu.memory_space<vmem>>, %arg34: memref<640xf32, #tpu.memory_space<vmem>>, %arg35: memref<10240x128xf32, #tpu.memory_space<vmem_shared>>, %arg36: memref<10240xf32, #tpu.memory_space<vmem_shared>>, %arg37: memref<10000xf32, #tpu.memory_space<vmem_shared>>, %arg38: memref<10000xf32, #tpu.memory_space<vmem_shared>>, %arg39: memref<!tpu.dma_semaphore, #tpu.memory_space<semaphore_mem>>, %arg40: memref<!tpu.dma_semaphore, #tpu.memory_space<semaphore_mem>>, %arg41: memref<!tpu.dma_semaphore, #tpu.memory_space<semaphore_mem>>, %arg42: memref<!tpu.dma_semaphore, #tpu.memory_space<semaphore_mem>>, %arg43: memref<!tpu.dma_semaphore, #tpu.memory_space<semaphore_mem>>, %arg44: memref<!tpu.dma_semaphore, #tpu.memory_space<semaphore_mem>>, %arg45: memref<!tpu.dma_semaphore, #tpu.memory_space<semaphore_mem>>, %arg46: memref<!tpu.dma_semaphore, #tpu.memory_space<semaphore_mem>>, %arg47: memref<!tpu.dma_semaphore, #tpu.memory_space<semaphore_mem>>, %arg48: memref<!tpu.dma_semaphore, #tpu.memory_space<semaphore_mem>>, %arg49: memref<!tpu.dma_semaphore, #tpu.memory_space<semaphore_mem>>, %arg50: memref<!tpu.dma_semaphore, #tpu.memory_space<semaphore_mem>>, %arg51: memref<!tpu.dma_semaphore, #tpu.memory_space<semaphore_mem>>) attributes {dimension_semantics = [#tpu.dimension_semantics<core_parallel>, #tpu.dimension_semantics<subcore_parallel>], iteration_bounds = array<i64: 2, 16>, scalar_prefetch = 0 : i64, scratch_operands = 41 : i64, tpu.core_type = #tpu.core_type<sc_vector_subcore>, window_params = [{transform_indices = #map}, {transform_indices = #map}, {transform_indices = #map}, {transform_indices = #map1}, {transform_indices = #map}, {transform_indices = #map1}, {transform_indices = #map}, {transform_indices = #map2}, {transform_indices = #map1}]} {
    %mul3A = arith.constant 2 : i32
    %mul3A_0 = arith.muli %arg1, %mul3A : i32
    %add3A = arith.addi %mul3A_0, %arg0 : i32
    "tpu.region"() ({
      %run_scoped3A = tpu.sem_alloc : memref<!tpu.dma_semaphore, #tpu.memory_space<semaphore_mem>>
      tpu.enqueue_dma source(%arg6 : memref<16xf32, #tpu.memory_space<hbm>>) target(%arg11 : memref<16xf32, #tpu.memory_space<vmem>>) target_semaphore(%run_scoped3A : memref<!tpu.dma_semaphore, #tpu.memory_space<semaphore_mem>>)
      tpu.wait_dma2 semaphore(%run_scoped3A : memref<!tpu.dma_semaphore, #tpu.memory_space<semaphore_mem>>) src(%arg6 : memref<16xf32, #tpu.memory_space<hbm>>) dst(%arg11 : memref<16xf32, #tpu.memory_space<vmem>>)
      tpu.yield
    }) : () -> ()
    "tpu.region"() ({
      %run_scoped3A = tpu.sem_alloc : memref<!tpu.dma_semaphore, #tpu.memory_space<semaphore_mem>>
      tpu.enqueue_dma source(%arg7 : memref<64x128xf32, #tpu.memory_space<hbm>>) target(%arg33 : memref<64x128xf32, #tpu.memory_space<vmem>>) target_semaphore(%run_scoped3A : memref<!tpu.dma_semaphore, #tpu.memory_space<semaphore_mem>>)
      tpu.wait_dma2 semaphore(%run_scoped3A : memref<!tpu.dma_semaphore, #tpu.memory_space<semaphore_mem>>) src(%arg7 : memref<64x128xf32, #tpu.memory_space<hbm>>) dst(%arg33 : memref<64x128xf32, #tpu.memory_space<vmem>>)
      tpu.yield
    }) : () -> ()
    "tpu.region"() ({
      %run_scoped3A = tpu.sem_alloc : memref<!tpu.dma_semaphore, #tpu.memory_space<semaphore_mem>>
      tpu.enqueue_dma source(%arg8 : memref<640xf32, #tpu.memory_space<hbm>>) target(%arg34 : memref<640xf32, #tpu.memory_space<vmem>>) target_semaphore(%run_scoped3A : memref<!tpu.dma_semaphore, #tpu.memory_space<semaphore_mem>>)
      tpu.wait_dma2 semaphore(%run_scoped3A : memref<!tpu.dma_semaphore, #tpu.memory_space<semaphore_mem>>) src(%arg8 : memref<640xf32, #tpu.memory_space<hbm>>) dst(%arg34 : memref<640xf32, #tpu.memory_space<vmem>>)
      tpu.yield
    }) : () -> ()
    %eq3A = arith.constant 0 : i32
    %eq3A_1 = arith.cmpi eq, %arg1, %eq3A : i32
    %convert_element_type3A = arith.extui %eq3A_1 : i1 to i32
    %cond3A = arith.constant 0 : i32
    %cond3A_2 = arith.cmpi ne, %convert_element_type3A, %cond3A : i32
    scf.if %cond3A_2 {
      "tpu.region"() ({
        %run_scoped3A = tpu.sem_alloc : memref<!tpu.dma_semaphore, #tpu.memory_space<semaphore_mem>>
        tpu.enqueue_dma source(%arg3 : memref<10000xf32, #tpu.memory_space<hbm>>) target(%arg37 : memref<10000xf32, #tpu.memory_space<vmem_shared>>) target_semaphore(%run_scoped3A : memref<!tpu.dma_semaphore, #tpu.memory_space<semaphore_mem>>)
        tpu.wait_dma2 semaphore(%run_scoped3A : memref<!tpu.dma_semaphore, #tpu.memory_space<semaphore_mem>>) src(%arg3 : memref<10000xf32, #tpu.memory_space<hbm>>) dst(%arg37 : memref<10000xf32, #tpu.memory_space<vmem_shared>>)
        tpu.yield
      }) : () -> ()
      "tpu.region"() ({
        %run_scoped3A = tpu.sem_alloc : memref<!tpu.dma_semaphore, #tpu.memory_space<semaphore_mem>>
        tpu.enqueue_dma source(%arg4 : memref<10000xf32, #tpu.memory_space<hbm>>) target(%arg38 : memref<10000xf32, #tpu.memory_space<vmem_shared>>) target_semaphore(%run_scoped3A : memref<!tpu.dma_semaphore, #tpu.memory_space<semaphore_mem>>)
        tpu.wait_dma2 semaphore(%run_scoped3A : memref<!tpu.dma_semaphore, #tpu.memory_space<semaphore_mem>>) src(%arg4 : memref<10000xf32, #tpu.memory_space<hbm>>) dst(%arg38 : memref<10000xf32, #tpu.memory_space<vmem_shared>>)
        tpu.yield
      }) : () -> ()
    } else {
    }
    %mul3A_3 = arith.constant 640 : i32
    %mul3A_4 = arith.muli %arg1, %mul3A_3 : i32
    %scan3A = arith.constant 0 : i32
    %scan3A_5 = arith.constant 0 : i32
    %scan3A_6 = arith.constant 10 : i32
    %scan3A_7 = arith.addi %scan3A_5, %scan3A_6 : i32
    %scan3A_8 = arith.constant 1 : i32
    %scan3A_9 = scf.for %scan3A_129 = %scan3A_5 to %scan3A_7 step %scan3A_8 iter_args(%scan3A_130 = %scan3A) -> (i32)  : i32 {
      %mul3A_131 = arith.constant 64 : i32
      %mul3A_132 = arith.muli %scan3A_129, %mul3A_131 : i32
      %add3A_133 = arith.addi %mul3A_4, %mul3A_132 : i32
      %dma_start3A_134 = arith.constant 0 : i32
      %dma_start3A_135 = tpu.memref_slice %arg35[%add3A_133, %dma_start3A_134] : memref<10240x128xf32, #tpu.memory_space<vmem_shared>> -> memref<64x128xf32, #tpu.memory_space<vmem_shared>>
      %dma_start3A_136 = arith.constant 0 : i32
      %dma_start3A_137 = tpu.memref_slice %arg35[%add3A_133, %dma_start3A_136] : memref<10240x128xf32, #tpu.memory_space<vmem_shared>> -> memref<64x128xf32, #tpu.memory_space<vmem_shared>>
      tpu.enqueue_dma source(%arg33 : memref<64x128xf32, #tpu.memory_space<vmem>>) target(%dma_start3A_137 : memref<64x128xf32, #tpu.memory_space<vmem_shared>>) target_semaphore(%arg51 : memref<!tpu.dma_semaphore, #tpu.memory_space<semaphore_mem>>)
      %scan3A_138 = arith.constant 0 : i32
      scf.yield %scan3A_138 : i32
    }
    %scan3A_10 = arith.constant 10 : i32
    "tpu.region"() ({
      %run_scoped3A = tpu.sem_alloc : memref<!tpu.dma_semaphore, #tpu.memory_space<semaphore_mem>>
      %dma_start3A_129 = tpu.memref_slice %arg36[%mul3A_4] : memref<10240xf32, #tpu.memory_space<vmem_shared>> -> memref<640xf32, #tpu.memory_space<vmem_shared>>
      %dma_start3A_130 = tpu.memref_slice %arg36[%mul3A_4] : memref<10240xf32, #tpu.memory_space<vmem_shared>> -> memref<640xf32, #tpu.memory_space<vmem_shared>>
      tpu.enqueue_dma source(%arg34 : memref<640xf32, #tpu.memory_space<vmem>>) target(%dma_start3A_130 : memref<640xf32, #tpu.memory_space<vmem_shared>>) target_semaphore(%run_scoped3A : memref<!tpu.dma_semaphore, #tpu.memory_space<semaphore_mem>>)
      %dma_wait3A_131 = tpu.memref_slice %arg36[%mul3A_4] : memref<10240xf32, #tpu.memory_space<vmem_shared>> -> memref<640xf32, #tpu.memory_space<vmem_shared>>
      %dma_wait3A_132 = tpu.memref_slice %arg36[%mul3A_4] : memref<10240xf32, #tpu.memory_space<vmem_shared>> -> memref<640xf32, #tpu.memory_space<vmem_shared>>
      tpu.wait_dma2 semaphore(%run_scoped3A : memref<!tpu.dma_semaphore, #tpu.memory_space<semaphore_mem>>) src(%arg34 : memref<640xf32, #tpu.memory_space<vmem>>) dst(%dma_wait3A_132 : memref<640xf32, #tpu.memory_space<vmem_shared>>)
      tpu.yield
    }) : () -> ()
    %scan3A_11 = arith.constant 0 : i32
    %scan3A_12 = arith.constant 0 : i32
    %scan3A_13 = arith.constant 10 : i32
    %scan3A_14 = arith.addi %scan3A_12, %scan3A_13 : i32
    %scan3A_15 = arith.constant 1 : i32
    %scan3A_16 = scf.for %scan3A_129 = %scan3A_12 to %scan3A_14 step %scan3A_15 iter_args(%scan3A_130 = %scan3A_11) -> (i32)  : i32 {
      %mul3A_131 = arith.constant 64 : i32
      %mul3A_132 = arith.muli %scan3A_129, %mul3A_131 : i32
      %add3A_133 = arith.addi %mul3A_4, %mul3A_132 : i32
      %dma_wait3A_134 = arith.constant 0 : i32
      %dma_wait3A_135 = tpu.memref_slice %arg35[%add3A_133, %dma_wait3A_134] : memref<10240x128xf32, #tpu.memory_space<vmem_shared>> -> memref<64x128xf32, #tpu.memory_space<vmem_shared>>
      %dma_wait3A_136 = arith.constant 0 : i32
      %dma_wait3A_137 = tpu.memref_slice %arg35[%add3A_133, %dma_wait3A_136] : memref<10240x128xf32, #tpu.memory_space<vmem_shared>> -> memref<64x128xf32, #tpu.memory_space<vmem_shared>>
      tpu.wait_dma2 semaphore(%arg51 : memref<!tpu.dma_semaphore, #tpu.memory_space<semaphore_mem>>) src(%arg33 : memref<64x128xf32, #tpu.memory_space<vmem>>) dst(%dma_wait3A_137 : memref<64x128xf32, #tpu.memory_space<vmem_shared>>)
      %scan3A_138 = arith.constant 0 : i32
      scf.yield %scan3A_138 : i32
    }
    %scan3A_17 = arith.constant 10 : i32
    %barrier3A = arith.constant 0 : index
    tpu.barrier barrier_id(%barrier3A)
    %get3A = arith.constant 0 : index
    %get3A_18 = tpu.vector_load %arg11[%get3A] {strides = array<i32>} : memref<16xf32, #tpu.memory_space<vmem>>, vector<16xf32>,
    %mul3A_19 = arith.constant 10000 : i32
    %mul3A_20 = arith.muli %add3A, %mul3A_19 : i32
    %add3A_21 = arith.constant 0 : i32
    %add3A_22 = arith.addi %mul3A_20, %add3A_21 : i32
    %dma_start3A = tpu.memref_slice %arg2[%add3A_22] : memref<320000xi32, #tpu.memory_space<hbm>> -> memref<80xi32, #tpu.memory_space<hbm>>
    %dma_start3A_23 = tpu.memref_slice %arg2[%add3A_22] : memref<320000xi32, #tpu.memory_space<hbm>> -> memref<80xi32, #tpu.memory_space<hbm>>
    tpu.enqueue_dma source(%dma_start3A_23 : memref<80xi32, #tpu.memory_space<hbm>>) target(%arg30 : memref<80xi32, #tpu.memory_space<vmem>>) target_semaphore(%arg48 : memref<!tpu.dma_semaphore, #tpu.memory_space<semaphore_mem>>)
    %add3A_24 = arith.constant 80 : i32
    %add3A_25 = arith.addi %mul3A_20, %add3A_24 : i32
    %dma_start3A_26 = tpu.memref_slice %arg2[%add3A_25] : memref<320000xi32, #tpu.memory_space<hbm>> -> memref<80xi32, #tpu.memory_space<hbm>>
    %dma_start3A_27 = tpu.memref_slice %arg2[%add3A_25] : memref<320000xi32, #tpu.memory_space<hbm>> -> memref<80xi32, #tpu.memory_space<hbm>>
    tpu.enqueue_dma source(%dma_start3A_27 : memref<80xi32, #tpu.memory_space<hbm>>) target(%arg31 : memref<80xi32, #tpu.memory_space<vmem>>) target_semaphore(%arg49 : memref<!tpu.dma_semaphore, #tpu.memory_space<semaphore_mem>>)
    %add3A_28 = arith.constant 0 : i32
    %add3A_29 = arith.addi %mul3A_20, %add3A_28 : i32
    %dma_wait3A = tpu.memref_slice %arg2[%add3A_29] : memref<320000xi32, #tpu.memory_space<hbm>> -> memref<80xi32, #tpu.memory_space<hbm>>
    %dma_wait3A_30 = tpu.memref_slice %arg2[%add3A_29] : memref<320000xi32, #tpu.memory_space<hbm>> -> memref<80xi32, #tpu.memory_space<hbm>>
    tpu.wait_dma2 semaphore(%arg48 : memref<!tpu.dma_semaphore, #tpu.memory_space<semaphore_mem>>) src(%dma_wait3A_30 : memref<80xi32, #tpu.memory_space<hbm>>) dst(%arg30 : memref<80xi32, #tpu.memory_space<vmem>>)
    %parallel_loop3A = arith.constant 0 : i32
    %parallel_loop3A_31 = arith.constant 5 : i32
    %parallel_loop3A_32 = arith.constant 1 : i32
    scf.for %parallel_loop3A_129 = %parallel_loop3A to %parallel_loop3A_31 step %parallel_loop3A_32  : i32 {
      %parallel_loop3A_130 = arith.constant 16 : i32
      %parallel_loop3A_131 = arith.muli %parallel_loop3A_129, %parallel_loop3A_130 : i32
      %parallel_loop3A_132 = arith.index_cast %parallel_loop3A_131 : i32 to index
      %parallel_loop3A_133 = tpu.vector_load %arg30[%parallel_loop3A_132] {strides = array<i32>} : memref<80xi32, #tpu.memory_space<vmem>>, vector<16xi32>,
      %parallel_loop3A_134 = arith.constant 16 : i32
      %parallel_loop3A_135 = vector.broadcast %parallel_loop3A_134 : i32 to vector<16xi32>
      %parallel_loop3A_136 = arith.shrui %parallel_loop3A_133, %parallel_loop3A_135 : vector<16xi32>
      %parallel_loop3A_137 = arith.index_cast %parallel_loop3A_131 : i32 to index
      %parallel_loop3A_138 = tpu.vector_load %arg12[%parallel_loop3A_137] {strides = array<i32>} : memref<80xi32, #tpu.memory_space<vmem>>, vector<16xi32>,
      tpu.vector_store %arg12[%parallel_loop3A_137], %parallel_loop3A_136 {strides = array<i32>} : memref<80xi32, #tpu.memory_space<vmem>>, vector<16xi32>,
      %parallel_loop3A_139 = arith.constant 65535 : i32
      %parallel_loop3A_140 = vector.broadcast %parallel_loop3A_139 : i32 to vector<16xi32>
      %parallel_loop3A_141 = arith.andi %parallel_loop3A_133, %parallel_loop3A_140 : vector<16xi32>
      %parallel_loop3A_142 = arith.index_cast %parallel_loop3A_131 : i32 to index
      %parallel_loop3A_143 = tpu.vector_load %arg15[%parallel_loop3A_142] {strides = array<i32>} : memref<80xi32, #tpu.memory_space<vmem>>, vector<16xi32>,
      tpu.vector_store %arg15[%parallel_loop3A_142], %parallel_loop3A_141 {strides = array<i32>} : memref<80xi32, #tpu.memory_space<vmem>>, vector<16xi32>,
    } {sc.loop_unroll_factor = 5 : i64, sc.parallel_access}
    %dma_start3A_33 = arith.constant 0 : i32
    %dma_start3A_34 = arith.constant 0 : i32
    %dma_start3A_35 = tpu.memref_slice %arg5[%dma_start3A_33, %dma_start3A_34] : memref<10000x128xf32, #tpu.memory_space<hbm>> -> memref<10000x128xf32, #tpu.memory_space<hbm>>
    tpu.enqueue_indirect_dma source(%dma_start3A_35 : memref<10000x128xf32, #tpu.memory_space<hbm>>) target(%arg18 : memref<80x128xf32, #tpu.memory_space<vmem>>) offsets(%arg12 : memref<80xi32, #tpu.memory_space<vmem>>) semaphore(%arg39 : memref<!tpu.dma_semaphore, #tpu.memory_space<semaphore_mem>>)
    %dma_start3A_36 = arith.constant 0 : i32
    %dma_start3A_37 = tpu.memref_slice %arg37[%dma_start3A_36] : memref<10000xf32, #tpu.memory_space<vmem_shared>> -> memref<10000xf32, #tpu.memory_space<vmem_shared>>
    tpu.enqueue_indirect_dma source(%dma_start3A_37 : memref<10000xf32, #tpu.memory_space<vmem_shared>>) target(%arg24 : memref<80xf32, #tpu.memory_space<vmem>>) offsets(%arg12 : memref<80xi32, #tpu.memory_space<vmem>>) semaphore(%arg42 : memref<!tpu.dma_semaphore, #tpu.memory_space<semaphore_mem>>)
    %dma_start3A_38 = arith.constant 0 : i32
    %dma_start3A_39 = tpu.memref_slice %arg38[%dma_start3A_38] : memref<10000xf32, #tpu.memory_space<vmem_shared>> -> memref<10000xf32, #tpu.memory_space<vmem_shared>>
    tpu.enqueue_indirect_dma source(%dma_start3A_39 : memref<10000xf32, #tpu.memory_space<vmem_shared>>) target(%arg27 : memref<80xf32, #tpu.memory_space<vmem>>) offsets(%arg15 : memref<80xi32, #tpu.memory_space<vmem>>) semaphore(%arg42 : memref<!tpu.dma_semaphore, #tpu.memory_space<semaphore_mem>>)
    %scan3A_40 = arith.constant 0 : i32
    %scan3A_41 = arith.constant 0 : i32
    %scan3A_42 = arith.constant 41 : i32
    %scan3A_43 = arith.addi %scan3A_41, %scan3A_42 : i32
    %scan3A_44 = arith.constant 1 : i32
    %scan3A_45 = scf.for %scan3A_129 = %scan3A_41 to %scan3A_43 step %scan3A_44 iter_args(%scan3A_130 = %scan3A_40) -> (i32)  : i32 {
      %mul3A_131 = arith.constant 3 : i32
      %mul3A_132 = arith.muli %mul3A_131, %scan3A_129 : i32
      %add3A_133 = arith.constant 0 : i32
      %add3A_134 = arith.addi %mul3A_132, %add3A_133 : i32
      %add3A_135 = arith.constant 1 : i32
      %add3A_136 = arith.addi %add3A_134, %add3A_135 : i32
      %mul3A_137 = arith.constant 80 : i32
      %mul3A_138 = arith.muli %add3A_136, %mul3A_137 : i32
      %add3A_139 = arith.addi %mul3A_20, %mul3A_138 : i32
      %dma_wait3A_140 = tpu.memref_slice %arg2[%add3A_139] : memref<320000xi32, #tpu.memory_space<hbm>> -> memref<80xi32, #tpu.memory_space<hbm>>
      %dma_wait3A_141 = tpu.memref_slice %arg2[%add3A_139] : memref<320000xi32, #tpu.memory_space<hbm>> -> memref<80xi32, #tpu.memory_space<hbm>>
      tpu.wait_dma2 semaphore(%arg49 : memref<!tpu.dma_semaphore, #tpu.memory_space<semaphore_mem>>) src(%dma_wait3A_141 : memref<80xi32, #tpu.memory_space<hbm>>) dst(%arg31 : memref<80xi32, #tpu.memory_space<vmem>>)
      %parallel_loop3A_142 = arith.constant 0 : i32
      %parallel_loop3A_143 = arith.constant 5 : i32
      %parallel_loop3A_144 = arith.constant 1 : i32
      scf.for %parallel_loop3A_284 = %parallel_loop3A_142 to %parallel_loop3A_143 step %parallel_loop3A_144  : i32 {
        %parallel_loop3A_285 = arith.constant 16 : i32
        %parallel_loop3A_286 = arith.muli %parallel_loop3A_284, %parallel_loop3A_285 : i32
        %parallel_loop3A_287 = arith.index_cast %parallel_loop3A_286 : i32 to index
        %parallel_loop3A_288 = tpu.vector_load %arg31[%parallel_loop3A_287] {strides = array<i32>} : memref<80xi32, #tpu.memory_space<vmem>>, vector<16xi32>,
        %parallel_loop3A_289 = arith.constant 16 : i32
        %parallel_loop3A_290 = vector.broadcast %parallel_loop3A_289 : i32 to vector<16xi32>
        %parallel_loop3A_291 = arith.shrui %parallel_loop3A_288, %parallel_loop3A_290 : vector<16xi32>
        %parallel_loop3A_292 = arith.index_cast %parallel_loop3A_286 : i32 to index
        %parallel_loop3A_293 = tpu.vector_load %arg13[%parallel_loop3A_292] {strides = array<i32>} : memref<80xi32, #tpu.memory_space<vmem>>, vector<16xi32>,
        tpu.vector_store %arg13[%parallel_loop3A_292], %parallel_loop3A_291 {strides = array<i32>} : memref<80xi32, #tpu.memory_space<vmem>>, vector<16xi32>,
        %parallel_loop3A_294 = arith.constant 65535 : i32
        %parallel_loop3A_295 = vector.broadcast %parallel_loop3A_294 : i32 to vector<16xi32>
        %parallel_loop3A_296 = arith.andi %parallel_loop3A_288, %parallel_loop3A_295 : vector<16xi32>
        %parallel_loop3A_297 = arith.index_cast %parallel_loop3A_286 : i32 to index
        %parallel_loop3A_298 = tpu.vector_load %arg16[%parallel_loop3A_297] {strides = array<i32>} : memref<80xi32, #tpu.memory_space<vmem>>, vector<16xi32>,
        tpu.vector_store %arg16[%parallel_loop3A_297], %parallel_loop3A_296 {strides = array<i32>} : memref<80xi32, #tpu.memory_space<vmem>>, vector<16xi32>,
      } {sc.loop_unroll_factor = 5 : i64, sc.parallel_access}
      %dma_start3A_145 = arith.constant 0 : i32
      %dma_start3A_146 = arith.constant 0 : i32
      %dma_start3A_147 = tpu.memref_slice %arg5[%dma_start3A_145, %dma_start3A_146] : memref<10000x128xf32, #tpu.memory_space<hbm>> -> memref<10000x128xf32, #tpu.memory_space<hbm>>
      tpu.enqueue_indirect_dma source(%dma_start3A_147 : memref<10000x128xf32, #tpu.memory_space<hbm>>) target(%arg19 : memref<80x128xf32, #tpu.memory_space<vmem>>) offsets(%arg13 : memref<80xi32, #tpu.memory_space<vmem>>) semaphore(%arg40 : memref<!tpu.dma_semaphore, #tpu.memory_space<semaphore_mem>>)
      %dma_start3A_148 = arith.constant 0 : i32
      %dma_start3A_149 = tpu.memref_slice %arg37[%dma_start3A_148] : memref<10000xf32, #tpu.memory_space<vmem_shared>> -> memref<10000xf32, #tpu.memory_space<vmem_shared>>
      tpu.enqueue_indirect_dma source(%dma_start3A_149 : memref<10000xf32, #tpu.memory_space<vmem_shared>>) target(%arg25 : memref<80xf32, #tpu.memory_space<vmem>>) offsets(%arg13 : memref<80xi32, #tpu.memory_space<vmem>>) semaphore(%arg43 : memref<!tpu.dma_semaphore, #tpu.memory_space<semaphore_mem>>)
      %dma_start3A_150 = arith.constant 0 : i32
      %dma_start3A_151 = tpu.memref_slice %arg38[%dma_start3A_150] : memref<10000xf32, #tpu.memory_space<vmem_shared>> -> memref<10000xf32, #tpu.memory_space<vmem_shared>>
      tpu.enqueue_indirect_dma source(%dma_start3A_151 : memref<10000xf32, #tpu.memory_space<vmem_shared>>) target(%arg28 : memref<80xf32, #tpu.memory_space<vmem>>) offsets(%arg16 : memref<80xi32, #tpu.memory_space<vmem>>) semaphore(%arg43 : memref<!tpu.dma_semaphore, #tpu.memory_space<semaphore_mem>>)
      %add3A_152 = arith.constant 2 : i32
      %add3A_153 = arith.addi %add3A_134, %add3A_152 : i32
      %mul3A_154 = arith.constant 80 : i32
      %mul3A_155 = arith.muli %add3A_153, %mul3A_154 : i32
      %add3A_156 = arith.addi %mul3A_20, %mul3A_155 : i32
      %dma_start3A_157 = tpu.memref_slice %arg2[%add3A_156] : memref<320000xi32, #tpu.memory_space<hbm>> -> memref<80xi32, #tpu.memory_space<hbm>>
      %dma_start3A_158 = tpu.memref_slice %arg2[%add3A_156] : memref<320000xi32, #tpu.memory_space<hbm>> -> memref<80xi32, #tpu.memory_space<hbm>>
      tpu.enqueue_dma source(%dma_start3A_158 : memref<80xi32, #tpu.memory_space<hbm>>) target(%arg32 : memref<80xi32, #tpu.memory_space<vmem>>) target_semaphore(%arg50 : memref<!tpu.dma_semaphore, #tpu.memory_space<semaphore_mem>>)
      %dma_wait3A_159 = arith.constant 0 : i32
      %dma_wait3A_160 = tpu.memref_slice %arg37[%dma_wait3A_159] : memref<10000xf32, #tpu.memory_space<vmem_shared>> -> memref<10000xf32, #tpu.memory_space<vmem_shared>>
      tpu.wait_indirect_dma semaphore(%arg42 : memref<!tpu.dma_semaphore, #tpu.memory_space<semaphore_mem>>) src(%dma_wait3A_160 : memref<10000xf32, #tpu.memory_space<vmem_shared>>) dst(%arg24 : memref<80xf32, #tpu.memory_space<vmem>>)
      %dma_wait3A_161 = arith.constant 0 : i32
      %dma_wait3A_162 = tpu.memref_slice %arg38[%dma_wait3A_161] : memref<10000xf32, #tpu.memory_space<vmem_shared>> -> memref<10000xf32, #tpu.memory_space<vmem_shared>>
      tpu.wait_indirect_dma semaphore(%arg42 : memref<!tpu.dma_semaphore, #tpu.memory_space<semaphore_mem>>) src(%dma_wait3A_162 : memref<10000xf32, #tpu.memory_space<vmem_shared>>) dst(%arg27 : memref<80xf32, #tpu.memory_space<vmem>>)
      %parallel_loop3A_163 = arith.constant 0 : i32
      %parallel_loop3A_164 = arith.constant 5 : i32
      %parallel_loop3A_165 = arith.constant 1 : i32
      scf.for %parallel_loop3A_284 = %parallel_loop3A_163 to %parallel_loop3A_164 step %parallel_loop3A_165  : i32 {
        %parallel_loop3A_285 = arith.constant 16 : i32
        %parallel_loop3A_286 = arith.muli %parallel_loop3A_284, %parallel_loop3A_285 : i32
        %parallel_loop3A_287 = arith.index_cast %parallel_loop3A_286 : i32 to index
        %parallel_loop3A_288 = tpu.vector_load %arg24[%parallel_loop3A_287] {strides = array<i32>} : memref<80xf32, #tpu.memory_space<vmem>>, vector<16xf32>,
        %parallel_loop3A_289 = arith.constant 16 : i32
        %parallel_loop3A_290 = arith.muli %parallel_loop3A_284, %parallel_loop3A_289 : i32
        %parallel_loop3A_291 = arith.index_cast %parallel_loop3A_290 : i32 to index
        %parallel_loop3A_292 = tpu.vector_load %arg27[%parallel_loop3A_291] {strides = array<i32>} : memref<80xf32, #tpu.memory_space<vmem>>, vector<16xf32>,
        %parallel_loop3A_293 = arith.addf %parallel_loop3A_288, %parallel_loop3A_292 : vector<16xf32>
        %parallel_loop3A_294 = arith.constant 0.000000e+00 : f32
        %parallel_loop3A_295 = vector.broadcast %parallel_loop3A_294 : f32 to vector<16xf32>
        %parallel_loop3A_296 = arith.cmpf oge, %parallel_loop3A_293, %parallel_loop3A_295 : vector<16xf32>
        %parallel_loop3A_297 = arith.constant 2.000000e-01 : f32
        %parallel_loop3A_298 = vector.broadcast %parallel_loop3A_297 : f32 to vector<16xf32>
        %parallel_loop3A_299 = arith.mulf %parallel_loop3A_298, %parallel_loop3A_293 : vector<16xf32>
        %parallel_loop3A_300 = arith.select %parallel_loop3A_296, %parallel_loop3A_293, %parallel_loop3A_299 : vector<16xi1>, vector<16xf32>
        %parallel_loop3A_301 = arith.subf %parallel_loop3A_300, %get3A_18 : vector<16xf32>
        %parallel_loop3A_302 = math.exp %parallel_loop3A_301 : vector<16xf32>
        %parallel_loop3A_303 = arith.constant 16 : i32
        %parallel_loop3A_304 = arith.muli %parallel_loop3A_284, %parallel_loop3A_303 : i32
        %parallel_loop3A_305 = arith.index_cast %parallel_loop3A_304 : i32 to index
        %parallel_loop3A_306 = tpu.vector_load %arg21[%parallel_loop3A_305] {strides = array<i32>} : memref<80xf32, #tpu.memory_space<vmem>>, vector<16xf32>,
        tpu.vector_store %arg21[%parallel_loop3A_305], %parallel_loop3A_302 {strides = array<i32>} : memref<80xf32, #tpu.memory_space<vmem>>, vector<16xf32>,
      } {sc.loop_unroll_factor = 5 : i64, sc.parallel_access}
      %dma_wait3A_166 = arith.constant 0 : i32
      %dma_wait3A_167 = arith.constant 0 : i32
      %dma_wait3A_168 = tpu.memref_slice %arg5[%dma_wait3A_166, %dma_wait3A_167] : memref<10000x128xf32, #tpu.memory_space<hbm>> -> memref<10000x128xf32, #tpu.memory_space<hbm>>
      tpu.wait_indirect_dma semaphore(%arg39 : memref<!tpu.dma_semaphore, #tpu.memory_space<semaphore_mem>>) src(%dma_wait3A_168 : memref<10000x128xf32, #tpu.memory_space<hbm>>) dst(%arg18 : memref<80x128xf32, #tpu.memory_space<vmem>>)
      %parallel_loop3A_169 = arith.constant 0 : i32
      %parallel_loop3A_170 = arith.constant 80 : i32
      %parallel_loop3A_171 = arith.constant 1 : i32
      scf.for %parallel_loop3A_284 = %parallel_loop3A_169 to %parallel_loop3A_170 step %parallel_loop3A_171  : i32 {
        %parallel_loop3A_285 = arith.constant 0 : i32
        %parallel_loop3A_286 = vector.broadcast %parallel_loop3A_285 : i32 to vector<16xi32>
        %parallel_loop3A_287 = vector.broadcast %parallel_loop3A_284 : i32 to vector<16xi32>
        %parallel_loop3A_288 = arith.addi %parallel_loop3A_286, %parallel_loop3A_287 : vector<16xi32>
        %parallel_loop3A_289 = tpu.vector_load_idx %arg21[%parallel_loop3A_288] : memref<80xf32, #tpu.memory_space<vmem>>[vector<16xi32>], vector<16xf32>,
        %parallel_loop3A_290 = arith.index_cast %parallel_loop3A_284 : i32 to index
        %parallel_loop3A_291 = arith.constant 0 : index
        %parallel_loop3A_292 = tpu.vector_load %arg18[%parallel_loop3A_290, %parallel_loop3A_291] {strides = array<i32>} : memref<80x128xf32, #tpu.memory_space<vmem>>, vector<16xf32>,
        %parallel_loop3A_293 = arith.mulf %parallel_loop3A_292, %parallel_loop3A_289 : vector<16xf32>
        %parallel_loop3A_294 = arith.index_cast %parallel_loop3A_284 : i32 to index
        %parallel_loop3A_295 = arith.constant 0 : index
        %parallel_loop3A_296 = tpu.vector_load %arg18[%parallel_loop3A_294, %parallel_loop3A_295] {strides = array<i32>} : memref<80x128xf32, #tpu.memory_space<vmem>>, vector<16xf32>,
        tpu.vector_store %arg18[%parallel_loop3A_294, %parallel_loop3A_295], %parallel_loop3A_293 {strides = array<i32>} : memref<80x128xf32, #tpu.memory_space<vmem>>, vector<16xf32>,
        %parallel_loop3A_297 = arith.index_cast %parallel_loop3A_284 : i32 to index
        %parallel_loop3A_298 = arith.constant 16 : index
        %parallel_loop3A_299 = tpu.vector_load %arg18[%parallel_loop3A_297, %parallel_loop3A_298] {strides = array<i32>} : memref<80x128xf32, #tpu.memory_space<vmem>>, vector<16xf32>,
        %parallel_loop3A_300 = arith.mulf %parallel_loop3A_299, %parallel_loop3A_289 : vector<16xf32>
        %parallel_loop3A_301 = arith.index_cast %parallel_loop3A_284 : i32 to index
        %parallel_loop3A_302 = arith.constant 16 : index
        %parallel_loop3A_303 = tpu.vector_load %arg18[%parallel_loop3A_301, %parallel_loop3A_302] {strides = array<i32>} : memref<80x128xf32, #tpu.memory_space<vmem>>, vector<16xf32>,
        tpu.vector_store %arg18[%parallel_loop3A_301, %parallel_loop3A_302], %parallel_loop3A_300 {strides = array<i32>} : memref<80x128xf32, #tpu.memory_space<vmem>>, vector<16xf32>,
        %parallel_loop3A_304 = arith.index_cast %parallel_loop3A_284 : i32 to index
        %parallel_loop3A_305 = arith.constant 32 : index
        %parallel_loop3A_306 = tpu.vector_load %arg18[%parallel_loop3A_304, %parallel_loop3A_305] {strides = array<i32>} : memref<80x128xf32, #tpu.memory_space<vmem>>, vector<16xf32>,
        %parallel_loop3A_307 = arith.mulf %parallel_loop3A_306, %parallel_loop3A_289 : vector<16xf32>
        %parallel_loop3A_308 = arith.index_cast %parallel_loop3A_284 : i32 to index
        %parallel_loop3A_309 = arith.constant 32 : index
        %parallel_loop3A_310 = tpu.vector_load %arg18[%parallel_loop3A_308, %parallel_loop3A_309] {strides = array<i32>} : memref<80x128xf32, #tpu.memory_space<vmem>>, vector<16xf32>,
        tpu.vector_store %arg18[%parallel_loop3A_308, %parallel_loop3A_309], %parallel_loop3A_307 {strides = array<i32>} : memref<80x128xf32, #tpu.memory_space<vmem>>, vector<16xf32>,
        %parallel_loop3A_311 = arith.index_cast %parallel_loop3A_284 : i32 to index
        %parallel_loop3A_312 = arith.constant 48 : index
        %parallel_loop3A_313 = tpu.vector_load %arg18[%parallel_loop3A_311, %parallel_loop3A_312] {strides = array<i32>} : memref<80x128xf32, #tpu.memory_space<vmem>>, vector<16xf32>,
        %parallel_loop3A_314 = arith.mulf %parallel_loop3A_313, %parallel_loop3A_289 : vector<16xf32>
        %parallel_loop3A_315 = arith.index_cast %parallel_loop3A_284 : i32 to index
        %parallel_loop3A_316 = arith.constant 48 : index
        %parallel_loop3A_317 = tpu.vector_load %arg18[%parallel_loop3A_315, %parallel_loop3A_316] {strides = array<i32>} : memref<80x128xf32, #tpu.memory_space<vmem>>, vector<16xf32>,
        tpu.vector_store %arg18[%parallel_loop3A_315, %parallel_loop3A_316], %parallel_loop3A_314 {strides = array<i32>} : memref<80x128xf32, #tpu.memory_space<vmem>>, vector<16xf32>,
        %parallel_loop3A_318 = arith.index_cast %parallel_loop3A_284 : i32 to index
        %parallel_loop3A_319 = arith.constant 64 : index
        %parallel_loop3A_320 = tpu.vector_load %arg18[%parallel_loop3A_318, %parallel_loop3A_319] {strides = array<i32>} : memref<80x128xf32, #tpu.memory_space<vmem>>, vector<16xf32>,
        %parallel_loop3A_321 = arith.mulf %parallel_loop3A_320, %parallel_loop3A_289 : vector<16xf32>
        %parallel_loop3A_322 = arith.index_cast %parallel_loop3A_284 : i32 to index
        %parallel_loop3A_323 = arith.constant 64 : index
        %parallel_loop3A_324 = tpu.vector_load %arg18[%parallel_loop3A_322, %parallel_loop3A_323] {strides = array<i32>} : memref<80x128xf32, #tpu.memory_space<vmem>>, vector<16xf32>,
        tpu.vector_store %arg18[%parallel_loop3A_322, %parallel_loop3A_323], %parallel_loop3A_321 {strides = array<i32>} : memref<80x128xf32, #tpu.memory_space<vmem>>, vector<16xf32>,
        %parallel_loop3A_325 = arith.index_cast %parallel_loop3A_284 : i32 to index
        %parallel_loop3A_326 = arith.constant 80 : index
        %parallel_loop3A_327 = tpu.vector_load %arg18[%parallel_loop3A_325, %parallel_loop3A_326] {strides = array<i32>} : memref<80x128xf32, #tpu.memory_space<vmem>>, vector<16xf32>,
        %parallel_loop3A_328 = arith.mulf %parallel_loop3A_327, %parallel_loop3A_289 : vector<16xf32>
        %parallel_loop3A_329 = arith.index_cast %parallel_loop3A_284 : i32 to index
        %parallel_loop3A_330 = arith.constant 80 : index
        %parallel_loop3A_331 = tpu.vector_load %arg18[%parallel_loop3A_329, %parallel_loop3A_330] {strides = array<i32>} : memref<80x128xf32, #tpu.memory_space<vmem>>, vector<16xf32>,
        tpu.vector_store %arg18[%parallel_loop3A_329, %parallel_loop3A_330], %parallel_loop3A_328 {strides = array<i32>} : memref<80x128xf32, #tpu.memory_space<vmem>>, vector<16xf32>,
        %parallel_loop3A_332 = arith.index_cast %parallel_loop3A_284 : i32 to index
        %parallel_loop3A_333 = arith.constant 96 : index
        %parallel_loop3A_334 = tpu.vector_load %arg18[%parallel_loop3A_332, %parallel_loop3A_333] {strides = array<i32>} : memref<80x128xf32, #tpu.memory_space<vmem>>, vector<16xf32>,
        %parallel_loop3A_335 = arith.mulf %parallel_loop3A_334, %parallel_loop3A_289 : vector<16xf32>
        %parallel_loop3A_336 = arith.index_cast %parallel_loop3A_284 : i32 to index
        %parallel_loop3A_337 = arith.constant 96 : index
        %parallel_loop3A_338 = tpu.vector_load %arg18[%parallel_loop3A_336, %parallel_loop3A_337] {strides = array<i32>} : memref<80x128xf32, #tpu.memory_space<vmem>>, vector<16xf32>,
        tpu.vector_store %arg18[%parallel_loop3A_336, %parallel_loop3A_337], %parallel_loop3A_335 {strides = array<i32>} : memref<80x128xf32, #tpu.memory_space<vmem>>, vector<16xf32>,
        %parallel_loop3A_339 = arith.index_cast %parallel_loop3A_284 : i32 to index
        %parallel_loop3A_340 = arith.constant 112 : index
        %parallel_loop3A_341 = tpu.vector_load %arg18[%parallel_loop3A_339, %parallel_loop3A_340] {strides = array<i32>} : memref<80x128xf32, #tpu.memory_space<vmem>>, vector<16xf32>,
        %parallel_loop3A_342 = arith.mulf %parallel_loop3A_341, %parallel_loop3A_289 : vector<16xf32>
        %parallel_loop3A_343 = arith.index_cast %parallel_loop3A_284 : i32 to index
        %parallel_loop3A_344 = arith.constant 112 : index
        %parallel_loop3A_345 = tpu.vector_load %arg18[%parallel_loop3A_343, %parallel_loop3A_344] {strides = array<i32>} : memref<80x128xf32, #tpu.memory_space<vmem>>, vector<16xf32>,
        tpu.vector_store %arg18[%parallel_loop3A_343, %parallel_loop3A_344], %parallel_loop3A_342 {strides = array<i32>} : memref<80x128xf32, #tpu.memory_space<vmem>>, vector<16xf32>,
      } {sc.loop_unroll_factor = 2 : i64, sc.parallel_access}
      %dma_start3A_172 = arith.constant 0 : i32
      %dma_start3A_173 = arith.constant 0 : i32
      %dma_start3A_174 = tpu.memref_slice %arg35[%dma_start3A_172, %dma_start3A_173] : memref<10240x128xf32, #tpu.memory_space<vmem_shared>> -> memref<10240x128xf32, #tpu.memory_space<vmem_shared>>
      tpu.enqueue_indirect_dma source(%arg18 : memref<80x128xf32, #tpu.memory_space<vmem>>) target(%dma_start3A_174 : memref<10240x128xf32, #tpu.memory_space<vmem_shared>>) offsets(%arg15 : memref<80xi32, #tpu.memory_space<vmem>>) semaphore(%arg45 : memref<!tpu.dma_semaphore, #tpu.memory_space<semaphore_mem>>) {add = true}
      %dma_start3A_175 = arith.constant 0 : i32
      %dma_start3A_176 = tpu.memref_slice %arg36[%dma_start3A_175] : memref<10240xf32, #tpu.memory_space<vmem_shared>> -> memref<10240xf32, #tpu.memory_space<vmem_shared>>
      tpu.enqueue_indirect_dma source(%arg21 : memref<80xf32, #tpu.memory_space<vmem>>) target(%dma_start3A_176 : memref<10240xf32, #tpu.memory_space<vmem_shared>>) offsets(%arg15 : memref<80xi32, #tpu.memory_space<vmem>>) semaphore(%arg45 : memref<!tpu.dma_semaphore, #tpu.memory_space<semaphore_mem>>) {add = true}
      %gt3A = arith.constant 0 : i32
      %gt3A_177 = arith.cmpi sgt, %scan3A_129, %gt3A : i32
      %convert_element_type3A_178 = arith.extui %gt3A_177 : i1 to i32
      %cond3A_179 = arith.constant 0 : i32
      %cond3A_180 = arith.cmpi ne, %convert_element_type3A_178, %cond3A_179 : i32
      scf.if %cond3A_180 {
        %dma_wait3A_284 = arith.constant 0 : i32
        %dma_wait3A_285 = arith.constant 0 : i32
        %dma_wait3A_286 = tpu.memref_slice %arg35[%dma_wait3A_284, %dma_wait3A_285] : memref<10240x128xf32, #tpu.memory_space<vmem_shared>> -> memref<10240x128xf32, #tpu.memory_space<vmem_shared>>
        tpu.wait_indirect_dma semaphore(%arg47 : memref<!tpu.dma_semaphore, #tpu.memory_space<semaphore_mem>>) src(%arg20 : memref<80x128xf32, #tpu.memory_space<vmem>>) dst(%dma_wait3A_286 : memref<10240x128xf32, #tpu.memory_space<vmem_shared>>)
        %dma_wait3A_287 = arith.constant 0 : i32
        %dma_wait3A_288 = tpu.memref_slice %arg36[%dma_wait3A_287] : memref<10240xf32, #tpu.memory_space<vmem_shared>> -> memref<10240xf32, #tpu.memory_space<vmem_shared>>
        tpu.wait_indirect_dma semaphore(%arg47 : memref<!tpu.dma_semaphore, #tpu.memory_space<semaphore_mem>>) src(%arg23 : memref<80xf32, #tpu.memory_space<vmem>>) dst(%dma_wait3A_288 : memref<10240xf32, #tpu.memory_space<vmem_shared>>)
      } else {
      }
      %mul3A_181 = arith.constant 3 : i32
      %mul3A_182 = arith.muli %mul3A_181, %scan3A_129 : i32
      %add3A_183 = arith.constant 1 : i32
      %add3A_184 = arith.addi %mul3A_182, %add3A_183 : i32
      %add3A_185 = arith.constant 1 : i32
      %add3A_186 = arith.addi %add3A_184, %add3A_185 : i32
      %mul3A_187 = arith.constant 80 : i32
      %mul3A_188 = arith.muli %add3A_186, %mul3A_187 : i32
      %add3A_189 = arith.addi %mul3A_20, %mul3A_188 : i32
      %dma_wait3A_190 = tpu.memref_slice %arg2[%add3A_189] : memref<320000xi32, #tpu.memory_space<hbm>> -> memref<80xi32, #tpu.memory_space<hbm>>
      %dma_wait3A_191 = tpu.memref_slice %arg2[%add3A_189] : memref<320000xi32, #tpu.memory_space<hbm>> -> memref<80xi32, #tpu.memory_space<hbm>>
      tpu.wait_dma2 semaphore(%arg50 : memref<!tpu.dma_semaphore, #tpu.memory_space<semaphore_mem>>) src(%dma_wait3A_191 : memref<80xi32, #tpu.memory_space<hbm>>) dst(%arg32 : memref<80xi32, #tpu.memory_space<vmem>>)
      %parallel_loop3A_192 = arith.constant 0 : i32
      %parallel_loop3A_193 = arith.constant 5 : i32
      %parallel_loop3A_194 = arith.constant 1 : i32
      scf.for %parallel_loop3A_284 = %parallel_loop3A_192 to %parallel_loop3A_193 step %parallel_loop3A_194  : i32 {
        %parallel_loop3A_285 = arith.constant 16 : i32
        %parallel_loop3A_286 = arith.muli %parallel_loop3A_284, %parallel_loop3A_285 : i32
        %parallel_loop3A_287 = arith.index_cast %parallel_loop3A_286 : i32 to index
        %parallel_loop3A_288 = tpu.vector_load %arg32[%parallel_loop3A_287] {strides = array<i32>} : memref<80xi32, #tpu.memory_space<vmem>>, vector<16xi32>,
        %parallel_loop3A_289 = arith.constant 16 : i32
        %parallel_loop3A_290 = vector.broadcast %parallel_loop3A_289 : i32 to vector<16xi32>
        %parallel_loop3A_291 = arith.shrui %parallel_loop3A_288, %parallel_loop3A_290 : vector<16xi32>
        %parallel_loop3A_292 = arith.index_cast %parallel_loop3A_286 : i32 to index
        %parallel_loop3A_293 = tpu.vector_load %arg14[%parallel_loop3A_292] {strides = array<i32>} : memref<80xi32, #tpu.memory_space<vmem>>, vector<16xi32>,
        tpu.vector_store %arg14[%parallel_loop3A_292], %parallel_loop3A_291 {strides = array<i32>} : memref<80xi32, #tpu.memory_space<vmem>>, vector<16xi32>,
        %parallel_loop3A_294 = arith.constant 65535 : i32
        %parallel_loop3A_295 = vector.broadcast %parallel_loop3A_294 : i32 to vector<16xi32>
        %parallel_loop3A_296 = arith.andi %parallel_loop3A_288, %parallel_loop3A_295 : vector<16xi32>
        %parallel_loop3A_297 = arith.index_cast %parallel_loop3A_286 : i32 to index
        %parallel_loop3A_298 = tpu.vector_load %arg17[%parallel_loop3A_297] {strides = array<i32>} : memref<80xi32, #tpu.memory_space<vmem>>, vector<16xi32>,
        tpu.vector_store %arg17[%parallel_loop3A_297], %parallel_loop3A_296 {strides = array<i32>} : memref<80xi32, #tpu.memory_space<vmem>>, vector<16xi32>,
      } {sc.loop_unroll_factor = 5 : i64, sc.parallel_access}
      %dma_start3A_195 = arith.constant 0 : i32
      %dma_start3A_196 = arith.constant 0 : i32
      %dma_start3A_197 = tpu.memref_slice %arg5[%dma_start3A_195, %dma_start3A_196] : memref<10000x128xf32, #tpu.memory_space<hbm>> -> memref<10000x128xf32, #tpu.memory_space<hbm>>
      tpu.enqueue_indirect_dma source(%dma_start3A_197 : memref<10000x128xf32, #tpu.memory_space<hbm>>) target(%arg20 : memref<80x128xf32, #tpu.memory_space<vmem>>) offsets(%arg14 : memref<80xi32, #tpu.memory_space<vmem>>) semaphore(%arg41 : memref<!tpu.dma_semaphore, #tpu.memory_space<semaphore_mem>>)
      %dma_start3A_198 = arith.constant 0 : i32
      %dma_start3A_199 = tpu.memref_slice %arg37[%dma_start3A_198] : memref<10000xf32, #tpu.memory_space<vmem_shared>> -> memref<10000xf32, #tpu.memory_space<vmem_shared>>
      tpu.enqueue_indirect_dma source(%dma_start3A_199 : memref<10000xf32, #tpu.memory_space<vmem_shared>>) target(%arg26 : memref<80xf32, #tpu.memory_space<vmem>>) offsets(%arg14 : memref<80xi32, #tpu.memory_space<vmem>>) semaphore(%arg44 : memref<!tpu.dma_semaphore, #tpu.memory_space<semaphore_mem>>)
      %dma_start3A_200 = arith.constant 0 : i32
      %dma_start3A_201 = tpu.memref_slice %arg38[%dma_start3A_200] : memref<10000xf32, #tpu.memory_space<vmem_shared>> -> memref<10000xf32, #tpu.memory_space<vmem_shared>>
      tpu.enqueue_indirect_dma source(%dma_start3A_201 : memref<10000xf32, #tpu.memory_space<vmem_shared>>) target(%arg29 : memref<80xf32, #tpu.memory_space<vmem>>) offsets(%arg17 : memref<80xi32, #tpu.memory_space<vmem>>) semaphore(%arg44 : memref<!tpu.dma_semaphore, #tpu.memory_space<semaphore_mem>>)
      %add3A_202 = arith.constant 2 : i32
      %add3A_203 = arith.addi %add3A_184, %add3A_202 : i32
      %mul3A_204 = arith.constant 80 : i32
      %mul3A_205 = arith.muli %add3A_203, %mul3A_204 : i32
      %add3A_206 = arith.addi %mul3A_20, %mul3A_205 : i32
      %dma_start3A_207 = tpu.memref_slice %arg2[%add3A_206] : memref<320000xi32, #tpu.memory_space<hbm>> -> memref<80xi32, #tpu.memory_space<hbm>>
      %dma_start3A_208 = tpu.memref_slice %arg2[%add3A_206] : memref<320000xi32, #tpu.memory_space<hbm>> -> memref<80xi32, #tpu.memory_space<hbm>>
      tpu.enqueue_dma source(%dma_start3A_208 : memref<80xi32, #tpu.memory_space<hbm>>) target(%arg30 : memref<80xi32, #tpu.memory_space<vmem>>) target_semaphore(%arg48 : memref<!tpu.dma_semaphore, #tpu.memory_space<semaphore_mem>>)
      %dma_wait3A_209 = arith.constant 0 : i32
      %dma_wait3A_210 = tpu.memref_slice %arg37[%dma_wait3A_209] : memref<10000xf32, #tpu.memory_space<vmem_shared>> -> memref<10000xf32, #tpu.memory_space<vmem_shared>>
      tpu.wait_indirect_dma semaphore(%arg43 : memref<!tpu.dma_semaphore, #tpu.memory_space<semaphore_mem>>) src(%dma_wait3A_210 : memref<10000xf32, #tpu.memory_space<vmem_shared>>) dst(%arg25 : memref<80xf32, #tpu.memory_space<vmem>>)
      %dma_wait3A_211 = arith.constant 0 : i32
      %dma_wait3A_212 = tpu.memref_slice %arg38[%dma_wait3A_211] : memref<10000xf32, #tpu.memory_space<vmem_shared>> -> memref<10000xf32, #tpu.memory_space<vmem_shared>>
      tpu.wait_indirect_dma semaphore(%arg43 : memref<!tpu.dma_semaphore, #tpu.memory_space<semaphore_mem>>) src(%dma_wait3A_212 : memref<10000xf32, #tpu.memory_space<vmem_shared>>) dst(%arg28 : memref<80xf32, #tpu.memory_space<vmem>>)
      %parallel_loop3A_213 = arith.constant 0 : i32
      %parallel_loop3A_214 = arith.constant 5 : i32
      %parallel_loop3A_215 = arith.constant 1 : i32
      scf.for %parallel_loop3A_284 = %parallel_loop3A_213 to %parallel_loop3A_214 step %parallel_loop3A_215  : i32 {
        %parallel_loop3A_285 = arith.constant 16 : i32
        %parallel_loop3A_286 = arith.muli %parallel_loop3A_284, %parallel_loop3A_285 : i32
        %parallel_loop3A_287 = arith.index_cast %parallel_loop3A_286 : i32 to index
        %parallel_loop3A_288 = tpu.vector_load %arg25[%parallel_loop3A_287] {strides = array<i32>} : memref<80xf32, #tpu.memory_space<vmem>>, vector<16xf32>,
        %parallel_loop3A_289 = arith.constant 16 : i32
        %parallel_loop3A_290 = arith.muli %parallel_loop3A_284, %parallel_loop3A_289 : i32
        %parallel_loop3A_291 = arith.index_cast %parallel_loop3A_290 : i32 to index
        %parallel_loop3A_292 = tpu.vector_load %arg28[%parallel_loop3A_291] {strides = array<i32>} : memref<80xf32, #tpu.memory_space<vmem>>, vector<16xf32>,
        %parallel_loop3A_293 = arith.addf %parallel_loop3A_288, %parallel_loop3A_292 : vector<16xf32>
        %parallel_loop3A_294 = arith.constant 0.000000e+00 : f32
        %parallel_loop3A_295 = vector.broadcast %parallel_loop3A_294 : f32 to vector<16xf32>
        %parallel_loop3A_296 = arith.cmpf oge, %parallel_loop3A_293, %parallel_loop3A_295 : vector<16xf32>
        %parallel_loop3A_297 = arith.constant 2.000000e-01 : f32
        %parallel_loop3A_298 = vector.broadcast %parallel_loop3A_297 : f32 to vector<16xf32>
        %parallel_loop3A_299 = arith.mulf %parallel_loop3A_298, %parallel_loop3A_293 : vector<16xf32>
        %parallel_loop3A_300 = arith.select %parallel_loop3A_296, %parallel_loop3A_293, %parallel_loop3A_299 : vector<16xi1>, vector<16xf32>
        %parallel_loop3A_301 = arith.subf %parallel_loop3A_300, %get3A_18 : vector<16xf32>
        %parallel_loop3A_302 = math.exp %parallel_loop3A_301 : vector<16xf32>
        %parallel_loop3A_303 = arith.constant 16 : i32
        %parallel_loop3A_304 = arith.muli %parallel_loop3A_284, %parallel_loop3A_303 : i32
        %parallel_loop3A_305 = arith.index_cast %parallel_loop3A_304 : i32 to index
        %parallel_loop3A_306 = tpu.vector_load %arg22[%parallel_loop3A_305] {strides = array<i32>} : memref<80xf32, #tpu.memory_space<vmem>>, vector<16xf32>,
        tpu.vector_store %arg22[%parallel_loop3A_305], %parallel_loop3A_302 {strides = array<i32>} : memref<80xf32, #tpu.memory_space<vmem>>, vector<16xf32>,
      } {sc.loop_unroll_factor = 5 : i64, sc.parallel_access}
      %dma_wait3A_216 = arith.constant 0 : i32
      %dma_wait3A_217 = arith.constant 0 : i32
      %dma_wait3A_218 = tpu.memref_slice %arg5[%dma_wait3A_216, %dma_wait3A_217] : memref<10000x128xf32, #tpu.memory_space<hbm>> -> memref<10000x128xf32, #tpu.memory_space<hbm>>
      tpu.wait_indirect_dma semaphore(%arg40 : memref<!tpu.dma_semaphore, #tpu.memory_space<semaphore_mem>>) src(%dma_wait3A_218 : memref<10000x128xf32, #tpu.memory_space<hbm>>) dst(%arg19 : memref<80x128xf32, #tpu.memory_space<vmem>>)
      %parallel_loop3A_219 = arith.constant 0 : i32
      %parallel_loop3A_220 = arith.constant 80 : i32
      %parallel_loop3A_221 = arith.constant 1 : i32
      scf.for %parallel_loop3A_284 = %parallel_loop3A_219 to %parallel_loop3A_220 step %parallel_loop3A_221  : i32 {
        %parallel_loop3A_285 = arith.constant 0 : i32
        %parallel_loop3A_286 = vector.broadcast %parallel_loop3A_285 : i32 to vector<16xi32>
        %parallel_loop3A_287 = vector.broadcast %parallel_loop3A_284 : i32 to vector<16xi32>
        %parallel_loop3A_288 = arith.addi %parallel_loop3A_286, %parallel_loop3A_287 : vector<16xi32>
        %parallel_loop3A_289 = tpu.vector_load_idx %arg22[%parallel_loop3A_288] : memref<80xf32, #tpu.memory_space<vmem>>[vector<16xi32>], vector<16xf32>,
        %parallel_loop3A_290 = arith.index_cast %parallel_loop3A_284 : i32 to index
        %parallel_loop3A_291 = arith.constant 0 : index
        %parallel_loop3A_292 = tpu.vector_load %arg19[%parallel_loop3A_290, %parallel_loop3A_291] {strides = array<i32>} : memref<80x128xf32, #tpu.memory_space<vmem>>, vector<16xf32>,
        %parallel_loop3A_293 = arith.mulf %parallel_loop3A_292, %parallel_loop3A_289 : vector<16xf32>
        %parallel_loop3A_294 = arith.index_cast %parallel_loop3A_284 : i32 to index
        %parallel_loop3A_295 = arith.constant 0 : index
        %parallel_loop3A_296 = tpu.vector_load %arg19[%parallel_loop3A_294, %parallel_loop3A_295] {strides = array<i32>} : memref<80x128xf32, #tpu.memory_space<vmem>>, vector<16xf32>,
        tpu.vector_store %arg19[%parallel_loop3A_294, %parallel_loop3A_295], %parallel_loop3A_293 {strides = array<i32>} : memref<80x128xf32, #tpu.memory_space<vmem>>, vector<16xf32>,
        %parallel_loop3A_297 = arith.index_cast %parallel_loop3A_284 : i32 to index
        %parallel_loop3A_298 = arith.constant 16 : index
        %parallel_loop3A_299 = tpu.vector_load %arg19[%parallel_loop3A_297, %parallel_loop3A_298] {strides = array<i32>} : memref<80x128xf32, #tpu.memory_space<vmem>>, vector<16xf32>,
        %parallel_loop3A_300 = arith.mulf %parallel_loop3A_299, %parallel_loop3A_289 : vector<16xf32>
        %parallel_loop3A_301 = arith.index_cast %parallel_loop3A_284 : i32 to index
        %parallel_loop3A_302 = arith.constant 16 : index
        %parallel_loop3A_303 = tpu.vector_load %arg19[%parallel_loop3A_301, %parallel_loop3A_302] {strides = array<i32>} : memref<80x128xf32, #tpu.memory_space<vmem>>, vector<16xf32>,
        tpu.vector_store %arg19[%parallel_loop3A_301, %parallel_loop3A_302], %parallel_loop3A_300 {strides = array<i32>} : memref<80x128xf32, #tpu.memory_space<vmem>>, vector<16xf32>,
        %parallel_loop3A_304 = arith.index_cast %parallel_loop3A_284 : i32 to index
        %parallel_loop3A_305 = arith.constant 32 : index
        %parallel_loop3A_306 = tpu.vector_load %arg19[%parallel_loop3A_304, %parallel_loop3A_305] {strides = array<i32>} : memref<80x128xf32, #tpu.memory_space<vmem>>, vector<16xf32>,
        %parallel_loop3A_307 = arith.mulf %parallel_loop3A_306, %parallel_loop3A_289 : vector<16xf32>
        %parallel_loop3A_308 = arith.index_cast %parallel_loop3A_284 : i32 to index
        %parallel_loop3A_309 = arith.constant 32 : index
        %parallel_loop3A_310 = tpu.vector_load %arg19[%parallel_loop3A_308, %parallel_loop3A_309] {strides = array<i32>} : memref<80x128xf32, #tpu.memory_space<vmem>>, vector<16xf32>,
        tpu.vector_store %arg19[%parallel_loop3A_308, %parallel_loop3A_309], %parallel_loop3A_307 {strides = array<i32>} : memref<80x128xf32, #tpu.memory_space<vmem>>, vector<16xf32>,
        %parallel_loop3A_311 = arith.index_cast %parallel_loop3A_284 : i32 to index
        %parallel_loop3A_312 = arith.constant 48 : index
        %parallel_loop3A_313 = tpu.vector_load %arg19[%parallel_loop3A_311, %parallel_loop3A_312] {strides = array<i32>} : memref<80x128xf32, #tpu.memory_space<vmem>>, vector<16xf32>,
        %parallel_loop3A_314 = arith.mulf %parallel_loop3A_313, %parallel_loop3A_289 : vector<16xf32>
        %parallel_loop3A_315 = arith.index_cast %parallel_loop3A_284 : i32 to index
        %parallel_loop3A_316 = arith.constant 48 : index
        %parallel_loop3A_317 = tpu.vector_load %arg19[%parallel_loop3A_315, %parallel_loop3A_316] {strides = array<i32>} : memref<80x128xf32, #tpu.memory_space<vmem>>, vector<16xf32>,
        tpu.vector_store %arg19[%parallel_loop3A_315, %parallel_loop3A_316], %parallel_loop3A_314 {strides = array<i32>} : memref<80x128xf32, #tpu.memory_space<vmem>>, vector<16xf32>,
        %parallel_loop3A_318 = arith.index_cast %parallel_loop3A_284 : i32 to index
        %parallel_loop3A_319 = arith.constant 64 : index
        %parallel_loop3A_320 = tpu.vector_load %arg19[%parallel_loop3A_318, %parallel_loop3A_319] {strides = array<i32>} : memref<80x128xf32, #tpu.memory_space<vmem>>, vector<16xf32>,
        %parallel_loop3A_321 = arith.mulf %parallel_loop3A_320, %parallel_loop3A_289 : vector<16xf32>
        %parallel_loop3A_322 = arith.index_cast %parallel_loop3A_284 : i32 to index
        %parallel_loop3A_323 = arith.constant 64 : index
        %parallel_loop3A_324 = tpu.vector_load %arg19[%parallel_loop3A_322, %parallel_loop3A_323] {strides = array<i32>} : memref<80x128xf32, #tpu.memory_space<vmem>>, vector<16xf32>,
        tpu.vector_store %arg19[%parallel_loop3A_322, %parallel_loop3A_323], %parallel_loop3A_321 {strides = array<i32>} : memref<80x128xf32, #tpu.memory_space<vmem>>, vector<16xf32>,
        %parallel_loop3A_325 = arith.index_cast %parallel_loop3A_284 : i32 to index
        %parallel_loop3A_326 = arith.constant 80 : index
        %parallel_loop3A_327 = tpu.vector_load %arg19[%parallel_loop3A_325, %parallel_loop3A_326] {strides = array<i32>} : memref<80x128xf32, #tpu.memory_space<vmem>>, vector<16xf32>,
        %parallel_loop3A_328 = arith.mulf %parallel_loop3A_327, %parallel_loop3A_289 : vector<16xf32>
        %parallel_loop3A_329 = arith.index_cast %parallel_loop3A_284 : i32 to index
        %parallel_loop3A_330 = arith.constant 80 : index
        %parallel_loop3A_331 = tpu.vector_load %arg19[%parallel_loop3A_329, %parallel_loop3A_330] {strides = array<i32>} : memref<80x128xf32, #tpu.memory_space<vmem>>, vector<16xf32>,
        tpu.vector_store %arg19[%parallel_loop3A_329, %parallel_loop3A_330], %parallel_loop3A_328 {strides = array<i32>} : memref<80x128xf32, #tpu.memory_space<vmem>>, vector<16xf32>,
        %parallel_loop3A_332 = arith.index_cast %parallel_loop3A_284 : i32 to index
        %parallel_loop3A_333 = arith.constant 96 : index
        %parallel_loop3A_334 = tpu.vector_load %arg19[%parallel_loop3A_332, %parallel_loop3A_333] {strides = array<i32>} : memref<80x128xf32, #tpu.memory_space<vmem>>, vector<16xf32>,
        %parallel_loop3A_335 = arith.mulf %parallel_loop3A_334, %parallel_loop3A_289 : vector<16xf32>
        %parallel_loop3A_336 = arith.index_cast %parallel_loop3A_284 : i32 to index
        %parallel_loop3A_337 = arith.constant 96 : index
        %parallel_loop3A_338 = tpu.vector_load %arg19[%parallel_loop3A_336, %parallel_loop3A_337] {strides = array<i32>} : memref<80x128xf32, #tpu.memory_space<vmem>>, vector<16xf32>,
        tpu.vector_store %arg19[%parallel_loop3A_336, %parallel_loop3A_337], %parallel_loop3A_335 {strides = array<i32>} : memref<80x128xf32, #tpu.memory_space<vmem>>, vector<16xf32>,
        %parallel_loop3A_339 = arith.index_cast %parallel_loop3A_284 : i32 to index
        %parallel_loop3A_340 = arith.constant 112 : index
        %parallel_loop3A_341 = tpu.vector_load %arg19[%parallel_loop3A_339, %parallel_loop3A_340] {strides = array<i32>} : memref<80x128xf32, #tpu.memory_space<vmem>>, vector<16xf32>,
        %parallel_loop3A_342 = arith.mulf %parallel_loop3A_341, %parallel_loop3A_289 : vector<16xf32>
        %parallel_loop3A_343 = arith.index_cast %parallel_loop3A_284 : i32 to index
        %parallel_loop3A_344 = arith.constant 112 : index
        %parallel_loop3A_345 = tpu.vector_load %arg19[%parallel_loop3A_343, %parallel_loop3A_344] {strides = array<i32>} : memref<80x128xf32, #tpu.memory_space<vmem>>, vector<16xf32>,
        tpu.vector_store %arg19[%parallel_loop3A_343, %parallel_loop3A_344], %parallel_loop3A_342 {strides = array<i32>} : memref<80x128xf32, #tpu.memory_space<vmem>>, vector<16xf32>,
      } {sc.loop_unroll_factor = 2 : i64, sc.parallel_access}
      %dma_start3A_222 = arith.constant 0 : i32
      %dma_start3A_223 = arith.constant 0 : i32
      %dma_start3A_224 = tpu.memref_slice %arg35[%dma_start3A_222, %dma_start3A_223] : memref<10240x128xf32, #tpu.memory_space<vmem_shared>> -> memref<10240x128xf32, #tpu.memory_space<vmem_shared>>
      tpu.enqueue_indirect_dma source(%arg19 : memref<80x128xf32, #tpu.memory_space<vmem>>) target(%dma_start3A_224 : memref<10240x128xf32, #tpu.memory_space<vmem_shared>>) offsets(%arg16 : memref<80xi32, #tpu.memory_space<vmem>>) semaphore(%arg46 : memref<!tpu.dma_semaphore, #tpu.memory_space<semaphore_mem>>) {add = true}
      %dma_start3A_225 = arith.constant 0 : i32
      %dma_start3A_226 = tpu.memref_slice %arg36[%dma_start3A_225] : memref<10240xf32, #tpu.memory_space<vmem_shared>> -> memref<10240xf32, #tpu.memory_space<vmem_shared>>
      tpu.enqueue_indirect_dma source(%arg22 : memref<80xf32, #tpu.memory_space<vmem>>) target(%dma_start3A_226 : memref<10240xf32, #tpu.memory_space<vmem_shared>>) offsets(%arg16 : memref<80xi32, #tpu.memory_space<vmem>>) semaphore(%arg46 : memref<!tpu.dma_semaphore, #tpu.memory_space<semaphore_mem>>) {add = true}
      %dma_wait3A_227 = arith.constant 0 : i32
      %dma_wait3A_228 = arith.constant 0 : i32
      %dma_wait3A_229 = tpu.memref_slice %arg35[%dma_wait3A_227, %dma_wait3A_228] : memref<10240x128xf32, #tpu.memory_space<vmem_shared>> -> memref<10240x128xf32, #tpu.memory_space<vmem_shared>>
      tpu.wait_indirect_dma semaphore(%arg45 : memref<!tpu.dma_semaphore, #tpu.memory_space<semaphore_mem>>) src(%arg18 : memref<80x128xf32, #tpu.memory_space<vmem>>) dst(%dma_wait3A_229 : memref<10240x128xf32, #tpu.memory_space<vmem_shared>>)
      %dma_wait3A_230 = arith.constant 0 : i32
      %dma_wait3A_231 = tpu.memref_slice %arg36[%dma_wait3A_230] : memref<10240xf32, #tpu.memory_space<vmem_shared>> -> memref<10240xf32, #tpu.memory_space<vmem_shared>>
      tpu.wait_indirect_dma semaphore(%arg45 : memref<!tpu.dma_semaphore, #tpu.memory_space<semaphore_mem>>) src(%arg21 : memref<80xf32, #tpu.memory_space<vmem>>) dst(%dma_wait3A_231 : memref<10240xf32, #tpu.memory_space<vmem_shared>>)
      %mul3A_232 = arith.constant 3 : i32
      %mul3A_233 = arith.muli %mul3A_232, %scan3A_129 : i32
      %add3A_234 = arith.constant 2 : i32
      %add3A_235 = arith.addi %mul3A_233, %add3A_234 : i32
      %add3A_236 = arith.constant 1 : i32
      %add3A_237 = arith.addi %add3A_235, %add3A_236 : i32
      %mul3A_238 = arith.constant 80 : i32
      %mul3A_239 = arith.muli %add3A_237, %mul3A_238 : i32
      %add3A_240 = arith.addi %mul3A_20, %mul3A_239 : i32
      %dma_wait3A_241 = tpu.memref_slice %arg2[%add3A_240] : memref<320000xi32, #tpu.memory_space<hbm>> -> memref<80xi32, #tpu.memory_space<hbm>>
      %dma_wait3A_242 = tpu.memref_slice %arg2[%add3A_240] : memref<320000xi32, #tpu.memory_space<hbm>> -> memref<80xi32, #tpu.memory_space<hbm>>
      tpu.wait_dma2 semaphore(%arg48 : memref<!tpu.dma_semaphore, #tpu.memory_space<semaphore_mem>>) src(%dma_wait3A_242 : memref<80xi32, #tpu.memory_space<hbm>>) dst(%arg30 : memref<80xi32, #tpu.memory_space<vmem>>)
      %parallel_loop3A_243 = arith.constant 0 : i32
      %parallel_loop3A_244 = arith.constant 5 : i32
      %parallel_loop3A_245 = arith.constant 1 : i32
      scf.for %parallel_loop3A_284 = %parallel_loop3A_243 to %parallel_loop3A_244 step %parallel_loop3A_245  : i32 {
        %parallel_loop3A_285 = arith.constant 16 : i32
        %parallel_loop3A_286 = arith.muli %parallel_loop3A_284, %parallel_loop3A_285 : i32
        %parallel_loop3A_287 = arith.index_cast %parallel_loop3A_286 : i32 to index
        %parallel_loop3A_288 = tpu.vector_load %arg30[%parallel_loop3A_287] {strides = array<i32>} : memref<80xi32, #tpu.memory_space<vmem>>, vector<16xi32>,
        %parallel_loop3A_289 = arith.constant 16 : i32
        %parallel_loop3A_290 = vector.broadcast %parallel_loop3A_289 : i32 to vector<16xi32>
        %parallel_loop3A_291 = arith.shrui %parallel_loop3A_288, %parallel_loop3A_290 : vector<16xi32>
        %parallel_loop3A_292 = arith.index_cast %parallel_loop3A_286 : i32 to index
        %parallel_loop3A_293 = tpu.vector_load %arg12[%parallel_loop3A_292] {strides = array<i32>} : memref<80xi32, #tpu.memory_space<vmem>>, vector<16xi32>,
        tpu.vector_store %arg12[%parallel_loop3A_292], %parallel_loop3A_291 {strides = array<i32>} : memref<80xi32, #tpu.memory_space<vmem>>, vector<16xi32>,
        %parallel_loop3A_294 = arith.constant 65535 : i32
        %parallel_loop3A_295 = vector.broadcast %parallel_loop3A_294 : i32 to vector<16xi32>
        %parallel_loop3A_296 = arith.andi %parallel_loop3A_288, %parallel_loop3A_295 : vector<16xi32>
        %parallel_loop3A_297 = arith.index_cast %parallel_loop3A_286 : i32 to index
        %parallel_loop3A_298 = tpu.vector_load %arg15[%parallel_loop3A_297] {strides = array<i32>} : memref<80xi32, #tpu.memory_space<vmem>>, vector<16xi32>,
        tpu.vector_store %arg15[%parallel_loop3A_297], %parallel_loop3A_296 {strides = array<i32>} : memref<80xi32, #tpu.memory_space<vmem>>, vector<16xi32>,
      } {sc.loop_unroll_factor = 5 : i64, sc.parallel_access}
      %dma_start3A_246 = arith.constant 0 : i32
      %dma_start3A_247 = arith.constant 0 : i32
      %dma_start3A_248 = tpu.memref_slice %arg5[%dma_start3A_246, %dma_start3A_247] : memref<10000x128xf32, #tpu.memory_space<hbm>> -> memref<10000x128xf32, #tpu.memory_space<hbm>>
      tpu.enqueue_indirect_dma source(%dma_start3A_248 : memref<10000x128xf32, #tpu.memory_space<hbm>>) target(%arg18 : memref<80x128xf32, #tpu.memory_space<vmem>>) offsets(%arg12 : memref<80xi32, #tpu.memory_space<vmem>>) semaphore(%arg39 : memref<!tpu.dma_semaphore, #tpu.memory_space<semaphore_mem>>)
      %dma_start3A_249 = arith.constant 0 : i32
      %dma_start3A_250 = tpu.memref_slice %arg37[%dma_start3A_249] : memref<10000xf32, #tpu.memory_space<vmem_shared>> -> memref<10000xf32, #tpu.memory_space<vmem_shared>>
      tpu.enqueue_indirect_dma source(%dma_start3A_250 : memref<10000xf32, #tpu.memory_space<vmem_shared>>) target(%arg24 : memref<80xf32, #tpu.memory_space<vmem>>) offsets(%arg12 : memref<80xi32, #tpu.memory_space<vmem>>) semaphore(%arg42 : memref<!tpu.dma_semaphore, #tpu.memory_space<semaphore_mem>>)
      %dma_start3A_251 = arith.constant 0 : i32
      %dma_start3A_252 = tpu.memref_slice %arg38[%dma_start3A_251] : memref<10000xf32, #tpu.memory_space<vmem_shared>> -> memref<10000xf32, #tpu.memory_space<vmem_shared>>
      tpu.enqueue_indirect_dma source(%dma_start3A_252 : memref<10000xf32, #tpu.memory_space<vmem_shared>>) target(%arg27 : memref<80xf32, #tpu.memory_space<vmem>>) offsets(%arg15 : memref<80xi32, #tpu.memory_space<vmem>>) semaphore(%arg42 : memref<!tpu.dma_semaphore, #tpu.memory_space<semaphore_mem>>)
      %add3A_253 = arith.constant 2 : i32
      %add3A_254 = arith.addi %add3A_235, %add3A_253 : i32
      %mul3A_255 = arith.constant 80 : i32
      %mul3A_256 = arith.muli %add3A_254, %mul3A_255 : i32
      %add3A_257 = arith.addi %mul3A_20, %mul3A_256 : i32
      %dma_start3A_258 = tpu.memref_slice %arg2[%add3A_257] : memref<320000xi32, #tpu.memory_space<hbm>> -> memref<80xi32, #tpu.memory_space<hbm>>
      %dma_start3A_259 = tpu.memref_slice %arg2[%add3A_257] : memref<320000xi32, #tpu.memory_space<hbm>> -> memref<80xi32, #tpu.memory_space<hbm>>
      tpu.enqueue_dma source(%dma_start3A_259 : memref<80xi32, #tpu.memory_space<hbm>>) target(%arg31 : memref<80xi32, #tpu.memory_space<vmem>>) target_semaphore(%arg49 : memref<!tpu.dma_semaphore, #tpu.memory_space<semaphore_mem>>)
      %dma_wait3A_260 = arith.constant 0 : i32
      %dma_wait3A_261 = tpu.memref_slice %arg37[%dma_wait3A_260] : memref<10000xf32, #tpu.memory_space<vmem_shared>> -> memref<10000xf32, #tpu.memory_space<vmem_shared>>
      tpu.wait_indirect_dma semaphore(%arg44 : memref<!tpu.dma_semaphore, #tpu.memory_space<semaphore_mem>>) src(%dma_wait3A_261 : memref<10000xf32, #tpu.memory_space<vmem_shared>>) dst(%arg26 : memref<80xf32, #tpu.memory_space<vmem>>)
      %dma_wait3A_262 = arith.constant 0 : i32
      %dma_wait3A_263 = tpu.memref_slice %arg38[%dma_wait3A_262] : memref<10000xf32, #tpu.memory_space<vmem_shared>> -> memref<10000xf32, #tpu.memory_space<vmem_shared>>
      tpu.wait_indirect_dma semaphore(%arg44 : memref<!tpu.dma_semaphore, #tpu.memory_space<semaphore_mem>>) src(%dma_wait3A_263 : memref<10000xf32, #tpu.memory_space<vmem_shared>>) dst(%arg29 : memref<80xf32, #tpu.memory_space<vmem>>)
      %parallel_loop3A_264 = arith.constant 0 : i32
      %parallel_loop3A_265 = arith.constant 5 : i32
      %parallel_loop3A_266 = arith.constant 1 : i32
      scf.for %parallel_loop3A_284 = %parallel_loop3A_264 to %parallel_loop3A_265 step %parallel_loop3A_266  : i32 {
        %parallel_loop3A_285 = arith.constant 16 : i32
        %parallel_loop3A_286 = arith.muli %parallel_loop3A_284, %parallel_loop3A_285 : i32
        %parallel_loop3A_287 = arith.index_cast %parallel_loop3A_286 : i32 to index
        %parallel_loop3A_288 = tpu.vector_load %arg26[%parallel_loop3A_287] {strides = array<i32>} : memref<80xf32, #tpu.memory_space<vmem>>, vector<16xf32>,
        %parallel_loop3A_289 = arith.constant 16 : i32
        %parallel_loop3A_290 = arith.muli %parallel_loop3A_284, %parallel_loop3A_289 : i32
        %parallel_loop3A_291 = arith.index_cast %parallel_loop3A_290 : i32 to index
        %parallel_loop3A_292 = tpu.vector_load %arg29[%parallel_loop3A_291] {strides = array<i32>} : memref<80xf32, #tpu.memory_space<vmem>>, vector<16xf32>,
        %parallel_loop3A_293 = arith.addf %parallel_loop3A_288, %parallel_loop3A_292 : vector<16xf32>
        %parallel_loop3A_294 = arith.constant 0.000000e+00 : f32
        %parallel_loop3A_295 = vector.broadcast %parallel_loop3A_294 : f32 to vector<16xf32>
        %parallel_loop3A_296 = arith.cmpf oge, %parallel_loop3A_293, %parallel_loop3A_295 : vector<16xf32>
        %parallel_loop3A_297 = arith.constant 2.000000e-01 : f32
        %parallel_loop3A_298 = vector.broadcast %parallel_loop3A_297 : f32 to vector<16xf32>
        %parallel_loop3A_299 = arith.mulf %parallel_loop3A_298, %parallel_loop3A_293 : vector<16xf32>
        %parallel_loop3A_300 = arith.select %parallel_loop3A_296, %parallel_loop3A_293, %parallel_loop3A_299 : vector<16xi1>, vector<16xf32>
        %parallel_loop3A_301 = arith.subf %parallel_loop3A_300, %get3A_18 : vector<16xf32>
        %parallel_loop3A_302 = math.exp %parallel_loop3A_301 : vector<16xf32>
        %parallel_loop3A_303 = arith.constant 16 : i32
        %parallel_loop3A_304 = arith.muli %parallel_loop3A_284, %parallel_loop3A_303 : i32
        %parallel_loop3A_305 = arith.index_cast %parallel_loop3A_304 : i32 to index
        %parallel_loop3A_306 = tpu.vector_load %arg23[%parallel_loop3A_305] {strides = array<i32>} : memref<80xf32, #tpu.memory_space<vmem>>, vector<16xf32>,
        tpu.vector_store %arg23[%parallel_loop3A_305], %parallel_loop3A_302 {strides = array<i32>} : memref<80xf32, #tpu.memory_space<vmem>>, vector<16xf32>,
      } {sc.loop_unroll_factor = 5 : i64, sc.parallel_access}
      %dma_wait3A_267 = arith.constant 0 : i32
      %dma_wait3A_268 = arith.constant 0 : i32
      %dma_wait3A_269 = tpu.memref_slice %arg5[%dma_wait3A_267, %dma_wait3A_268] : memref<10000x128xf32, #tpu.memory_space<hbm>> -> memref<10000x128xf32, #tpu.memory_space<hbm>>
      tpu.wait_indirect_dma semaphore(%arg41 : memref<!tpu.dma_semaphore, #tpu.memory_space<semaphore_mem>>) src(%dma_wait3A_269 : memref<10000x128xf32, #tpu.memory_space<hbm>>) dst(%arg20 : memref<80x128xf32, #tpu.memory_space<vmem>>)
      %parallel_loop3A_270 = arith.constant 0 : i32
      %parallel_loop3A_271 = arith.constant 80 : i32
      %parallel_loop3A_272 = arith.constant 1 : i32
      scf.for %parallel_loop3A_284 = %parallel_loop3A_270 to %parallel_loop3A_271 step %parallel_loop3A_272  : i32 {
        %parallel_loop3A_285 = arith.constant 0 : i32
        %parallel_loop3A_286 = vector.broadcast %parallel_loop3A_285 : i32 to vector<16xi32>
        %parallel_loop3A_287 = vector.broadcast %parallel_loop3A_284 : i32 to vector<16xi32>
        %parallel_loop3A_288 = arith.addi %parallel_loop3A_286, %parallel_loop3A_287 : vector<16xi32>
        %parallel_loop3A_289 = tpu.vector_load_idx %arg23[%parallel_loop3A_288] : memref<80xf32, #tpu.memory_space<vmem>>[vector<16xi32>], vector<16xf32>,
        %parallel_loop3A_290 = arith.index_cast %parallel_loop3A_284 : i32 to index
        %parallel_loop3A_291 = arith.constant 0 : index
        %parallel_loop3A_292 = tpu.vector_load %arg20[%parallel_loop3A_290, %parallel_loop3A_291] {strides = array<i32>} : memref<80x128xf32, #tpu.memory_space<vmem>>, vector<16xf32>,
        %parallel_loop3A_293 = arith.mulf %parallel_loop3A_292, %parallel_loop3A_289 : vector<16xf32>
        %parallel_loop3A_294 = arith.index_cast %parallel_loop3A_284 : i32 to index
        %parallel_loop3A_295 = arith.constant 0 : index
        %parallel_loop3A_296 = tpu.vector_load %arg20[%parallel_loop3A_294, %parallel_loop3A_295] {strides = array<i32>} : memref<80x128xf32, #tpu.memory_space<vmem>>, vector<16xf32>,
        tpu.vector_store %arg20[%parallel_loop3A_294, %parallel_loop3A_295], %parallel_loop3A_293 {strides = array<i32>} : memref<80x128xf32, #tpu.memory_space<vmem>>, vector<16xf32>,
        %parallel_loop3A_297 = arith.index_cast %parallel_loop3A_284 : i32 to index
        %parallel_loop3A_298 = arith.constant 16 : index
        %parallel_loop3A_299 = tpu.vector_load %arg20[%parallel_loop3A_297, %parallel_loop3A_298] {strides = array<i32>} : memref<80x128xf32, #tpu.memory_space<vmem>>, vector<16xf32>,
        %parallel_loop3A_300 = arith.mulf %parallel_loop3A_299, %parallel_loop3A_289 : vector<16xf32>
        %parallel_loop3A_301 = arith.index_cast %parallel_loop3A_284 : i32 to index
        %parallel_loop3A_302 = arith.constant 16 : index
        %parallel_loop3A_303 = tpu.vector_load %arg20[%parallel_loop3A_301, %parallel_loop3A_302] {strides = array<i32>} : memref<80x128xf32, #tpu.memory_space<vmem>>, vector<16xf32>,
        tpu.vector_store %arg20[%parallel_loop3A_301, %parallel_loop3A_302], %parallel_loop3A_300 {strides = array<i32>} : memref<80x128xf32, #tpu.memory_space<vmem>>, vector<16xf32>,
        %parallel_loop3A_304 = arith.index_cast %parallel_loop3A_284 : i32 to index
        %parallel_loop3A_305 = arith.constant 32 : index
        %parallel_loop3A_306 = tpu.vector_load %arg20[%parallel_loop3A_304, %parallel_loop3A_305] {strides = array<i32>} : memref<80x128xf32, #tpu.memory_space<vmem>>, vector<16xf32>,
        %parallel_loop3A_307 = arith.mulf %parallel_loop3A_306, %parallel_loop3A_289 : vector<16xf32>
        %parallel_loop3A_308 = arith.index_cast %parallel_loop3A_284 : i32 to index
        %parallel_loop3A_309 = arith.constant 32 : index
        %parallel_loop3A_310 = tpu.vector_load %arg20[%parallel_loop3A_308, %parallel_loop3A_309] {strides = array<i32>} : memref<80x128xf32, #tpu.memory_space<vmem>>, vector<16xf32>,
        tpu.vector_store %arg20[%parallel_loop3A_308, %parallel_loop3A_309], %parallel_loop3A_307 {strides = array<i32>} : memref<80x128xf32, #tpu.memory_space<vmem>>, vector<16xf32>,
        %parallel_loop3A_311 = arith.index_cast %parallel_loop3A_284 : i32 to index
        %parallel_loop3A_312 = arith.constant 48 : index
        %parallel_loop3A_313 = tpu.vector_load %arg20[%parallel_loop3A_311, %parallel_loop3A_312] {strides = array<i32>} : memref<80x128xf32, #tpu.memory_space<vmem>>, vector<16xf32>,
        %parallel_loop3A_314 = arith.mulf %parallel_loop3A_313, %parallel_loop3A_289 : vector<16xf32>
        %parallel_loop3A_315 = arith.index_cast %parallel_loop3A_284 : i32 to index
        %parallel_loop3A_316 = arith.constant 48 : index
        %parallel_loop3A_317 = tpu.vector_load %arg20[%parallel_loop3A_315, %parallel_loop3A_316] {strides = array<i32>} : memref<80x128xf32, #tpu.memory_space<vmem>>, vector<16xf32>,
        tpu.vector_store %arg20[%parallel_loop3A_315, %parallel_loop3A_316], %parallel_loop3A_314 {strides = array<i32>} : memref<80x128xf32, #tpu.memory_space<vmem>>, vector<16xf32>,
        %parallel_loop3A_318 = arith.index_cast %parallel_loop3A_284 : i32 to index
        %parallel_loop3A_319 = arith.constant 64 : index
        %parallel_loop3A_320 = tpu.vector_load %arg20[%parallel_loop3A_318, %parallel_loop3A_319] {strides = array<i32>} : memref<80x128xf32, #tpu.memory_space<vmem>>, vector<16xf32>,
        %parallel_loop3A_321 = arith.mulf %parallel_loop3A_320, %parallel_loop3A_289 : vector<16xf32>
        %parallel_loop3A_322 = arith.index_cast %parallel_loop3A_284 : i32 to index
        %parallel_loop3A_323 = arith.constant 64 : index
        %parallel_loop3A_324 = tpu.vector_load %arg20[%parallel_loop3A_322, %parallel_loop3A_323] {strides = array<i32>} : memref<80x128xf32, #tpu.memory_space<vmem>>, vector<16xf32>,
        tpu.vector_store %arg20[%parallel_loop3A_322, %parallel_loop3A_323], %parallel_loop3A_321 {strides = array<i32>} : memref<80x128xf32, #tpu.memory_space<vmem>>, vector<16xf32>,
        %parallel_loop3A_325 = arith.index_cast %parallel_loop3A_284 : i32 to index
        %parallel_loop3A_326 = arith.constant 80 : index
        %parallel_loop3A_327 = tpu.vector_load %arg20[%parallel_loop3A_325, %parallel_loop3A_326] {strides = array<i32>} : memref<80x128xf32, #tpu.memory_space<vmem>>, vector<16xf32>,
        %parallel_loop3A_328 = arith.mulf %parallel_loop3A_327, %parallel_loop3A_289 : vector<16xf32>
        %parallel_loop3A_329 = arith.index_cast %parallel_loop3A_284 : i32 to index
        %parallel_loop3A_330 = arith.constant 80 : index
        %parallel_loop3A_331 = tpu.vector_load %arg20[%parallel_loop3A_329, %parallel_loop3A_330] {strides = array<i32>} : memref<80x128xf32, #tpu.memory_space<vmem>>, vector<16xf32>,
        tpu.vector_store %arg20[%parallel_loop3A_329, %parallel_loop3A_330], %parallel_loop3A_328 {strides = array<i32>} : memref<80x128xf32, #tpu.memory_space<vmem>>, vector<16xf32>,
        %parallel_loop3A_332 = arith.index_cast %parallel_loop3A_284 : i32 to index
        %parallel_loop3A_333 = arith.constant 96 : index
        %parallel_loop3A_334 = tpu.vector_load %arg20[%parallel_loop3A_332, %parallel_loop3A_333] {strides = array<i32>} : memref<80x128xf32, #tpu.memory_space<vmem>>, vector<16xf32>,
        %parallel_loop3A_335 = arith.mulf %parallel_loop3A_334, %parallel_loop3A_289 : vector<16xf32>
        %parallel_loop3A_336 = arith.index_cast %parallel_loop3A_284 : i32 to index
        %parallel_loop3A_337 = arith.constant 96 : index
        %parallel_loop3A_338 = tpu.vector_load %arg20[%parallel_loop3A_336, %parallel_loop3A_337] {strides = array<i32>} : memref<80x128xf32, #tpu.memory_space<vmem>>, vector<16xf32>,
        tpu.vector_store %arg20[%parallel_loop3A_336, %parallel_loop3A_337], %parallel_loop3A_335 {strides = array<i32>} : memref<80x128xf32, #tpu.memory_space<vmem>>, vector<16xf32>,
        %parallel_loop3A_339 = arith.index_cast %parallel_loop3A_284 : i32 to index
        %parallel_loop3A_340 = arith.constant 112 : index
        %parallel_loop3A_341 = tpu.vector_load %arg20[%parallel_loop3A_339, %parallel_loop3A_340] {strides = array<i32>} : memref<80x128xf32, #tpu.memory_space<vmem>>, vector<16xf32>,
        %parallel_loop3A_342 = arith.mulf %parallel_loop3A_341, %parallel_loop3A_289 : vector<16xf32>
        %parallel_loop3A_343 = arith.index_cast %parallel_loop3A_284 : i32 to index
        %parallel_loop3A_344 = arith.constant 112 : index
        %parallel_loop3A_345 = tpu.vector_load %arg20[%parallel_loop3A_343, %parallel_loop3A_344] {strides = array<i32>} : memref<80x128xf32, #tpu.memory_space<vmem>>, vector<16xf32>,
        tpu.vector_store %arg20[%parallel_loop3A_343, %parallel_loop3A_344], %parallel_loop3A_342 {strides = array<i32>} : memref<80x128xf32, #tpu.memory_space<vmem>>, vector<16xf32>,
      } {sc.loop_unroll_factor = 2 : i64, sc.parallel_access}
      %dma_start3A_273 = arith.constant 0 : i32
      %dma_start3A_274 = arith.constant 0 : i32
      %dma_start3A_275 = tpu.memref_slice %arg35[%dma_start3A_273, %dma_start3A_274] : memref<10240x128xf32, #tpu.memory_space<vmem_shared>> -> memref<10240x128xf32, #tpu.memory_space<vmem_shared>>
      tpu.enqueue_indirect_dma source(%arg20 : memref<80x128xf32, #tpu.memory_space<vmem>>) target(%dma_start3A_275 : memref<10240x128xf32, #tpu.memory_space<vmem_shared>>) offsets(%arg17 : memref<80xi32, #tpu.memory_space<vmem>>) semaphore(%arg47 : memref<!tpu.dma_semaphore, #tpu.memory_space<semaphore_mem>>) {add = true}
      %dma_start3A_276 = arith.constant 0 : i32
      %dma_start3A_277 = tpu.memref_slice %arg36[%dma_start3A_276] : memref<10240xf32, #tpu.memory_space<vmem_shared>> -> memref<10240xf32, #tpu.memory_space<vmem_shared>>
      tpu.enqueue_indirect_dma source(%arg23 : memref<80xf32, #tpu.memory_space<vmem>>) target(%dma_start3A_277 : memref<10240xf32, #tpu.memory_space<vmem_shared>>) offsets(%arg17 : memref<80xi32, #tpu.memory_space<vmem>>) semaphore(%arg47 : memref<!tpu.dma_semaphore, #tpu.memory_space<semaphore_mem>>) {add = true}
      %dma_wait3A_278 = arith.constant 0 : i32
      %dma_wait3A_279 = arith.constant 0 : i32
      %dma_wait3A_280 = tpu.memref_slice %arg35[%dma_wait3A_278, %dma_wait3A_279] : memref<10240x128xf32, #tpu.memory_space<vmem_shared>> -> memref<10240x128xf32, #tpu.memory_space<vmem_shared>>
      tpu.wait_indirect_dma semaphore(%arg46 : memref<!tpu.dma_semaphore, #tpu.memory_space<semaphore_mem>>) src(%arg19 : memref<80x128xf32, #tpu.memory_space<vmem>>) dst(%dma_wait3A_280 : memref<10240x128xf32, #tpu.memory_space<vmem_shared>>)
      %dma_wait3A_281 = arith.constant 0 : i32
      %dma_wait3A_282 = tpu.memref_slice %arg36[%dma_wait3A_281] : memref<10240xf32, #tpu.memory_space<vmem_shared>> -> memref<10240xf32, #tpu.memory_space<vmem_shared>>
      tpu.wait_indirect_dma semaphore(%arg46 : memref<!tpu.dma_semaphore, #tpu.memory_space<semaphore_mem>>) src(%arg22 : memref<80xf32, #tpu.memory_space<vmem>>) dst(%dma_wait3A_282 : memref<10240xf32, #tpu.memory_space<vmem_shared>>)
      %scan3A_283 = arith.constant 0 : i32
      scf.yield %scan3A_283 : i32
    }
    %scan3A_46 = arith.constant 41 : i32
    %add3A_47 = arith.constant 9920 : i32
    %add3A_48 = arith.addi %mul3A_20, %add3A_47 : i32
    %dma_wait3A_49 = tpu.memref_slice %arg2[%add3A_48] : memref<320000xi32, #tpu.memory_space<hbm>> -> memref<80xi32, #tpu.memory_space<hbm>>
    %dma_wait3A_50 = tpu.memref_slice %arg2[%add3A_48] : memref<320000xi32, #tpu.memory_space<hbm>> -> memref<80xi32, #tpu.memory_space<hbm>>
    tpu.wait_dma2 semaphore(%arg49 : memref<!tpu.dma_semaphore, #tpu.memory_space<semaphore_mem>>) src(%dma_wait3A_50 : memref<80xi32, #tpu.memory_space<hbm>>) dst(%arg31 : memref<80xi32, #tpu.memory_space<vmem>>)
    %parallel_loop3A_51 = arith.constant 0 : i32
    %parallel_loop3A_52 = arith.constant 5 : i32
    %parallel_loop3A_53 = arith.constant 1 : i32
    scf.for %parallel_loop3A_129 = %parallel_loop3A_51 to %parallel_loop3A_52 step %parallel_loop3A_53  : i32 {
      %parallel_loop3A_130 = arith.constant 16 : i32
      %parallel_loop3A_131 = arith.muli %parallel_loop3A_129, %parallel_loop3A_130 : i32
      %parallel_loop3A_132 = arith.index_cast %parallel_loop3A_131 : i32 to index
      %parallel_loop3A_133 = tpu.vector_load %arg31[%parallel_loop3A_132] {strides = array<i32>} : memref<80xi32, #tpu.memory_space<vmem>>, vector<16xi32>,
      %parallel_loop3A_134 = arith.constant 16 : i32
      %parallel_loop3A_135 = vector.broadcast %parallel_loop3A_134 : i32 to vector<16xi32>
      %parallel_loop3A_136 = arith.shrui %parallel_loop3A_133, %parallel_loop3A_135 : vector<16xi32>
      %parallel_loop3A_137 = arith.index_cast %parallel_loop3A_131 : i32 to index
      %parallel_loop3A_138 = tpu.vector_load %arg13[%parallel_loop3A_137] {strides = array<i32>} : memref<80xi32, #tpu.memory_space<vmem>>, vector<16xi32>,
      tpu.vector_store %arg13[%parallel_loop3A_137], %parallel_loop3A_136 {strides = array<i32>} : memref<80xi32, #tpu.memory_space<vmem>>, vector<16xi32>,
      %parallel_loop3A_139 = arith.constant 65535 : i32
      %parallel_loop3A_140 = vector.broadcast %parallel_loop3A_139 : i32 to vector<16xi32>
      %parallel_loop3A_141 = arith.andi %parallel_loop3A_133, %parallel_loop3A_140 : vector<16xi32>
      %parallel_loop3A_142 = arith.index_cast %parallel_loop3A_131 : i32 to index
      %parallel_loop3A_143 = tpu.vector_load %arg16[%parallel_loop3A_142] {strides = array<i32>} : memref<80xi32, #tpu.memory_space<vmem>>, vector<16xi32>,
      tpu.vector_store %arg16[%parallel_loop3A_142], %parallel_loop3A_141 {strides = array<i32>} : memref<80xi32, #tpu.memory_space<vmem>>, vector<16xi32>,
    } {sc.loop_unroll_factor = 5 : i64, sc.parallel_access}
    %dma_start3A_54 = arith.constant 0 : i32
    %dma_start3A_55 = arith.constant 0 : i32
    %dma_start3A_56 = tpu.memref_slice %arg5[%dma_start3A_54, %dma_start3A_55] : memref<10000x128xf32, #tpu.memory_space<hbm>> -> memref<10000x128xf32, #tpu.memory_space<hbm>>
    tpu.enqueue_indirect_dma source(%dma_start3A_56 : memref<10000x128xf32, #tpu.memory_space<hbm>>) target(%arg19 : memref<80x128xf32, #tpu.memory_space<vmem>>) offsets(%arg13 : memref<80xi32, #tpu.memory_space<vmem>>) semaphore(%arg40 : memref<!tpu.dma_semaphore, #tpu.memory_space<semaphore_mem>>)
    %dma_start3A_57 = arith.constant 0 : i32
    %dma_start3A_58 = tpu.memref_slice %arg37[%dma_start3A_57] : memref<10000xf32, #tpu.memory_space<vmem_shared>> -> memref<10000xf32, #tpu.memory_space<vmem_shared>>
    tpu.enqueue_indirect_dma source(%dma_start3A_58 : memref<10000xf32, #tpu.memory_space<vmem_shared>>) target(%arg25 : memref<80xf32, #tpu.memory_space<vmem>>) offsets(%arg13 : memref<80xi32, #tpu.memory_space<vmem>>) semaphore(%arg43 : memref<!tpu.dma_semaphore, #tpu.memory_space<semaphore_mem>>)
    %dma_start3A_59 = arith.constant 0 : i32
    %dma_start3A_60 = tpu.memref_slice %arg38[%dma_start3A_59] : memref<10000xf32, #tpu.memory_space<vmem_shared>> -> memref<10000xf32, #tpu.memory_space<vmem_shared>>
    tpu.enqueue_indirect_dma source(%dma_start3A_60 : memref<10000xf32, #tpu.memory_space<vmem_shared>>) target(%arg28 : memref<80xf32, #tpu.memory_space<vmem>>) offsets(%arg16 : memref<80xi32, #tpu.memory_space<vmem>>) semaphore(%arg43 : memref<!tpu.dma_semaphore, #tpu.memory_space<semaphore_mem>>)
    %dma_wait3A_61 = arith.constant 0 : i32
    %dma_wait3A_62 = tpu.memref_slice %arg37[%dma_wait3A_61] : memref<10000xf32, #tpu.memory_space<vmem_shared>> -> memref<10000xf32, #tpu.memory_space<vmem_shared>>
    tpu.wait_indirect_dma semaphore(%arg42 : memref<!tpu.dma_semaphore, #tpu.memory_space<semaphore_mem>>) src(%dma_wait3A_62 : memref<10000xf32, #tpu.memory_space<vmem_shared>>) dst(%arg24 : memref<80xf32, #tpu.memory_space<vmem>>)
    %dma_wait3A_63 = arith.constant 0 : i32
    %dma_wait3A_64 = tpu.memref_slice %arg38[%dma_wait3A_63] : memref<10000xf32, #tpu.memory_space<vmem_shared>> -> memref<10000xf32, #tpu.memory_space<vmem_shared>>
    tpu.wait_indirect_dma semaphore(%arg42 : memref<!tpu.dma_semaphore, #tpu.memory_space<semaphore_mem>>) src(%dma_wait3A_64 : memref<10000xf32, #tpu.memory_space<vmem_shared>>) dst(%arg27 : memref<80xf32, #tpu.memory_space<vmem>>)
    %parallel_loop3A_65 = arith.constant 0 : i32
    %parallel_loop3A_66 = arith.constant 5 : i32
    %parallel_loop3A_67 = arith.constant 1 : i32
    scf.for %parallel_loop3A_129 = %parallel_loop3A_65 to %parallel_loop3A_66 step %parallel_loop3A_67  : i32 {
      %parallel_loop3A_130 = arith.constant 16 : i32
      %parallel_loop3A_131 = arith.muli %parallel_loop3A_129, %parallel_loop3A_130 : i32
      %parallel_loop3A_132 = arith.index_cast %parallel_loop3A_131 : i32 to index
      %parallel_loop3A_133 = tpu.vector_load %arg24[%parallel_loop3A_132] {strides = array<i32>} : memref<80xf32, #tpu.memory_space<vmem>>, vector<16xf32>,
      %parallel_loop3A_134 = arith.constant 16 : i32
      %parallel_loop3A_135 = arith.muli %parallel_loop3A_129, %parallel_loop3A_134 : i32
      %parallel_loop3A_136 = arith.index_cast %parallel_loop3A_135 : i32 to index
      %parallel_loop3A_137 = tpu.vector_load %arg27[%parallel_loop3A_136] {strides = array<i32>} : memref<80xf32, #tpu.memory_space<vmem>>, vector<16xf32>,
      %parallel_loop3A_138 = arith.addf %parallel_loop3A_133, %parallel_loop3A_137 : vector<16xf32>
      %parallel_loop3A_139 = arith.constant 0.000000e+00 : f32
      %parallel_loop3A_140 = vector.broadcast %parallel_loop3A_139 : f32 to vector<16xf32>
      %parallel_loop3A_141 = arith.cmpf oge, %parallel_loop3A_138, %parallel_loop3A_140 : vector<16xf32>
      %parallel_loop3A_142 = arith.constant 2.000000e-01 : f32
      %parallel_loop3A_143 = vector.broadcast %parallel_loop3A_142 : f32 to vector<16xf32>
      %parallel_loop3A_144 = arith.mulf %parallel_loop3A_143, %parallel_loop3A_138 : vector<16xf32>
      %parallel_loop3A_145 = arith.select %parallel_loop3A_141, %parallel_loop3A_138, %parallel_loop3A_144 : vector<16xi1>, vector<16xf32>
      %parallel_loop3A_146 = arith.subf %parallel_loop3A_145, %get3A_18 : vector<16xf32>
      %parallel_loop3A_147 = math.exp %parallel_loop3A_146 : vector<16xf32>
      %parallel_loop3A_148 = arith.constant 16 : i32
      %parallel_loop3A_149 = arith.muli %parallel_loop3A_129, %parallel_loop3A_148 : i32
      %parallel_loop3A_150 = arith.index_cast %parallel_loop3A_149 : i32 to index
      %parallel_loop3A_151 = tpu.vector_load %arg21[%parallel_loop3A_150] {strides = array<i32>} : memref<80xf32, #tpu.memory_space<vmem>>, vector<16xf32>,
      tpu.vector_store %arg21[%parallel_loop3A_150], %parallel_loop3A_147 {strides = array<i32>} : memref<80xf32, #tpu.memory_space<vmem>>, vector<16xf32>,
    } {sc.loop_unroll_factor = 5 : i64, sc.parallel_access}
    %dma_wait3A_68 = arith.constant 0 : i32
    %dma_wait3A_69 = arith.constant 0 : i32
    %dma_wait3A_70 = tpu.memref_slice %arg5[%dma_wait3A_68, %dma_wait3A_69] : memref<10000x128xf32, #tpu.memory_space<hbm>> -> memref<10000x128xf32, #tpu.memory_space<hbm>>
    tpu.wait_indirect_dma semaphore(%arg39 : memref<!tpu.dma_semaphore, #tpu.memory_space<semaphore_mem>>) src(%dma_wait3A_70 : memref<10000x128xf32, #tpu.memory_space<hbm>>) dst(%arg18 : memref<80x128xf32, #tpu.memory_space<vmem>>)
    %parallel_loop3A_71 = arith.constant 0 : i32
    %parallel_loop3A_72 = arith.constant 80 : i32
    %parallel_loop3A_73 = arith.constant 1 : i32
    scf.for %parallel_loop3A_129 = %parallel_loop3A_71 to %parallel_loop3A_72 step %parallel_loop3A_73  : i32 {
      %parallel_loop3A_130 = arith.constant 0 : i32
      %parallel_loop3A_131 = vector.broadcast %parallel_loop3A_130 : i32 to vector<16xi32>
      %parallel_loop3A_132 = vector.broadcast %parallel_loop3A_129 : i32 to vector<16xi32>
      %parallel_loop3A_133 = arith.addi %parallel_loop3A_131, %parallel_loop3A_132 : vector<16xi32>
      %parallel_loop3A_134 = tpu.vector_load_idx %arg21[%parallel_loop3A_133] : memref<80xf32, #tpu.memory_space<vmem>>[vector<16xi32>], vector<16xf32>,
      %parallel_loop3A_135 = arith.index_cast %parallel_loop3A_129 : i32 to index
      %parallel_loop3A_136 = arith.constant 0 : index
      %parallel_loop3A_137 = tpu.vector_load %arg18[%parallel_loop3A_135, %parallel_loop3A_136] {strides = array<i32>} : memref<80x128xf32, #tpu.memory_space<vmem>>, vector<16xf32>,
      %parallel_loop3A_138 = arith.mulf %parallel_loop3A_137, %parallel_loop3A_134 : vector<16xf32>
      %parallel_loop3A_139 = arith.index_cast %parallel_loop3A_129 : i32 to index
      %parallel_loop3A_140 = arith.constant 0 : index
      %parallel_loop3A_141 = tpu.vector_load %arg18[%parallel_loop3A_139, %parallel_loop3A_140] {strides = array<i32>} : memref<80x128xf32, #tpu.memory_space<vmem>>, vector<16xf32>,
      tpu.vector_store %arg18[%parallel_loop3A_139, %parallel_loop3A_140], %parallel_loop3A_138 {strides = array<i32>} : memref<80x128xf32, #tpu.memory_space<vmem>>, vector<16xf32>,
      %parallel_loop3A_142 = arith.index_cast %parallel_loop3A_129 : i32 to index
      %parallel_loop3A_143 = arith.constant 16 : index
      %parallel_loop3A_144 = tpu.vector_load %arg18[%parallel_loop3A_142, %parallel_loop3A_143] {strides = array<i32>} : memref<80x128xf32, #tpu.memory_space<vmem>>, vector<16xf32>,
      %parallel_loop3A_145 = arith.mulf %parallel_loop3A_144, %parallel_loop3A_134 : vector<16xf32>
      %parallel_loop3A_146 = arith.index_cast %parallel_loop3A_129 : i32 to index
      %parallel_loop3A_147 = arith.constant 16 : index
      %parallel_loop3A_148 = tpu.vector_load %arg18[%parallel_loop3A_146, %parallel_loop3A_147] {strides = array<i32>} : memref<80x128xf32, #tpu.memory_space<vmem>>, vector<16xf32>,
      tpu.vector_store %arg18[%parallel_loop3A_146, %parallel_loop3A_147], %parallel_loop3A_145 {strides = array<i32>} : memref<80x128xf32, #tpu.memory_space<vmem>>, vector<16xf32>,
      %parallel_loop3A_149 = arith.index_cast %parallel_loop3A_129 : i32 to index
      %parallel_loop3A_150 = arith.constant 32 : index
      %parallel_loop3A_151 = tpu.vector_load %arg18[%parallel_loop3A_149, %parallel_loop3A_150] {strides = array<i32>} : memref<80x128xf32, #tpu.memory_space<vmem>>, vector<16xf32>,
      %parallel_loop3A_152 = arith.mulf %parallel_loop3A_151, %parallel_loop3A_134 : vector<16xf32>
      %parallel_loop3A_153 = arith.index_cast %parallel_loop3A_129 : i32 to index
      %parallel_loop3A_154 = arith.constant 32 : index
      %parallel_loop3A_155 = tpu.vector_load %arg18[%parallel_loop3A_153, %parallel_loop3A_154] {strides = array<i32>} : memref<80x128xf32, #tpu.memory_space<vmem>>, vector<16xf32>,
      tpu.vector_store %arg18[%parallel_loop3A_153, %parallel_loop3A_154], %parallel_loop3A_152 {strides = array<i32>} : memref<80x128xf32, #tpu.memory_space<vmem>>, vector<16xf32>,
      %parallel_loop3A_156 = arith.index_cast %parallel_loop3A_129 : i32 to index
      %parallel_loop3A_157 = arith.constant 48 : index
      %parallel_loop3A_158 = tpu.vector_load %arg18[%parallel_loop3A_156, %parallel_loop3A_157] {strides = array<i32>} : memref<80x128xf32, #tpu.memory_space<vmem>>, vector<16xf32>,
      %parallel_loop3A_159 = arith.mulf %parallel_loop3A_158, %parallel_loop3A_134 : vector<16xf32>
      %parallel_loop3A_160 = arith.index_cast %parallel_loop3A_129 : i32 to index
      %parallel_loop3A_161 = arith.constant 48 : index
      %parallel_loop3A_162 = tpu.vector_load %arg18[%parallel_loop3A_160, %parallel_loop3A_161] {strides = array<i32>} : memref<80x128xf32, #tpu.memory_space<vmem>>, vector<16xf32>,
      tpu.vector_store %arg18[%parallel_loop3A_160, %parallel_loop3A_161], %parallel_loop3A_159 {strides = array<i32>} : memref<80x128xf32, #tpu.memory_space<vmem>>, vector<16xf32>,
      %parallel_loop3A_163 = arith.index_cast %parallel_loop3A_129 : i32 to index
      %parallel_loop3A_164 = arith.constant 64 : index
      %parallel_loop3A_165 = tpu.vector_load %arg18[%parallel_loop3A_163, %parallel_loop3A_164] {strides = array<i32>} : memref<80x128xf32, #tpu.memory_space<vmem>>, vector<16xf32>,
      %parallel_loop3A_166 = arith.mulf %parallel_loop3A_165, %parallel_loop3A_134 : vector<16xf32>
      %parallel_loop3A_167 = arith.index_cast %parallel_loop3A_129 : i32 to index
      %parallel_loop3A_168 = arith.constant 64 : index
      %parallel_loop3A_169 = tpu.vector_load %arg18[%parallel_loop3A_167, %parallel_loop3A_168] {strides = array<i32>} : memref<80x128xf32, #tpu.memory_space<vmem>>, vector<16xf32>,
      tpu.vector_store %arg18[%parallel_loop3A_167, %parallel_loop3A_168], %parallel_loop3A_166 {strides = array<i32>} : memref<80x128xf32, #tpu.memory_space<vmem>>, vector<16xf32>,
      %parallel_loop3A_170 = arith.index_cast %parallel_loop3A_129 : i32 to index
      %parallel_loop3A_171 = arith.constant 80 : index
      %parallel_loop3A_172 = tpu.vector_load %arg18[%parallel_loop3A_170, %parallel_loop3A_171] {strides = array<i32>} : memref<80x128xf32, #tpu.memory_space<vmem>>, vector<16xf32>,
      %parallel_loop3A_173 = arith.mulf %parallel_loop3A_172, %parallel_loop3A_134 : vector<16xf32>
      %parallel_loop3A_174 = arith.index_cast %parallel_loop3A_129 : i32 to index
      %parallel_loop3A_175 = arith.constant 80 : index
      %parallel_loop3A_176 = tpu.vector_load %arg18[%parallel_loop3A_174, %parallel_loop3A_175] {strides = array<i32>} : memref<80x128xf32, #tpu.memory_space<vmem>>, vector<16xf32>,
      tpu.vector_store %arg18[%parallel_loop3A_174, %parallel_loop3A_175], %parallel_loop3A_173 {strides = array<i32>} : memref<80x128xf32, #tpu.memory_space<vmem>>, vector<16xf32>,
      %parallel_loop3A_177 = arith.index_cast %parallel_loop3A_129 : i32 to index
      %parallel_loop3A_178 = arith.constant 96 : index
      %parallel_loop3A_179 = tpu.vector_load %arg18[%parallel_loop3A_177, %parallel_loop3A_178] {strides = array<i32>} : memref<80x128xf32, #tpu.memory_space<vmem>>, vector<16xf32>,
      %parallel_loop3A_180 = arith.mulf %parallel_loop3A_179, %parallel_loop3A_134 : vector<16xf32>
      %parallel_loop3A_181 = arith.index_cast %parallel_loop3A_129 : i32 to index
      %parallel_loop3A_182 = arith.constant 96 : index
      %parallel_loop3A_183 = tpu.vector_load %arg18[%parallel_loop3A_181, %parallel_loop3A_182] {strides = array<i32>} : memref<80x128xf32, #tpu.memory_space<vmem>>, vector<16xf32>,
      tpu.vector_store %arg18[%parallel_loop3A_181, %parallel_loop3A_182], %parallel_loop3A_180 {strides = array<i32>} : memref<80x128xf32, #tpu.memory_space<vmem>>, vector<16xf32>,
      %parallel_loop3A_184 = arith.index_cast %parallel_loop3A_129 : i32 to index
      %parallel_loop3A_185 = arith.constant 112 : index
      %parallel_loop3A_186 = tpu.vector_load %arg18[%parallel_loop3A_184, %parallel_loop3A_185] {strides = array<i32>} : memref<80x128xf32, #tpu.memory_space<vmem>>, vector<16xf32>,
      %parallel_loop3A_187 = arith.mulf %parallel_loop3A_186, %parallel_loop3A_134 : vector<16xf32>
      %parallel_loop3A_188 = arith.index_cast %parallel_loop3A_129 : i32 to index
      %parallel_loop3A_189 = arith.constant 112 : index
      %parallel_loop3A_190 = tpu.vector_load %arg18[%parallel_loop3A_188, %parallel_loop3A_189] {strides = array<i32>} : memref<80x128xf32, #tpu.memory_space<vmem>>, vector<16xf32>,
      tpu.vector_store %arg18[%parallel_loop3A_188, %parallel_loop3A_189], %parallel_loop3A_187 {strides = array<i32>} : memref<80x128xf32, #tpu.memory_space<vmem>>, vector<16xf32>,
    } {sc.loop_unroll_factor = 2 : i64, sc.parallel_access}
    %dma_start3A_74 = arith.constant 0 : i32
    %dma_start3A_75 = arith.constant 0 : i32
    %dma_start3A_76 = tpu.memref_slice %arg35[%dma_start3A_74, %dma_start3A_75] : memref<10240x128xf32, #tpu.memory_space<vmem_shared>> -> memref<10240x128xf32, #tpu.memory_space<vmem_shared>>
    tpu.enqueue_indirect_dma source(%arg18 : memref<80x128xf32, #tpu.memory_space<vmem>>) target(%dma_start3A_76 : memref<10240x128xf32, #tpu.memory_space<vmem_shared>>) offsets(%arg15 : memref<80xi32, #tpu.memory_space<vmem>>) semaphore(%arg45 : memref<!tpu.dma_semaphore, #tpu.memory_space<semaphore_mem>>) {add = true}
    %dma_start3A_77 = arith.constant 0 : i32
    %dma_start3A_78 = tpu.memref_slice %arg36[%dma_start3A_77] : memref<10240xf32, #tpu.memory_space<vmem_shared>> -> memref<10240xf32, #tpu.memory_space<vmem_shared>>
    tpu.enqueue_indirect_dma source(%arg21 : memref<80xf32, #tpu.memory_space<vmem>>) target(%dma_start3A_78 : memref<10240xf32, #tpu.memory_space<vmem_shared>>) offsets(%arg15 : memref<80xi32, #tpu.memory_space<vmem>>) semaphore(%arg45 : memref<!tpu.dma_semaphore, #tpu.memory_space<semaphore_mem>>) {add = true}
    %dma_wait3A_79 = arith.constant 0 : i32
    %dma_wait3A_80 = arith.constant 0 : i32
    %dma_wait3A_81 = tpu.memref_slice %arg35[%dma_wait3A_79, %dma_wait3A_80] : memref<10240x128xf32, #tpu.memory_space<vmem_shared>> -> memref<10240x128xf32, #tpu.memory_space<vmem_shared>>
    tpu.wait_indirect_dma semaphore(%arg47 : memref<!tpu.dma_semaphore, #tpu.memory_space<semaphore_mem>>) src(%arg20 : memref<80x128xf32, #tpu.memory_space<vmem>>) dst(%dma_wait3A_81 : memref<10240x128xf32, #tpu.memory_space<vmem_shared>>)
    %dma_wait3A_82 = arith.constant 0 : i32
    %dma_wait3A_83 = tpu.memref_slice %arg36[%dma_wait3A_82] : memref<10240xf32, #tpu.memory_space<vmem_shared>> -> memref<10240xf32, #tpu.memory_space<vmem_shared>>
    tpu.wait_indirect_dma semaphore(%arg47 : memref<!tpu.dma_semaphore, #tpu.memory_space<semaphore_mem>>) src(%arg23 : memref<80xf32, #tpu.memory_space<vmem>>) dst(%dma_wait3A_83 : memref<10240xf32, #tpu.memory_space<vmem_shared>>)
    %dma_wait3A_84 = arith.constant 0 : i32
    %dma_wait3A_85 = tpu.memref_slice %arg37[%dma_wait3A_84] : memref<10000xf32, #tpu.memory_space<vmem_shared>> -> memref<10000xf32, #tpu.memory_space<vmem_shared>>
    tpu.wait_indirect_dma semaphore(%arg43 : memref<!tpu.dma_semaphore, #tpu.memory_space<semaphore_mem>>) src(%dma_wait3A_85 : memref<10000xf32, #tpu.memory_space<vmem_shared>>) dst(%arg25 : memref<80xf32, #tpu.memory_space<vmem>>)
    %dma_wait3A_86 = arith.constant 0 : i32
    %dma_wait3A_87 = tpu.memref_slice %arg38[%dma_wait3A_86] : memref<10000xf32, #tpu.memory_space<vmem_shared>> -> memref<10000xf32, #tpu.memory_space<vmem_shared>>
    tpu.wait_indirect_dma semaphore(%arg43 : memref<!tpu.dma_semaphore, #tpu.memory_space<semaphore_mem>>) src(%dma_wait3A_87 : memref<10000xf32, #tpu.memory_space<vmem_shared>>) dst(%arg28 : memref<80xf32, #tpu.memory_space<vmem>>)
    %parallel_loop3A_88 = arith.constant 0 : i32
    %parallel_loop3A_89 = arith.constant 5 : i32
    %parallel_loop3A_90 = arith.constant 1 : i32
    scf.for %parallel_loop3A_129 = %parallel_loop3A_88 to %parallel_loop3A_89 step %parallel_loop3A_90  : i32 {
      %parallel_loop3A_130 = arith.constant 16 : i32
      %parallel_loop3A_131 = arith.muli %parallel_loop3A_129, %parallel_loop3A_130 : i32
      %parallel_loop3A_132 = arith.index_cast %parallel_loop3A_131 : i32 to index
      %parallel_loop3A_133 = tpu.vector_load %arg25[%parallel_loop3A_132] {strides = array<i32>} : memref<80xf32, #tpu.memory_space<vmem>>, vector<16xf32>,
      %parallel_loop3A_134 = arith.constant 16 : i32
      %parallel_loop3A_135 = arith.muli %parallel_loop3A_129, %parallel_loop3A_134 : i32
      %parallel_loop3A_136 = arith.index_cast %parallel_loop3A_135 : i32 to index
      %parallel_loop3A_137 = tpu.vector_load %arg28[%parallel_loop3A_136] {strides = array<i32>} : memref<80xf32, #tpu.memory_space<vmem>>, vector<16xf32>,
      %parallel_loop3A_138 = arith.addf %parallel_loop3A_133, %parallel_loop3A_137 : vector<16xf32>
      %parallel_loop3A_139 = arith.constant 0.000000e+00 : f32
      %parallel_loop3A_140 = vector.broadcast %parallel_loop3A_139 : f32 to vector<16xf32>
      %parallel_loop3A_141 = arith.cmpf oge, %parallel_loop3A_138, %parallel_loop3A_140 : vector<16xf32>
      %parallel_loop3A_142 = arith.constant 2.000000e-01 : f32
      %parallel_loop3A_143 = vector.broadcast %parallel_loop3A_142 : f32 to vector<16xf32>
      %parallel_loop3A_144 = arith.mulf %parallel_loop3A_143, %parallel_loop3A_138 : vector<16xf32>
      %parallel_loop3A_145 = arith.select %parallel_loop3A_141, %parallel_loop3A_138, %parallel_loop3A_144 : vector<16xi1>, vector<16xf32>
      %parallel_loop3A_146 = arith.subf %parallel_loop3A_145, %get3A_18 : vector<16xf32>
      %parallel_loop3A_147 = math.exp %parallel_loop3A_146 : vector<16xf32>
      %parallel_loop3A_148 = arith.constant 16 : i32
      %parallel_loop3A_149 = arith.muli %parallel_loop3A_129, %parallel_loop3A_148 : i32
      %parallel_loop3A_150 = arith.index_cast %parallel_loop3A_149 : i32 to index
      %parallel_loop3A_151 = tpu.vector_load %arg22[%parallel_loop3A_150] {strides = array<i32>} : memref<80xf32, #tpu.memory_space<vmem>>, vector<16xf32>,
      tpu.vector_store %arg22[%parallel_loop3A_150], %parallel_loop3A_147 {strides = array<i32>} : memref<80xf32, #tpu.memory_space<vmem>>, vector<16xf32>,
    } {sc.loop_unroll_factor = 5 : i64, sc.parallel_access}
    %dma_wait3A_91 = arith.constant 0 : i32
    %dma_wait3A_92 = arith.constant 0 : i32
    %dma_wait3A_93 = tpu.memref_slice %arg5[%dma_wait3A_91, %dma_wait3A_92] : memref<10000x128xf32, #tpu.memory_space<hbm>> -> memref<10000x128xf32, #tpu.memory_space<hbm>>
    tpu.wait_indirect_dma semaphore(%arg40 : memref<!tpu.dma_semaphore, #tpu.memory_space<semaphore_mem>>) src(%dma_wait3A_93 : memref<10000x128xf32, #tpu.memory_space<hbm>>) dst(%arg19 : memref<80x128xf32, #tpu.memory_space<vmem>>)
    %parallel_loop3A_94 = arith.constant 0 : i32
    %parallel_loop3A_95 = arith.constant 80 : i32
    %parallel_loop3A_96 = arith.constant 1 : i32
    scf.for %parallel_loop3A_129 = %parallel_loop3A_94 to %parallel_loop3A_95 step %parallel_loop3A_96  : i32 {
      %parallel_loop3A_130 = arith.constant 0 : i32
      %parallel_loop3A_131 = vector.broadcast %parallel_loop3A_130 : i32 to vector<16xi32>
      %parallel_loop3A_132 = vector.broadcast %parallel_loop3A_129 : i32 to vector<16xi32>
      %parallel_loop3A_133 = arith.addi %parallel_loop3A_131, %parallel_loop3A_132 : vector<16xi32>
      %parallel_loop3A_134 = tpu.vector_load_idx %arg22[%parallel_loop3A_133] : memref<80xf32, #tpu.memory_space<vmem>>[vector<16xi32>], vector<16xf32>,
      %parallel_loop3A_135 = arith.index_cast %parallel_loop3A_129 : i32 to index
      %parallel_loop3A_136 = arith.constant 0 : index
      %parallel_loop3A_137 = tpu.vector_load %arg19[%parallel_loop3A_135, %parallel_loop3A_136] {strides = array<i32>} : memref<80x128xf32, #tpu.memory_space<vmem>>, vector<16xf32>,
      %parallel_loop3A_138 = arith.mulf %parallel_loop3A_137, %parallel_loop3A_134 : vector<16xf32>
      %parallel_loop3A_139 = arith.index_cast %parallel_loop3A_129 : i32 to index
      %parallel_loop3A_140 = arith.constant 0 : index
      %parallel_loop3A_141 = tpu.vector_load %arg19[%parallel_loop3A_139, %parallel_loop3A_140] {strides = array<i32>} : memref<80x128xf32, #tpu.memory_space<vmem>>, vector<16xf32>,
      tpu.vector_store %arg19[%parallel_loop3A_139, %parallel_loop3A_140], %parallel_loop3A_138 {strides = array<i32>} : memref<80x128xf32, #tpu.memory_space<vmem>>, vector<16xf32>,
      %parallel_loop3A_142 = arith.index_cast %parallel_loop3A_129 : i32 to index
      %parallel_loop3A_143 = arith.constant 16 : index
      %parallel_loop3A_144 = tpu.vector_load %arg19[%parallel_loop3A_142, %parallel_loop3A_143] {strides = array<i32>} : memref<80x128xf32, #tpu.memory_space<vmem>>, vector<16xf32>,
      %parallel_loop3A_145 = arith.mulf %parallel_loop3A_144, %parallel_loop3A_134 : vector<16xf32>
      %parallel_loop3A_146 = arith.index_cast %parallel_loop3A_129 : i32 to index
      %parallel_loop3A_147 = arith.constant 16 : index
      %parallel_loop3A_148 = tpu.vector_load %arg19[%parallel_loop3A_146, %parallel_loop3A_147] {strides = array<i32>} : memref<80x128xf32, #tpu.memory_space<vmem>>, vector<16xf32>,
      tpu.vector_store %arg19[%parallel_loop3A_146, %parallel_loop3A_147], %parallel_loop3A_145 {strides = array<i32>} : memref<80x128xf32, #tpu.memory_space<vmem>>, vector<16xf32>,
      %parallel_loop3A_149 = arith.index_cast %parallel_loop3A_129 : i32 to index
      %parallel_loop3A_150 = arith.constant 32 : index
      %parallel_loop3A_151 = tpu.vector_load %arg19[%parallel_loop3A_149, %parallel_loop3A_150] {strides = array<i32>} : memref<80x128xf32, #tpu.memory_space<vmem>>, vector<16xf32>,
      %parallel_loop3A_152 = arith.mulf %parallel_loop3A_151, %parallel_loop3A_134 : vector<16xf32>
      %parallel_loop3A_153 = arith.index_cast %parallel_loop3A_129 : i32 to index
      %parallel_loop3A_154 = arith.constant 32 : index
      %parallel_loop3A_155 = tpu.vector_load %arg19[%parallel_loop3A_153, %parallel_loop3A_154] {strides = array<i32>} : memref<80x128xf32, #tpu.memory_space<vmem>>, vector<16xf32>,
      tpu.vector_store %arg19[%parallel_loop3A_153, %parallel_loop3A_154], %parallel_loop3A_152 {strides = array<i32>} : memref<80x128xf32, #tpu.memory_space<vmem>>, vector<16xf32>,
      %parallel_loop3A_156 = arith.index_cast %parallel_loop3A_129 : i32 to index
      %parallel_loop3A_157 = arith.constant 48 : index
      %parallel_loop3A_158 = tpu.vector_load %arg19[%parallel_loop3A_156, %parallel_loop3A_157] {strides = array<i32>} : memref<80x128xf32, #tpu.memory_space<vmem>>, vector<16xf32>,
      %parallel_loop3A_159 = arith.mulf %parallel_loop3A_158, %parallel_loop3A_134 : vector<16xf32>
      %parallel_loop3A_160 = arith.index_cast %parallel_loop3A_129 : i32 to index
      %parallel_loop3A_161 = arith.constant 48 : index
      %parallel_loop3A_162 = tpu.vector_load %arg19[%parallel_loop3A_160, %parallel_loop3A_161] {strides = array<i32>} : memref<80x128xf32, #tpu.memory_space<vmem>>, vector<16xf32>,
      tpu.vector_store %arg19[%parallel_loop3A_160, %parallel_loop3A_161], %parallel_loop3A_159 {strides = array<i32>} : memref<80x128xf32, #tpu.memory_space<vmem>>, vector<16xf32>,
      %parallel_loop3A_163 = arith.index_cast %parallel_loop3A_129 : i32 to index
      %parallel_loop3A_164 = arith.constant 64 : index
      %parallel_loop3A_165 = tpu.vector_load %arg19[%parallel_loop3A_163, %parallel_loop3A_164] {strides = array<i32>} : memref<80x128xf32, #tpu.memory_space<vmem>>, vector<16xf32>,
      %parallel_loop3A_166 = arith.mulf %parallel_loop3A_165, %parallel_loop3A_134 : vector<16xf32>
      %parallel_loop3A_167 = arith.index_cast %parallel_loop3A_129 : i32 to index
      %parallel_loop3A_168 = arith.constant 64 : index
      %parallel_loop3A_169 = tpu.vector_load %arg19[%parallel_loop3A_167, %parallel_loop3A_168] {strides = array<i32>} : memref<80x128xf32, #tpu.memory_space<vmem>>, vector<16xf32>,
      tpu.vector_store %arg19[%parallel_loop3A_167, %parallel_loop3A_168], %parallel_loop3A_166 {strides = array<i32>} : memref<80x128xf32, #tpu.memory_space<vmem>>, vector<16xf32>,
      %parallel_loop3A_170 = arith.index_cast %parallel_loop3A_129 : i32 to index
      %parallel_loop3A_171 = arith.constant 80 : index
      %parallel_loop3A_172 = tpu.vector_load %arg19[%parallel_loop3A_170, %parallel_loop3A_171] {strides = array<i32>} : memref<80x128xf32, #tpu.memory_space<vmem>>, vector<16xf32>,
      %parallel_loop3A_173 = arith.mulf %parallel_loop3A_172, %parallel_loop3A_134 : vector<16xf32>
      %parallel_loop3A_174 = arith.index_cast %parallel_loop3A_129 : i32 to index
      %parallel_loop3A_175 = arith.constant 80 : index
      %parallel_loop3A_176 = tpu.vector_load %arg19[%parallel_loop3A_174, %parallel_loop3A_175] {strides = array<i32>} : memref<80x128xf32, #tpu.memory_space<vmem>>, vector<16xf32>,
      tpu.vector_store %arg19[%parallel_loop3A_174, %parallel_loop3A_175], %parallel_loop3A_173 {strides = array<i32>} : memref<80x128xf32, #tpu.memory_space<vmem>>, vector<16xf32>,
      %parallel_loop3A_177 = arith.index_cast %parallel_loop3A_129 : i32 to index
      %parallel_loop3A_178 = arith.constant 96 : index
      %parallel_loop3A_179 = tpu.vector_load %arg19[%parallel_loop3A_177, %parallel_loop3A_178] {strides = array<i32>} : memref<80x128xf32, #tpu.memory_space<vmem>>, vector<16xf32>,
      %parallel_loop3A_180 = arith.mulf %parallel_loop3A_179, %parallel_loop3A_134 : vector<16xf32>
      %parallel_loop3A_181 = arith.index_cast %parallel_loop3A_129 : i32 to index
      %parallel_loop3A_182 = arith.constant 96 : index
      %parallel_loop3A_183 = tpu.vector_load %arg19[%parallel_loop3A_181, %parallel_loop3A_182] {strides = array<i32>} : memref<80x128xf32, #tpu.memory_space<vmem>>, vector<16xf32>,
      tpu.vector_store %arg19[%parallel_loop3A_181, %parallel_loop3A_182], %parallel_loop3A_180 {strides = array<i32>} : memref<80x128xf32, #tpu.memory_space<vmem>>, vector<16xf32>,
      %parallel_loop3A_184 = arith.index_cast %parallel_loop3A_129 : i32 to index
      %parallel_loop3A_185 = arith.constant 112 : index
      %parallel_loop3A_186 = tpu.vector_load %arg19[%parallel_loop3A_184, %parallel_loop3A_185] {strides = array<i32>} : memref<80x128xf32, #tpu.memory_space<vmem>>, vector<16xf32>,
      %parallel_loop3A_187 = arith.mulf %parallel_loop3A_186, %parallel_loop3A_134 : vector<16xf32>
      %parallel_loop3A_188 = arith.index_cast %parallel_loop3A_129 : i32 to index
      %parallel_loop3A_189 = arith.constant 112 : index
      %parallel_loop3A_190 = tpu.vector_load %arg19[%parallel_loop3A_188, %parallel_loop3A_189] {strides = array<i32>} : memref<80x128xf32, #tpu.memory_space<vmem>>, vector<16xf32>,
      tpu.vector_store %arg19[%parallel_loop3A_188, %parallel_loop3A_189], %parallel_loop3A_187 {strides = array<i32>} : memref<80x128xf32, #tpu.memory_space<vmem>>, vector<16xf32>,
    } {sc.loop_unroll_factor = 2 : i64, sc.parallel_access}
    %dma_start3A_97 = arith.constant 0 : i32
    %dma_start3A_98 = arith.constant 0 : i32
    %dma_start3A_99 = tpu.memref_slice %arg35[%dma_start3A_97, %dma_start3A_98] : memref<10240x128xf32, #tpu.memory_space<vmem_shared>> -> memref<10240x128xf32, #tpu.memory_space<vmem_shared>>
    tpu.enqueue_indirect_dma source(%arg19 : memref<80x128xf32, #tpu.memory_space<vmem>>) target(%dma_start3A_99 : memref<10240x128xf32, #tpu.memory_space<vmem_shared>>) offsets(%arg16 : memref<80xi32, #tpu.memory_space<vmem>>) semaphore(%arg46 : memref<!tpu.dma_semaphore, #tpu.memory_space<semaphore_mem>>) {add = true}
    %dma_start3A_100 = arith.constant 0 : i32
    %dma_start3A_101 = tpu.memref_slice %arg36[%dma_start3A_100] : memref<10240xf32, #tpu.memory_space<vmem_shared>> -> memref<10240xf32, #tpu.memory_space<vmem_shared>>
    tpu.enqueue_indirect_dma source(%arg22 : memref<80xf32, #tpu.memory_space<vmem>>) target(%dma_start3A_101 : memref<10240xf32, #tpu.memory_space<vmem_shared>>) offsets(%arg16 : memref<80xi32, #tpu.memory_space<vmem>>) semaphore(%arg46 : memref<!tpu.dma_semaphore, #tpu.memory_space<semaphore_mem>>) {add = true}
    %dma_wait3A_102 = arith.constant 0 : i32
    %dma_wait3A_103 = arith.constant 0 : i32
    %dma_wait3A_104 = tpu.memref_slice %arg35[%dma_wait3A_102, %dma_wait3A_103] : memref<10240x128xf32, #tpu.memory_space<vmem_shared>> -> memref<10240x128xf32, #tpu.memory_space<vmem_shared>>
    tpu.wait_indirect_dma semaphore(%arg45 : memref<!tpu.dma_semaphore, #tpu.memory_space<semaphore_mem>>) src(%arg18 : memref<80x128xf32, #tpu.memory_space<vmem>>) dst(%dma_wait3A_104 : memref<10240x128xf32, #tpu.memory_space<vmem_shared>>)
    %dma_wait3A_105 = arith.constant 0 : i32
    %dma_wait3A_106 = tpu.memref_slice %arg36[%dma_wait3A_105] : memref<10240xf32, #tpu.memory_space<vmem_shared>> -> memref<10240xf32, #tpu.memory_space<vmem_shared>>
    tpu.wait_indirect_dma semaphore(%arg45 : memref<!tpu.dma_semaphore, #tpu.memory_space<semaphore_mem>>) src(%arg21 : memref<80xf32, #tpu.memory_space<vmem>>) dst(%dma_wait3A_106 : memref<10240xf32, #tpu.memory_space<vmem_shared>>)
    %dma_wait3A_107 = arith.constant 0 : i32
    %dma_wait3A_108 = arith.constant 0 : i32
    %dma_wait3A_109 = tpu.memref_slice %arg35[%dma_wait3A_107, %dma_wait3A_108] : memref<10240x128xf32, #tpu.memory_space<vmem_shared>> -> memref<10240x128xf32, #tpu.memory_space<vmem_shared>>
    tpu.wait_indirect_dma semaphore(%arg46 : memref<!tpu.dma_semaphore, #tpu.memory_space<semaphore_mem>>) src(%arg19 : memref<80x128xf32, #tpu.memory_space<vmem>>) dst(%dma_wait3A_109 : memref<10240x128xf32, #tpu.memory_space<vmem_shared>>)
    %dma_wait3A_110 = arith.constant 0 : i32
    %dma_wait3A_111 = tpu.memref_slice %arg36[%dma_wait3A_110] : memref<10240xf32, #tpu.memory_space<vmem_shared>> -> memref<10240xf32, #tpu.memory_space<vmem_shared>>
    tpu.wait_indirect_dma semaphore(%arg46 : memref<!tpu.dma_semaphore, #tpu.memory_space<semaphore_mem>>) src(%arg22 : memref<80xf32, #tpu.memory_space<vmem>>) dst(%dma_wait3A_111 : memref<10240xf32, #tpu.memory_space<vmem_shared>>)
    %barrier3A_112 = arith.constant 0 : index
    tpu.barrier barrier_id(%barrier3A_112)
    %dma_start3A_113 = arith.constant 0 : i32
    %dma_start3A_114 = tpu.memref_slice %arg9[%arg0, %mul3A_4, %dma_start3A_113] : memref<2x10240x128xf32, #tpu.memory_space<hbm>> -> memref<1x640x128xf32, #tpu.memory_space<hbm>>
    %dma_start3A_115 = tpu.memref_squeeze %dma_start3A_114 : memref<1x640x128xf32, #tpu.memory_space<hbm>> -> memref<640x128xf32, #tpu.memory_space<hbm>>
    %dma_start3A_116 = arith.constant 0 : i32
    %dma_start3A_117 = tpu.memref_slice %arg35[%mul3A_4, %dma_start3A_116] : memref<10240x128xf32, #tpu.memory_space<vmem_shared>> -> memref<640x128xf32, #tpu.memory_space<vmem_shared>>
    tpu.enqueue_dma source(%dma_start3A_117 : memref<640x128xf32, #tpu.memory_space<vmem_shared>>) target(%dma_start3A_115 : memref<640x128xf32, #tpu.memory_space<hbm>>) target_semaphore(%arg51 : memref<!tpu.dma_semaphore, #tpu.memory_space<semaphore_mem>>)
    %dma_start3A_118 = tpu.memref_slice %arg10[%arg0, %mul3A_4] : memref<2x10240xf32, #tpu.memory_space<hbm>> -> memref<1x640xf32, #tpu.memory_space<hbm>>
    %dma_start3A_119 = tpu.memref_squeeze %dma_start3A_118 : memref<1x640xf32, #tpu.memory_space<hbm>> -> memref<640xf32, #tpu.memory_space<hbm>>
    %dma_start3A_120 = tpu.memref_slice %arg36[%mul3A_4] : memref<10240xf32, #tpu.memory_space<vmem_shared>> -> memref<640xf32, #tpu.memory_space<vmem_shared>>
    tpu.enqueue_dma source(%dma_start3A_120 : memref<640xf32, #tpu.memory_space<vmem_shared>>) target(%dma_start3A_119 : memref<640xf32, #tpu.memory_space<hbm>>) target_semaphore(%arg51 : memref<!tpu.dma_semaphore, #tpu.memory_space<semaphore_mem>>)
    %dma_wait3A_121 = arith.constant 0 : i32
    %dma_wait3A_122 = tpu.memref_slice %arg9[%arg0, %mul3A_4, %dma_wait3A_121] : memref<2x10240x128xf32, #tpu.memory_space<hbm>> -> memref<1x640x128xf32, #tpu.memory_space<hbm>>
    %dma_wait3A_123 = tpu.memref_squeeze %dma_wait3A_122 : memref<1x640x128xf32, #tpu.memory_space<hbm>> -> memref<640x128xf32, #tpu.memory_space<hbm>>
    %dma_wait3A_124 = arith.constant 0 : i32
    %dma_wait3A_125 = tpu.memref_slice %arg35[%mul3A_4, %dma_wait3A_124] : memref<10240x128xf32, #tpu.memory_space<vmem_shared>> -> memref<640x128xf32, #tpu.memory_space<vmem_shared>>
    tpu.wait_dma2 semaphore(%arg51 : memref<!tpu.dma_semaphore, #tpu.memory_space<semaphore_mem>>) src(%dma_wait3A_125 : memref<640x128xf32, #tpu.memory_space<vmem_shared>>) dst(%dma_wait3A_123 : memref<640x128xf32, #tpu.memory_space<hbm>>)
    %dma_wait3A_126 = tpu.memref_slice %arg10[%arg0, %mul3A_4] : memref<2x10240xf32, #tpu.memory_space<hbm>> -> memref<1x640xf32, #tpu.memory_space<hbm>>
    %dma_wait3A_127 = tpu.memref_squeeze %dma_wait3A_126 : memref<1x640xf32, #tpu.memory_space<hbm>> -> memref<640xf32, #tpu.memory_space<hbm>>
    %dma_wait3A_128 = tpu.memref_slice %arg36[%mul3A_4] : memref<10240xf32, #tpu.memory_space<vmem_shared>> -> memref<640xf32, #tpu.memory_space<vmem_shared>>
    tpu.wait_dma2 semaphore(%arg51 : memref<!tpu.dma_semaphore, #tpu.memory_space<semaphore_mem>>) src(%dma_wait3A_128 : memref<640xf32, #tpu.memory_space<vmem_shared>>) dst(%dma_wait3A_127 : memref<640xf32, #tpu.memory_space<hbm>>)
    return
  }
}

module attributes {stable_mosaic.version = 14 : i64} {
  func.func @_project_body(%arg0: i32, %arg1: memref<2000x128xf32, #tpu.memory_space<vmem>>, %arg2: memref<2000x128xf32, #tpu.memory_space<vmem>>, %arg3: memref<128x128xf32, #tpu.memory_space<vmem>>, %arg4: memref<128x128xf32, #tpu.memory_space<vmem>>, %arg5: memref<1x128xf32, #tpu.memory_space<vmem>>, %arg6: memref<1x128xf32, #tpu.memory_space<vmem>>, %arg7: memref<2000x128xf32, #tpu.memory_space<vmem>>, %arg8: memref<2000x1xf32, #tpu.memory_space<vmem>>, %arg9: memref<2000x1xf32, #tpu.memory_space<vmem>>, %arg10: memref<1x16xf32, #tpu.memory_space<vmem>>, %arg11: memref<1x1xf32, #tpu.memory_space<smem>>, %arg12: memref<1x1xf32, #tpu.memory_space<smem>>) attributes {dimension_semantics = [#tpu.dimension_semantics<arbitrary>], iteration_bounds = array<i64: 5>, scalar_prefetch = 0 : i64, scratch_operands = 2 : i64, tpu.core_type = #tpu.core_type<tc>, window_params = [{transform_indices = @transform_0, window_bounds = array<i64: 2000, 128>}, {transform_indices = @transform_1, window_bounds = array<i64: 2000, 128>}, {pipeline_mode = #tpu.pipeline_mode<synchronous>, transform_indices = @transform_2, window_bounds = array<i64: 128, 128>}, {pipeline_mode = #tpu.pipeline_mode<synchronous>, transform_indices = @transform_3, window_bounds = array<i64: 128, 128>}, {pipeline_mode = #tpu.pipeline_mode<synchronous>, transform_indices = @transform_4, window_bounds = array<i64: 1, 128>}, {pipeline_mode = #tpu.pipeline_mode<synchronous>, transform_indices = @transform_5, window_bounds = array<i64: 1, 128>}, {transform_indices = @transform_6, window_bounds = array<i64: 2000, 128>}, {transform_indices = @transform_7, window_bounds = array<i64: 2000, 1>}, {transform_indices = @transform_8, window_bounds = array<i64: 2000, 1>}, {pipeline_mode = #tpu.pipeline_mode<synchronous>, transform_indices = @transform_9, window_bounds = array<i64: 1, 16>}]} {
    %get3A = arith.constant 0 : index
    %get3A_0 = arith.constant 0 : index
    %get3A_1 = vector.load %arg1[%get3A, %get3A_0] : memref<2000x128xf32, #tpu.memory_space<vmem>>, vector<2000x128xf32>
    %get3A_2 = arith.constant 0 : index
    %get3A_3 = arith.constant 0 : index
    %get3A_4 = vector.load %arg3[%get3A_2, %get3A_3] : memref<128x128xf32, #tpu.memory_space<vmem>>, vector<128x128xf32>
    %dot_general3A = arith.constant dense<0.000000e+00> : vector<2000x128xf32>
    %dot_general3A_5 = tpu.matmul %get3A_1, %get3A_4, %dot_general3A {dimension_numbers = #tpu.dot_dimension_numbers<[1], [0], [0], [1], [0, 0, 1, 1], [], []>, transpose_lhs_hint = false} : vector<2000x128xf32>, vector<128x128xf32>, vector<2000x128xf32> -> vector<2000x128xf32>
    %swap3A = arith.constant 0 : index
    %swap3A_6 = arith.constant 0 : index
    %swap3A_7 = vector.load %arg7[%swap3A, %swap3A_6] : memref<2000x128xf32, #tpu.memory_space<vmem>>, vector<2000x128xf32>
    tpu.vector_store %arg7[%swap3A, %swap3A_6], %dot_general3A_5 {strides = array<i32>} : memref<2000x128xf32, #tpu.memory_space<vmem>>, vector<2000x128xf32>,
    %get3A_8 = arith.constant 0 : index
    %get3A_9 = arith.constant 0 : index
    %get3A_10 = vector.load %arg5[%get3A_8, %get3A_9] : memref<1x128xf32, #tpu.memory_space<vmem>>, vector<1x128xf32>
    %mul3A = vector.broadcast %get3A_10 : vector<1x128xf32> to vector<2000x128xf32>
    %mul3A_11 = arith.mulf %dot_general3A_5, %mul3A : vector<2000x128xf32>
    %reduce_sum3A = arith.constant dense<0.000000e+00> : vector<2000xf32>
    %reduce_sum3A_12 = vector.multi_reduction <add>, %mul3A_11, %reduce_sum3A [1] : vector<2000x128xf32> to vector<2000xf32>
    %broadcast_in_dim3A = vector.shape_cast %reduce_sum3A_12 : vector<2000xf32> to vector<2000x1xf32>
    %swap3A_13 = arith.constant 0 : index
    %swap3A_14 = arith.constant 0 : index
    %swap3A_15 = vector.load %arg8[%swap3A_13, %swap3A_14] : memref<2000x1xf32, #tpu.memory_space<vmem>>, vector<2000x1xf32>
    tpu.vector_store %arg8[%swap3A_13, %swap3A_14], %broadcast_in_dim3A {strides = array<i32>} : memref<2000x1xf32, #tpu.memory_space<vmem>>, vector<2000x1xf32>,
    %get3A_16 = arith.constant 0 : index
    %get3A_17 = arith.constant 0 : index
    %get3A_18 = vector.load %arg4[%get3A_16, %get3A_17] : memref<128x128xf32, #tpu.memory_space<vmem>>, vector<128x128xf32>
    %get3A_19 = arith.constant 0 : index
    %get3A_20 = arith.constant 0 : index
    %get3A_21 = vector.load %arg6[%get3A_19, %get3A_20] : memref<1x128xf32, #tpu.memory_space<vmem>>, vector<1x128xf32>
    %mul3A_22 = vector.broadcast %get3A_21 : vector<1x128xf32> to vector<128x128xf32>
    %mul3A_23 = arith.mulf %get3A_18, %mul3A_22 : vector<128x128xf32>
    %reduce_sum3A_24 = arith.constant dense<0.000000e+00> : vector<128xf32>
    %reduce_sum3A_25 = vector.multi_reduction <add>, %mul3A_23, %reduce_sum3A_24 [1] : vector<128x128xf32> to vector<128xf32>
    %broadcast_in_dim3A_26 = vector.shape_cast %reduce_sum3A_25 : vector<128xf32> to vector<128x1xf32>
    %get3A_27 = arith.constant 0 : index
    %get3A_28 = arith.constant 0 : index
    %get3A_29 = vector.load %arg2[%get3A_27, %get3A_28] : memref<2000x128xf32, #tpu.memory_space<vmem>>, vector<2000x128xf32>
    %dot_general3A_30 = arith.constant dense<0.000000e+00> : vector<2000x1xf32>
    %dot_general3A_31 = tpu.matmul %get3A_29, %broadcast_in_dim3A_26, %dot_general3A_30 {dimension_numbers = #tpu.dot_dimension_numbers<[1], [0], [0], [1], [0, 0, 1, 1], [], []>, transpose_lhs_hint = false} : vector<2000x128xf32>, vector<128x1xf32>, vector<2000x1xf32> -> vector<2000x1xf32>
    %swap3A_32 = arith.constant 0 : index
    %swap3A_33 = arith.constant 0 : index
    %swap3A_34 = vector.load %arg9[%swap3A_32, %swap3A_33] : memref<2000x1xf32, #tpu.memory_space<vmem>>, vector<2000x1xf32>
    tpu.vector_store %arg9[%swap3A_32, %swap3A_33], %dot_general3A_31 {strides = array<i32>} : memref<2000x1xf32, #tpu.memory_space<vmem>>, vector<2000x1xf32>,
    %eq3A = arith.constant 0 : i32
    %eq3A_35 = arith.cmpi eq, %arg0, %eq3A : i32
    %convert_element_type3A = arith.extui %eq3A_35 : i1 to i32
    %cond3A = arith.constant 0 : i32
    %cond3A_36 = arith.cmpi ne, %convert_element_type3A, %cond3A : i32
    scf.if %cond3A_36 {
      %swap3A_64 = arith.constant 0xFF800000 : f32
      %swap3A_65 = arith.constant 0 : index
      %swap3A_66 = arith.constant 0 : index
      %swap3A_67 = memref.load %arg11[%swap3A_65, %swap3A_66] : memref<1x1xf32, #tpu.memory_space<smem>>
      memref.store %swap3A_64, %arg11[%swap3A_65, %swap3A_66] : memref<1x1xf32, #tpu.memory_space<smem>>
      %swap3A_68 = arith.constant 0xFF800000 : f32
      %swap3A_69 = arith.constant 0 : index
      %swap3A_70 = arith.constant 0 : index
      %swap3A_71 = memref.load %arg12[%swap3A_69, %swap3A_70] : memref<1x1xf32, #tpu.memory_space<smem>>
      memref.store %swap3A_68, %arg12[%swap3A_69, %swap3A_70] : memref<1x1xf32, #tpu.memory_space<smem>>
    } else {
    }
    %get3A_37 = arith.constant 0 : index
    %get3A_38 = arith.constant 0 : index
    %get3A_39 = memref.load %arg11[%get3A_37, %get3A_38] : memref<1x1xf32, #tpu.memory_space<smem>>
    %reduce_max3A = vector.shape_cast %broadcast_in_dim3A : vector<2000x1xf32> to vector<1x2000x1xf32>
    %reduce_max3A_40 = arith.constant dense<0xFF800000> : vector<1xf32>
    %reduce_max3A_41 = vector.multi_reduction <maximumf>, %reduce_max3A, %reduce_max3A_40 [1, 2] : vector<1x2000x1xf32> to vector<1xf32>
    %reduce_max3A_42 = vector.shape_cast %reduce_max3A_41 : vector<1xf32> to vector<1x1x1xf32>
    %reduce_max3A_43 = vector.extract %reduce_max3A_42[0, 0, 0] : f32 from vector<1x1x1xf32>
    %max3A = arith.maximumf %get3A_39, %reduce_max3A_43 : f32
    %swap3A_44 = arith.constant 0 : index
    %swap3A_45 = arith.constant 0 : index
    %swap3A_46 = memref.load %arg11[%swap3A_44, %swap3A_45] : memref<1x1xf32, #tpu.memory_space<smem>>
    memref.store %max3A, %arg11[%swap3A_44, %swap3A_45] : memref<1x1xf32, #tpu.memory_space<smem>>
    %get3A_47 = arith.constant 0 : index
    %get3A_48 = arith.constant 0 : index
    %get3A_49 = memref.load %arg12[%get3A_47, %get3A_48] : memref<1x1xf32, #tpu.memory_space<smem>>
    %reduce_max3A_50 = vector.shape_cast %dot_general3A_31 : vector<2000x1xf32> to vector<1x2000x1xf32>
    %reduce_max3A_51 = arith.constant dense<0xFF800000> : vector<1xf32>
    %reduce_max3A_52 = vector.multi_reduction <maximumf>, %reduce_max3A_50, %reduce_max3A_51 [1, 2] : vector<1x2000x1xf32> to vector<1xf32>
    %reduce_max3A_53 = vector.shape_cast %reduce_max3A_52 : vector<1xf32> to vector<1x1x1xf32>
    %reduce_max3A_54 = vector.extract %reduce_max3A_53[0, 0, 0] : f32 from vector<1x1x1xf32>
    %max3A_55 = arith.maximumf %get3A_49, %reduce_max3A_54 : f32
    %swap3A_56 = arith.constant 0 : index
    %swap3A_57 = arith.constant 0 : index
    %swap3A_58 = memref.load %arg12[%swap3A_56, %swap3A_57] : memref<1x1xf32, #tpu.memory_space<smem>>
    memref.store %max3A_55, %arg12[%swap3A_56, %swap3A_57] : memref<1x1xf32, #tpu.memory_space<smem>>
    %eq3A_59 = arith.constant 4 : i32
    %eq3A_60 = arith.cmpi eq, %arg0, %eq3A_59 : i32
    %convert_element_type3A_61 = arith.extui %eq3A_60 : i1 to i32
    %cond3A_62 = arith.constant 0 : i32
    %cond3A_63 = arith.cmpi ne, %convert_element_type3A_61, %cond3A_62 : i32
    scf.if %cond3A_63 {
      %get3A_64 = arith.constant 0 : index
      %get3A_65 = arith.constant 0 : index
      %get3A_66 = memref.load %arg11[%get3A_64, %get3A_65] : memref<1x1xf32, #tpu.memory_space<smem>>
      %get3A_67 = arith.constant 0 : index
      %get3A_68 = arith.constant 0 : index
      %get3A_69 = memref.load %arg12[%get3A_67, %get3A_68] : memref<1x1xf32, #tpu.memory_space<smem>>
      %add3A = arith.addf %get3A_66, %get3A_69 : f32
      %max3A_70 = arith.constant 0.000000e+00 : f32
      %max3A_71 = arith.maximumf %add3A, %max3A_70 : f32
      %broadcast_in_dim3A_72 = vector.broadcast %max3A_71 : f32 to vector<1x16xf32>
      %swap3A_73 = arith.constant 0 : index
      %swap3A_74 = arith.constant 0 : index
      %swap3A_75 = vector.load %arg10[%swap3A_73, %swap3A_74] : memref<1x16xf32, #tpu.memory_space<vmem>>, vector<1x16xf32>
      tpu.vector_store %arg10[%swap3A_73, %swap3A_74], %broadcast_in_dim3A_72 {strides = array<i32>} : memref<1x16xf32, #tpu.memory_space<vmem>>, vector<1x16xf32>,
    } else {
    }
    return
  }
  func.func @transform_0(%arg0: i32) -> (i32, i32) {
    %c0_i32 = arith.constant 0 : i32
    %c0_i32_0 = arith.constant 0 : i32
    return %arg0, %c0_i32 : i32, i32
  }
  func.func @transform_1(%arg0: i32) -> (i32, i32) {
    %c0_i32 = arith.constant 0 : i32
    %c0_i32_0 = arith.constant 0 : i32
    return %arg0, %c0_i32 : i32, i32
  }
  func.func @transform_2(%arg0: i32) -> (i32, i32) {
    %c0_i32 = arith.constant 0 : i32
    %c0_i32_0 = arith.constant 0 : i32
    %c0_i32_1 = arith.constant 0 : i32
    return %c0_i32, %c0_i32_0 : i32, i32
  }
  func.func @transform_3(%arg0: i32) -> (i32, i32) {
    %c0_i32 = arith.constant 0 : i32
    %c0_i32_0 = arith.constant 0 : i32
    %c0_i32_1 = arith.constant 0 : i32
    return %c0_i32, %c0_i32_0 : i32, i32
  }
  func.func @transform_4(%arg0: i32) -> (i32, i32) {
    %c0_i32 = arith.constant 0 : i32
    %c0_i32_0 = arith.constant 0 : i32
    %c0_i32_1 = arith.constant 0 : i32
    return %c0_i32, %c0_i32_0 : i32, i32
  }
  func.func @transform_5(%arg0: i32) -> (i32, i32) {
    %c0_i32 = arith.constant 0 : i32
    %c0_i32_0 = arith.constant 0 : i32
    %c0_i32_1 = arith.constant 0 : i32
    return %c0_i32, %c0_i32_0 : i32, i32
  }
  func.func @transform_6(%arg0: i32) -> (i32, i32) {
    %c0_i32 = arith.constant 0 : i32
    %c0_i32_0 = arith.constant 0 : i32
    return %arg0, %c0_i32 : i32, i32
  }
  func.func @transform_7(%arg0: i32) -> (i32, i32) {
    %c0_i32 = arith.constant 0 : i32
    %c0_i32_0 = arith.constant 0 : i32
    return %arg0, %c0_i32 : i32, i32
  }
  func.func @transform_8(%arg0: i32) -> (i32, i32) {
    %c0_i32 = arith.constant 0 : i32
    %c0_i32_0 = arith.constant 0 : i32
    return %arg0, %c0_i32 : i32, i32
  }
  func.func @transform_9(%arg0: i32) -> (i32, i32) {
    %c0_i32 = arith.constant 0 : i32
    %c0_i32_0 = arith.constant 0 : i32
    %c0_i32_1 = arith.constant 0 : i32
    return %c0_i32, %c0_i32_0 : i32, i32
  }
}

module attributes {stable_mosaic.version = 14 : i64} {
  func.func @_finalize_body(%arg0: i32, %arg1: memref<1x2000x128xf32, #tpu.memory_space<vmem>>, %arg2: memref<1x2000x128xf32, #tpu.memory_space<vmem>>, %arg3: memref<1x2000x1xf32, #tpu.memory_space<vmem>>, %arg4: memref<1x2000x1xf32, #tpu.memory_space<vmem>>, %arg5: memref<1x128xf32, #tpu.memory_space<vmem>>, %arg6: memref<2000x128xf32, #tpu.memory_space<vmem>>) attributes {dimension_semantics = [#tpu.dimension_semantics<arbitrary>], iteration_bounds = array<i64: 5>, scalar_prefetch = 0 : i64, scratch_operands = 0 : i64, tpu.core_type = #tpu.core_type<tc>, window_params = [{transform_indices = @transform_0, window_bounds = array<i64: 1, 2000, 128>}, {transform_indices = @transform_1, window_bounds = array<i64: 1, 2000, 128>}, {transform_indices = @transform_2, window_bounds = array<i64: 1, 2000, 1>}, {transform_indices = @transform_3, window_bounds = array<i64: 1, 2000, 1>}, {pipeline_mode = #tpu.pipeline_mode<synchronous>, transform_indices = @transform_4, window_bounds = array<i64: 1, 128>}, {transform_indices = @transform_5, window_bounds = array<i64: 2000, 128>}]} {
    %get3A = arith.constant 0 : index
    %get3A_0 = arith.constant 0 : index
    %get3A_1 = arith.constant 0 : index
    %get3A_2 = vector.load %arg1[%get3A, %get3A_0, %get3A_1] : memref<1x2000x128xf32, #tpu.memory_space<vmem>>, vector<1x2000x128xf32>
    %reshape3A = vector.shape_cast %get3A_2 : vector<1x2000x128xf32> to vector<2000x128xf32>
    %get3A_3 = arith.constant 0 : index
    %get3A_4 = arith.constant 0 : index
    %get3A_5 = arith.constant 0 : index
    %get3A_6 = vector.load %arg2[%get3A_3, %get3A_4, %get3A_5] : memref<1x2000x128xf32, #tpu.memory_space<vmem>>, vector<1x2000x128xf32>
    %reshape3A_7 = vector.shape_cast %get3A_6 : vector<1x2000x128xf32> to vector<2000x128xf32>
    %add3A = arith.addf %reshape3A, %reshape3A_7 : vector<2000x128xf32>
    %get3A_8 = arith.constant 0 : index
    %get3A_9 = arith.constant 0 : index
    %get3A_10 = arith.constant 0 : index
    %get3A_11 = vector.load %arg3[%get3A_8, %get3A_9, %get3A_10] : memref<1x2000x1xf32, #tpu.memory_space<vmem>>, vector<1x2000x1xf32>
    %reshape3A_12 = vector.shape_cast %get3A_11 : vector<1x2000x1xf32> to vector<2000x1xf32>
    %get3A_13 = arith.constant 0 : index
    %get3A_14 = arith.constant 0 : index
    %get3A_15 = arith.constant 0 : index
    %get3A_16 = vector.load %arg4[%get3A_13, %get3A_14, %get3A_15] : memref<1x2000x1xf32, #tpu.memory_space<vmem>>, vector<1x2000x1xf32>
    %reshape3A_17 = vector.shape_cast %get3A_16 : vector<1x2000x1xf32> to vector<2000x1xf32>
    %add3A_18 = arith.addf %reshape3A_12, %reshape3A_17 : vector<2000x1xf32>
    %add3A_19 = arith.constant 1.000000e-16 : f32
    %add3A_20 = vector.broadcast %add3A_19 : f32 to vector<2000x1xf32>
    %add3A_21 = arith.addf %add3A_18, %add3A_20 : vector<2000x1xf32>
    %div3A = vector.broadcast %add3A_21 : vector<2000x1xf32> to vector<2000x128xf32>
    %div3A_22 = arith.divf %add3A, %div3A : vector<2000x128xf32>
    %get3A_23 = arith.constant 0 : index
    %get3A_24 = arith.constant 0 : index
    %get3A_25 = vector.load %arg5[%get3A_23, %get3A_24] : memref<1x128xf32, #tpu.memory_space<vmem>>, vector<1x128xf32>
    %add3A_26 = vector.broadcast %get3A_25 : vector<1x128xf32> to vector<2000x128xf32>
    %add3A_27 = arith.addf %div3A_22, %add3A_26 : vector<2000x128xf32>
    %max3A = arith.constant 0.000000e+00 : f32
    %max3A_28 = vector.broadcast %max3A : f32 to vector<2000x128xf32>
    %max3A_29 = arith.maximumf %add3A_27, %max3A_28 : vector<2000x128xf32>
    %swap3A = arith.constant 0 : index
    %swap3A_30 = arith.constant 0 : index
    %swap3A_31 = vector.load %arg6[%swap3A, %swap3A_30] : memref<2000x128xf32, #tpu.memory_space<vmem>>, vector<2000x128xf32>
    tpu.vector_store %arg6[%swap3A, %swap3A_30], %max3A_29 {strides = array<i32>} : memref<2000x128xf32, #tpu.memory_space<vmem>>, vector<2000x128xf32>,
    return
  }
  func.func @transform_0(%arg0: i32) -> (i32, i32, i32) {
    %c0_i32 = arith.constant 0 : i32
    %c0_i32_0 = arith.constant 0 : i32
    %c0_i32_1 = arith.constant 0 : i32
    return %c0_i32, %arg0, %c0_i32_0 : i32, i32, i32
  }
  func.func @transform_1(%arg0: i32) -> (i32, i32, i32) {
    %c1_i32 = arith.constant 1 : i32
    %c0_i32 = arith.constant 0 : i32
    %c0_i32_0 = arith.constant 0 : i32
    return %c1_i32, %arg0, %c0_i32 : i32, i32, i32
  }
  func.func @transform_2(%arg0: i32) -> (i32, i32, i32) {
    %c0_i32 = arith.constant 0 : i32
    %c0_i32_0 = arith.constant 0 : i32
    %c0_i32_1 = arith.constant 0 : i32
    return %c0_i32, %arg0, %c0_i32_0 : i32, i32, i32
  }
  func.func @transform_3(%arg0: i32) -> (i32, i32, i32) {
    %c1_i32 = arith.constant 1 : i32
    %c0_i32 = arith.constant 0 : i32
    %c0_i32_0 = arith.constant 0 : i32
    return %c1_i32, %arg0, %c0_i32 : i32, i32, i32
  }
  func.func @transform_4(%arg0: i32) -> (i32, i32) {
    %c0_i32 = arith.constant 0 : i32
    %c0_i32_0 = arith.constant 0 : i32
    %c0_i32_1 = arith.constant 0 : i32
    return %c0_i32, %c0_i32_0 : i32, i32
  }
  func.func @transform_5(%arg0: i32) -> (i32, i32) {
    %c0_i32 = arith.constant 0 : i32
    %c0_i32_0 = arith.constant 0 : i32
    return %arg0, %c0_i32 : i32, i32
  }
}

</mosaic_0001>

<sc_bundles>
// kernel: kernel.5.cloned.1.call-start
scs
__scs_entry_jumppad:
0x0: {  	(pc) =	sbr.rel $0x88, $3  }
0x1: {  	(tag) =	ssettag $0x0;
	lr =	simm.s32 $0x1  }
0x2: {  	[smem:$0x3F99] =	sst lr;
	_ =	strace $0xD0000000  }
0x3: {  	_ = 	snop  }
0x4: {  	_ = 	snop  }
0x5: {  	_ = 	snop  }
0x6: {  	_ = 	snop  }
0x7: {  	_ = 	snop  }
__scs_overlays_trampoline_lowered:
0x8: {  	[smem:$0x3FA8] =	sst s0  }
0x9: {  	[smem:$0x3FA9] =	sst s1  }
0xa: {  	[smem:$0x3FAA] =	sst s2  }
0xb: {  	[smem:$0x3FAB] =	sst s3  }
0xc: {  	[smem:$0x3FAC] =	sst s4  }
0xd: {  	[smem:$0x3FAD] =	sst s5  }
0xe: {  	[smem:$0x3FAE] =	sst s6  }
0xf: {  	[smem:$0x3FAF] =	sst s7  }
0x10: {  	[smem:$0x3FB0] =	sst s8  }
0x11: {  	[smem:$0x3FB1] =	sst s9;
	s0 =	simm.s32 @!p0 $0x0  }
0x12: {  	s1 =	sld [smem:$0x3F97];
	s0 =	simm.s32 @p0 $0x1  }
0x13: {  	[smem:$0x3FB2] =	sst s0;
	s0 =	simm.s32 @!p1 $0x0  }
0x14: {  	s2 =	sld [smem:$0x3F96];
	s0 =	simm.s32 @p1 $0x1  }
0x15: {  	[smem:$0x3FB3] =	sst s0;
	s0 =	simm.s32 @!p2 $0x0  }
0x16: {  	s3 =	sld [smem:$0x3FDB];
	s0 =	simm.s32 @p2 $0x1  }
0x17: {  	s4 =	simm.s32 $0x1BF5;
	[smem:$0x3FB5] =	sst s0  }
0x18: {  	s0 =	sld [smem:$0x3F98];
	_ =	swait.ge [sflag:s4], $0x0  }
0x19: {  	s7 =	sld [smem:$0x3F99]  }
0x1a: {  	s8 =	sadd.s32 $0xFFFFE003, lr  }
0x1b: {  	s9 =	sadd.s32 $0xFFFFFEF7, lr;
	s5 =	simm.s32 $0xFFFFFFFF;
	p2 =	slt.u32 s8, $0xFFFFF086  }
0x1c: {  	p1 =	slt.u32 s9, $0xF7A;
	s5 =	simm.s32 @!p2 $0x0  }
0x1d: {  	s5 =	simm.s32 @p1 $0x1;
	p0 =	seq.s32 s7, s2  }
0x1e: {  	s7 =	smul.u32 @!p0 $0xF7A, s2;
	p2 =	seq.s32 @!p0 s5, $0x0  }
0x1f: {  	s9 =	smul.u32 $0xF7A, s1;
	s8 =	simm.s32 @!p0 $0x1BF5;
	p2 =	por !p2, p0  }
0x20: {  	[sflag:s8] =	ssyncset.s32 @!p0 $0xFFFFF086;
	s6 =	sadd.s32 @!p0 s3, s7;
	s7 =	simm.s32 @!p0 $0x108  }
0x21: {  	s3 =	sadd.s32 s3, s9;
	s6 =	sadd.s32 @!p0 $0x88, s6;
	s7 =	simm.s32 @p2 $0x1082  }
0x22: {  	[simem:s7], [sflag:s8] =	dma.local @!p0 [hbm:s6], $0xF7A  }
0x23: {  	s9 =	sor.u32 $0xD0000000, s2;
	s6 =	simm.s32 $0x108;
	_ =	swait.ge @!p0 [sflag:s8], $0x0  }
0x24: {  	s3 =	sadd.s32 $0x88, s3;
	s6 =	simm.s32 @!p1 $0x1082;
	[sflag:s4] =	ssyncset.s32 $0xFFFFF086  }
0x25: {  	[simem:s6], [sflag:s4] =	dma.local [hbm:s3], $0xF7A  }
0x26: {  	[smem:$0x3F99] =	sst s1;
	(tag) =	ssettag s2;
	_ =	strace s9  }
0x27: {  	s1 =	sld [smem:$0x3FA9]  }
0x28: {  	s2 =	sld [smem:$0x3FAA]  }
0x29: {  	s4 =	sld [smem:$0x3FAC]  }
0x2a: {  	p0 =	seq.s32 s5, $0x0;
	s5 =	sld [smem:$0x3FAD]  }
0x2b: {  	s6 =	sld [smem:$0x3FAE]  }
0x2c: {  	s7 =	sld [smem:$0x3FAF]  }
0x2d: {  	s3 =	simm.s32 $0x108;
	s8 =	sld [smem:$0x3FB0]  }
0x2e: {  	s3 =	simm.s32 @!p0 $0x1082;
	s9 =	sld [smem:$0x3FB1]  }
0x2f: {  	lr =	sadd.s32 s0, s3;
	s0 =	sld [smem:$0x3FA8]  }
0x30: {  	s3 =	sld [smem:$0x3FAB]  }
0x31: {  	[smem:$0x3FB4] =	sst s10  }
0x32: {  	s10 =	sld [smem:$0x3FB2];
	_ =	sdelay $0x3  }
0x33: {  	p0 =	seq.s32 s10, $0x1;
	s10 =	sld [smem:$0x3FB4];
	_ =	sdelay $0x3  }
0x34: {  	[smem:$0x3FB4] =	sst s10  }
0x35: {  	s10 =	sld [smem:$0x3FB3];
	_ =	sdelay $0x3  }
0x36: {  	p1 =	seq.s32 s10, $0x1;
	s10 =	sld [smem:$0x3FB4];
	_ =	sdelay $0x3  }
0x37: {  	[smem:$0x3FB4] =	sst s10  }
0x38: {  	s10 =	sld [smem:$0x3FB5]  }
0x39: {  	_ = 	snop;
	(pc) =	sbr.ind lr, $3  }
0x3a: {  	_ = 	snop  }
0x3b: {  	_ = 	snop  }
0x3c: {  	p2 =	seq.s32 s10, $0x1;
	s10 =	sld [smem:$0x3FB4]  }
0x3d: {  	_ =	shalt  }
0x3e: {  	_ =	shalt  }
0x3f: {  	_ =	shalt  }
0x40: {  	_ =	shalt  }
0x41: {  	_ =	shalt  }
0x42: {  	_ =	shalt  }
0x43: {  	_ =	shalt  }
0x44: {  	_ =	shalt  }
0x45: {  	_ =	shalt  }
0x46: {  	_ =	shalt  }
0x47: {  	_ =	shalt  }
0x48: {  	_ =	shalt  }
0x49: {  	_ =	shalt  }
0x4a: {  	_ =	shalt  }
0x4b: {  	_ =	shalt  }
0x4c: {  	_ =	shalt  }
0x4d: {  	_ =	shalt  }
0x4e: {  	_ =	shalt  }
0x4f: {  	_ =	shalt  }
0x50: {  	_ =	shalt  }
0x51: {  	_ =	shalt  }
0x52: {  	_ =	shalt  }
0x53: {  	_ =	shalt  }
0x54: {  	_ =	shalt  }
0x55: {  	_ =	shalt  }
0x56: {  	_ =	shalt  }
0x57: {  	_ =	shalt  }
0x58: {  	_ =	shalt  }
0x59: {  	_ =	shalt  }
0x5a: {  	_ =	shalt  }
0x5b: {  	_ =	shalt  }
0x5c: {  	_ =	shalt  }
0x5d: {  	_ =	shalt  }
0x5e: {  	_ =	shalt  }
0x5f: {  	_ =	shalt  }
0x60: {  	_ =	shalt  }
0x61: {  	_ =	shalt  }
0x62: {  	_ =	shalt  }
0x63: {  	_ =	shalt  }
0x64: {  	_ =	shalt  }
0x65: {  	_ =	shalt  }
0x66: {  	_ =	shalt  }
0x67: {  	_ =	shalt  }
0x68: {  	_ =	shalt  }
0x69: {  	_ =	shalt  }
0x6a: {  	_ =	shalt  }
0x6b: {  	_ =	shalt  }
0x6c: {  	_ =	shalt  }
0x6d: {  	_ =	shalt  }
0x6e: {  	_ =	shalt  }
0x6f: {  	_ =	shalt  }
0x70: {  	_ =	shalt  }
0x71: {  	_ =	shalt  }
0x72: {  	_ =	shalt  }
0x73: {  	_ =	shalt  }
0x74: {  	_ =	shalt  }
0x75: {  	_ =	shalt  }
0x76: {  	_ =	shalt  }
0x77: {  	_ =	shalt  }
0x78: {  	_ =	shalt  }
0x79: {  	_ =	shalt  }
0x7a: {  	_ =	shalt  }
0x7b: {  	_ =	shalt  }
0x7c: {  	_ =	shalt  }
0x7d: {  	_ =	shalt  }
0x7e: {  	_ =	shalt  }
0x7f: {  	_ =	shalt  }
0x80: {  	_ =	shalt  }
0x81: {  	_ =	shalt  }
0x82: {  	_ =	shalt  }
0x83: {  	_ =	shalt  }
0x84: {  	_ =	shalt  }
0x85: {  	_ =	shalt  }
0x86: {  	_ =	shalt  }
0x87: {  	_ =	shalt  }
.Lfunc_end0:
.L_simem_size_0:
called_computation_lowered:
.L_overlay_start_0:
0x88: {  	s2 =	sld [smem:$0x3FD9]  }
0x89: {  	s3 =	sld [smem:$0x3FFE];
	_ =	sdelay $0x1  }
0x8a: {  	s1 =	srdreg.scid  }
0x8b: {  	s0 =	sand.u32 $0x1, s1  }
0x8c: {  	s17 =	sshll.u32 s0, $0xA;
	s2 =	sadd.s32 s3, s2  }
0x8d: {  	s2 =	sadd.s32 s2, s17  }
0x8e: {  	[smem:$0x3FC0] =	sst s2  }
0x8f: {  	_ = 	snop  }
0x90: {  	s2 =	sld [smem:$0x3FD0];
	(tm) =	ssettm $0x1  }
0x91: {  	s18 =	sld [smem:$0x3FFB];
	_ =	sdelay $0x3  }
0x92: {  	_ =	strace s18  }
0x93: {  	s3 =	sld [smem:$0x3FFC];
	_ =	sdelay $0x3  }
0x94: {  	_ =	strace s3  }
0x95: {  	s3 =	sld [smem:$0x3FFD];
	_ =	sdelay $0x3  }
0x96: {  	_ =	strace s3  }
0x97: {  	_ =	strace $0x8FFFFFFF  }
0x98: {  	s19 =	sld [smem:$0x3FDB];
	_ =	sdelay $0x1  }
0x99: {  	s4 =	simm.s32 $_scs_section_size  }
0x9a: {  	s5 =	simm.s32 $_size__tile_overlayer_lowered;
	s6 =	simm.s32 $_tile_overlayer_lowered  }
0x9b: {  	s22 =	simm.s32 $0x1BFF;
	s21 =	sshll.u32 s6, $0x1;
	s3 =	sadd.s32 s4, s19  }
0x9c: {  	s7 =	simm.s32 $0x0;
	s20 =	sshll.u32 s5, $0x1;
	s5 =	sadd.s32 s21, s3  }
0x9d: {  	[timem:s7], [sflag:s22] =	dma.local [hbm:s5], s20  }
0x9e: {  	_ =	swait.ge [sflag:s22], s20  }
0x9f: {  	s4 =	ssub.s32 $0x0, s20;
	[sflag:s22] =	ssyncset.done $0x0  }
0xa0: {  	[sflag:s22] =	ssyncadd.s32 s4;
	_ =	sdelay $0x1  }
0xa1: {  	s23 =	simm.s32 $0x1B8B  }
0xa2: {  	_ =	swait.ge [sflag:s23], $0x1  }
0xa3: {  	[sflag:s23] =	ssyncset.done $0x0  }
0xa4: {  	s25 =	simm.s32 $0x1B8E;
	s24 =	sld [smem:$0x3FFE];
	[sflag:s23] =	ssyncadd.s32 $0xFFFFFFFF  }
0xa5: {  	s26 =	simm.s32 $execute0_lowered;
	[smem:$0x3FD2] =	sst s25  }
0xa6: {  	s5 =	sshll.u32 s26, $0x1;
	_ =	strace $0x80000046;
	[dreg:$0x1] =	wrdreg $0xFFFFFFFF  }
0xa7: {  	s28 =	simm.s32 $_size_execute0_lowered;
	s3 =	sadd.s32 s3, s5;
	[dreg:$0x0] =	wrdreg $0x0  }
0xa8: {  	s5 =	sshll.u32 s28, $0x1;
	[dreg:$0x2] =	wrdreg s3  }
0xa9: {  	[dreg:$0x3] =	wrdreg s5  }
0xaa: {  	[dreg:$0x4] =	wrdreg $0xC0  }
0xab: {  	_ =	task [dreg:s7], $0x5FFFF  }
0xac: {  	[dreg:$0x1] =	wrdreg $0xFFFFFFFF  }
0xad: {  	[dreg:$0x0] =	wrdreg $0x60  }
0xae: {  	[dreg:$0x2] =	wrdreg s24  }
0xaf: {  	[dreg:$0x3] =	wrdreg s2  }
0xb0: {  	[dreg:$0x4] =	wrdreg $0xA4000  }
0xb1: {  	[dreg:$0x5] =	wrdreg $0x1E6800  }
0xb2: {  	[dreg:$0x6] =	wrdreg $0x1E8F80  }
0xb3: {  	[dreg:$0x7] =	wrdreg $0x1E4000  }
0xb4: {  	[dreg:$0x8] =	wrdreg $0x9  }
0xb5: {  	_ =	task.clear_ibuf [dreg:s7], $0x9FFFF;
	_ =	strace $0x90000046  }
0xb6: {  	s29 =	simm.s32 $0x9;
	_ =	strace $0x80000048  }
0xb7: {  	_ =	swait.ge [sflag:s29], $0x1  }
0xb8: {  	[sflag:s29] =	ssyncadd.s32 $0xFFFFFFFF  }
0xb9: {  	_ =	strace $0x90000048  }
0xba: {  	_ =	sfence  }
0xbb: {  	s30 =	sld [smem:$0x0];
	_ =	sdelay $0x2  }
0xbc: {  	s31 =	sshll.u32 s1, $0xD;
	s1 =	sshrl.u32 s1, $0x2  }
0xbd: {  	s3 =	sand.u32 $0x4000, s31;
	s1 =	sadd.s32 s1, s30  }
0xbe: {  	s0 =	sor.u32 s3, s0;
	s1 =	sshll.u32 s1, $0x11  }
0xbf: {  	s0 =	sor.u32 s1, s0  }
0xc0: {  	s0 =	sadd.s32 $0x8F2B, s0  }
0xc1: {  	[sflag:s0] =	ssyncadd.remote.s32 $0x1  }
0xc2: {  	_ =	sfence.sel $0xFFFF  }
0xc3: {  	[dreg:$0x0] =	wrdreg $0xFFFFFFFF;
	(pc) =	sbr.abs _section_cstart, $3  }
0xc4: {  	[dreg:$0x1] =	wrdreg $0xFFFFFFFF  }
0xc5: {  	_ =	task.clear_ibuf [dreg:s7], $0x2FFFF;
	_ =	strace $0x9FFFFFFF  }
0xc6: {  	(tm) =	ssettm $0x7FFFFFFF  }
0xc7: {  	_ =	shalt  }
tec
execute0_lowered:
.L_overlay_start_1:
0x0: {  	(tag) =	ssettag $0x1  }
0x1: {  	s1 =	rddreg [dreg:$0x0]  }
0x2: {  	s0 =	rddreg [dreg:$0x1]  }
0x3: {  	s2 =	rddreg [dreg:$0x2]  }
0x4: {  	s3 =	rddreg [dreg:$0x3]  }
0x5: {  	s4 =	rddreg [dreg:$0x4]  }
0x6: {  	s5 =	rddreg [dreg:$0x5]  }
0x7: {  	s6 =	srdreg.scid;
	s8 =	simm.s32 $0x0;
	s14 =	stileid.u32  }
0x8: {  	s28 =	simm.s32 $0xB;
	s31 =	simm.s32 $0x7;
	s6 =	sand.u32 $0x1, s6  }
0x9: {  	[smem:$0x7FF] =	sst s8;
	s9 =	smul.u32 $0x14000, s14;
	s8 =	sadd.s32 $0xC00, s1  }
0xa: {  	s10 =	sadd.s32 $0xAC00, s1;
	s19 =	sadd.s32 $0xB200, s1;
	s20 =	sadd.s32 $0xAA00, s1  }
0xb: {  	s21 =	sadd.s32 $0xBA00, s1;
	_ =	strace $0x80000047;
	[dreg:$0x7] =	wrdreg s10  }
0xc: {  	s22 =	sadd.s32 $0xB800, s1;
	s23 =	smul.u32 $0x500, s14;
	[dreg:$0x8] =	wrdreg s19  }
0xd: {  	s24 =	sshll.u32 s14, $0x1;
	s12 =	smul.u32 $0x50000, s14;
	[dreg:$0x9] =	wrdreg s20  }
0xe: {  	s13 =	smul.u32 $0xA00, s14;
	p0 =	sne.s32 s14, $0x0;
	[dreg:$0xa] =	wrdreg s21  }
0xf: {  	s7 =	smul.u32 $0x140000, s6;
	[dreg:$0xb] =	wrdreg s22;
	s11 =	sshll.u32 s6, $0x7  }
0x10: {  	s10 =	sor.u32 s6, s24;
	s6 =	ssub.s32 $0x2, s6;
	s29 =	sshrl.u32 s12, $0x2  }
0x11: {  	s10 =	smul.u32 $0x2710, s10;
	s30 =	sshrl.u32 s13, $0x2;
	s17 =	sadd.s32 s29, s2  }
0x12: {  	s25 =	sshrl.u32 s6, $0x1;
	s20 =	sadd.s32 s30, s5;
	[dreg:$0xd] =	wrdreg s17  }
0x13: {  	s12 =	simm.s32 $0x300;
	s13 =	sadd.s32 $0xA0, s10;
	[dreg:$0xe] =	wrdreg s20  }
0x14: {  	s7 =	sadd.s32 s9, s7;
	s15 =	sadd.s32 $0xF0, s10;
	[dreg:$0x10] =	wrdreg s13  }
0x15: {  	s6 =	ssub.s32 s6, s25;
	s16 =	sadd.s32 $0x140, s10;
	[dreg:$0x11] =	wrdreg s15  }
0x16: {  	s9 =	sor.u32 s11, s23;
	s18 =	smax.u32 s6, $0x1;
	[dreg:$0x12] =	wrdreg s16  }
0x17: {  	s11 =	simm.s32 $0x5;
	s19 =	sadd.s32 $0x2000, s17;
	[dreg:$0x15] =	wrdreg s18  }
0x18: {  	s7 =	sshrl.u32 s7, $0x3;
	s21 =	sadd.s32 $0x4000, s17;
	[dreg:$0x16] =	wrdreg s19  }
0x19: {  	s9 =	sshrl.u32 s9, $0x3;
	s22 =	sadd.s32 $0x6000, s17;
	[dreg:$0x17] =	wrdreg s21  }
0x1a: {  	s26 =	sshrl.u32 s10, $0x3;
	s23 =	sadd.s32 $0x8000, s17;
	[dreg:$0x18] =	wrdreg s22  }
0x1b: {  	s24 =	sadd.s32 $0xA000, s17;
	s25 =	sadd.s32 $0xC000, s17;
	[dreg:$0x19] =	wrdreg s23  }
0x1c: {  	s29 =	sadd.s32 $0x10000, s17;
	s30 =	sadd.s32 $0x12000, s17;
	[dreg:$0x1a] =	wrdreg s24  }
0x1d: {  	s6 =	simm.s32 $0x7B80;
	s7 =	sadd.s32 s7, s1;
	[dreg:$0x1b] =	wrdreg s25  }
0x1e: {  	s1 =	sadd.s32 s9, s1;
	s9 =	sadd.s32 s8, s26;
	[dreg:$0x1d] =	wrdreg s29  }
0x1f: {  	s26 =	sadd.s32 $0xE000, s17;
	[dreg:$0x1e] =	wrdreg s30;
	s21 =	simm.s32 $0x50  }
0x20: {  	s25 =	simm.s32 $0x200;
	s16 =	simm.s32 $0x4;
	s15 =	simm.s32 $0x1  }
0x21: {  	s24 =	simm.s32 $0x2;
	s18 =	simm.s32 $0x7C80;
	[dreg:$0xc] =	wrdreg s9  }
0x22: {  	s19 =	simm.s32 $0x8;
	s9 =	sadd.s32 $0xA, s9;
	[dreg:$0x1c] =	wrdreg s26  }
0x23: {  	s13 =	simm.s32 $0x0;
	s7 =	sadd.s32 $0xC800, s7;
	[dreg:$0xf] =	wrdreg s9  }
0x24: {  	s1 =	sadd.s32 $0xBE00, s1;
	s26 =	simm.s32 $0x7C00;
	[dreg:$0x13] =	wrdreg s7  }
0x25: {  	[dreg:$0x14] =	wrdreg s1;
	s1 =	simm.s32 $0x280;
	s7 =	simm.s32 $0x6  }
.LBB2_1:
0x26: {  	[dreg:$0x1f] =	wrdreg s13  }
0x27: {  	s22 =	simm.s32 $0x0;
	s9 =	rddreg [dreg:$0x9];
	s29 =	simm.s32 $0xE  }
0x28: {  	[tilespmem:s22], [sflag:$0xE] =	stream.linear.gather [hbm4b:s9+s22], $0x80, $0x38;
	[tilespmem:$0x1EB70] =	vst v63  }
0x29: {  	s10 =	smov.u32 s5;
	_ =	swait.ge [sflag:s29], $0x80  }
0x2a: {  	s5 =	smov.u32 s2;
	s2 =	smov.u32 s0;
	[sflag:s29] =	ssyncset.done $0x0  }
0x2b: {  	s0 =	simm.s32 $0x8180;
	s13 =	rddreg [dreg:$0xa];
	[sflag:s29] =	ssyncadd.s32 $0xFFFFFF80  }
0x2c: {  	[tilespmem:s0], [sflag:$0xE] =	stream.linear.gather [hbm4b:s13+s22], $0x2000, $0x38;
	[tilespmem:$0x1EB70] =	vst v63  }
0x2d: {  	_ =	swait.ge [sflag:s29], $0x2000  }
0x2e: {  	[sflag:s29] =	ssyncset.done $0x0  }
0x2f: {  	s13 =	simm.s32 $0xA180;
	s14 =	rddreg [dreg:$0xb];
	[sflag:s29] =	ssyncadd.s32 $0xFFFFE000  }
0x30: {  	[tilespmem:s13], [sflag:$0xE] =	stream.linear.gather [hbm4b:s14+s22], $0x280, $0x38;
	[tilespmem:$0x1EB70] =	vst v63  }
0x31: {  	_ =	swait.ge [sflag:s29], $0x280  }
0x32: {  	s30 =	smov.u32 s20;
	s9 =	sshrl.u32 @!p0 s3, $0x3;
	[sflag:s29] =	ssyncset.done $0x0  }
0x33: {  	s14 =	simm.s32 @!p0 $0x1C0E;
	s20 =	rddreg [dreg:$0x7];
	[sflag:s29] =	ssyncadd.s32 $0xFFFFFD80  }
0x34: {  	[spmem:s9], [sflag:s14] =	dma.local @!p0 [hbm:s20], $0x4F0  }
0x35: {  	s9 =	simm.s32 @!p0 $0xE  }
0x36: {  	_ =	swait.ge @!p0 [sflag:s9], $0x4F0  }
0x37: {  	[sflag:s9] =	ssyncset.done @!p0 $0x0  }
0x38: {  	s20 =	sshrl.u32 @!p0 s4, $0x3;
	s23 =	rddreg [dreg:$0x8];
	[sflag:s9] =	ssyncadd.s32 @!p0 $0xFFFFFB10  }
0x39: {  	[spmem:s20], [sflag:s14] =	dma.local @!p0 [hbm:s23], $0x4F0  }
0x3a: {  	_ =	swait.ge @!p0 [sflag:s9], $0x4F0  }
0x3b: {  	[sflag:s9] =	ssyncset.done @!p0 $0x0  }
0x3c: {  	[sflag:s9] =	ssyncadd.s32 @!p0 $0xFFFFFB10  }
0x3d: {  	[spmem:s17] =	stream.linear.scatter [tilespmem:s0], [sflag:$0xD], $0x2000, $0x38;
	[tilespmem:$0x1EB70] =	vst v63  }
0x3e: {  	s20 =	rddreg [dreg:$0x16]  }
0x3f: {  	[spmem:s20] =	stream.linear.scatter [tilespmem:s0], [sflag:$0xD], $0x2000, $0x38;
	[tilespmem:$0x1EB70] =	vst v63  }
0x40: {  	s23 =	rddreg [dreg:$0x17]  }
0x41: {  	[spmem:s23] =	stream.linear.scatter [tilespmem:s0], [sflag:$0xD], $0x2000, $0x38;
	[tilespmem:$0x1EB70] =	vst v63  }
0x42: {  	s14 =	rddreg [dreg:$0x18]  }
0x43: {  	[spmem:s14] =	stream.linear.scatter [tilespmem:s0], [sflag:$0xD], $0x2000, $0x38;
	[tilespmem:$0x1EB70] =	vst v63  }
0x44: {  	s20 =	rddreg [dreg:$0x19]  }
0x45: {  	[spmem:s20] =	stream.linear.scatter [tilespmem:s0], [sflag:$0xD], $0x2000, $0x38;
	[tilespmem:$0x1EB70] =	vst v63  }
0x46: {  	s23 =	rddreg [dreg:$0x1a]  }
0x47: {  	[spmem:s23] =	stream.linear.scatter [tilespmem:s0], [sflag:$0xD], $0x2000, $0x38;
	[tilespmem:$0x1EB70] =	vst v63  }
0x48: {  	s14 =	rddreg [dreg:$0x1b]  }
0x49: {  	[spmem:s14] =	stream.linear.scatter [tilespmem:s0], [sflag:$0xD], $0x2000, $0x38;
	[tilespmem:$0x1EB70] =	vst v63  }
0x4a: {  	s20 =	rddreg [dreg:$0x1c]  }
0x4b: {  	[spmem:s20] =	stream.linear.scatter [tilespmem:s0], [sflag:$0xD], $0x2000, $0x38;
	[tilespmem:$0x1EB70] =	vst v63  }
0x4c: {  	s23 =	rddreg [dreg:$0x1d]  }
0x4d: {  	[spmem:s23] =	stream.linear.scatter [tilespmem:s0], [sflag:$0xD], $0x2000, $0x38;
	[tilespmem:$0x1EB70] =	vst v63  }
0x4e: {  	s14 =	rddreg [dreg:$0x1e]  }
0x4f: {  	[spmem:s14] =	stream.linear.scatter [tilespmem:s0], [sflag:$0xD], $0x2000, $0x38;
	[tilespmem:$0x1EB70] =	vst v63  }
0x50: {  	_ = 	snop  }
0x51: {  	[spmem:s30] =	stream.linear.scatter [tilespmem:s13], [sflag:$0xE], $0x280, $0x38;
	[tilespmem:$0x1EB70] =	vst v63  }
0x52: {  	_ =	swait.ge [sflag:s29], $0x280  }
0x53: {  	s0 =	smov.u32 s2;
	s2 =	smov.u32 s5;
	[sflag:s29] =	ssyncset.done $0x0  }
0x54: {  	s5 =	smov.u32 s10;
	s10 =	simm.s32 $0xD;
	[sflag:s29] =	ssyncadd.s32 $0xFFFFFD80  }
0x55: {  	_ =	swait.ge [sflag:s10], $0x2000  }
0x56: {  	[sflag:s10] =	ssyncset.done $0x0  }
0x57: {  	[sflag:s10] =	ssyncadd.s32 $0xFFFFE000  }
0x58: {  	_ =	swait.ge [sflag:s10], $0x2000  }
0x59: {  	[sflag:s10] =	ssyncset.done $0x0  }
0x5a: {  	[sflag:s10] =	ssyncadd.s32 $0xFFFFE000  }
0x5b: {  	_ =	swait.ge [sflag:s10], $0x2000  }
0x5c: {  	[sflag:s10] =	ssyncset.done $0x0  }
0x5d: {  	[sflag:s10] =	ssyncadd.s32 $0xFFFFE000  }
0x5e: {  	_ =	swait.ge [sflag:s10], $0x2000  }
0x5f: {  	[sflag:s10] =	ssyncset.done $0x0  }
0x60: {  	[sflag:s10] =	ssyncadd.s32 $0xFFFFE000  }
0x61: {  	_ =	swait.ge [sflag:s10], $0x2000  }
0x62: {  	[sflag:s10] =	ssyncset.done $0x0  }
0x63: {  	[sflag:s10] =	ssyncadd.s32 $0xFFFFE000  }
0x64: {  	_ =	swait.ge [sflag:s10], $0x2000  }
0x65: {  	[sflag:s10] =	ssyncset.done $0x0  }
0x66: {  	[sflag:s10] =	ssyncadd.s32 $0xFFFFE000  }
0x67: {  	_ =	swait.ge [sflag:s10], $0x2000  }
0x68: {  	[sflag:s10] =	ssyncset.done $0x0  }
0x69: {  	[sflag:s10] =	ssyncadd.s32 $0xFFFFE000  }
0x6a: {  	_ =	swait.ge [sflag:s10], $0x2000  }
0x6b: {  	[sflag:s10] =	ssyncset.done $0x0  }
0x6c: {  	[sflag:s10] =	ssyncadd.s32 $0xFFFFE000  }
0x6d: {  	_ =	swait.ge [sflag:s10], $0x2000  }
0x6e: {  	[sflag:s10] =	ssyncset.done $0x0  }
0x6f: {  	[sflag:s10] =	ssyncadd.s32 $0xFFFFE000  }
0x70: {  	_ =	swait.ge [sflag:s10], $0x2000  }
0x71: {  	[sflag:s10] =	ssyncset.done $0x0  }
0x72: {  	[sflag:s10] =	ssyncadd.s32 $0xFFFFE000  }
0x73: {  	[bflag:$0x0] =	sbarrier.arrive $0xFFFF  }
0x74: {  	s13 =	simm.s32 $0x8000;
	s20 =	rddreg [dreg:$0xc]  }
0x75: {  	v0 =	vld [tilespmem:$0x0];
	[tilespmem:s13], [sflag:$0xA] =	stream.linear.gather [hbm4b:s20+s22], $0x50, $0x38  }
0x76: {  	s17 =	simm.s32 $0xA;
	s29 =	simm.s32 $0x8080;
	s23 =	rddreg [dreg:$0xf]  }
0x77: {  	[tilespmem:s29], [sflag:$0xB] =	stream.linear.gather [hbm4b:s23+s22], $0x50, $0x38;
	[tilespmem:$0x1EB70] =	vst v63  }
0x78: {  	_ =	swait.ge [sflag:s17], $0x50  }
0x79: {  	[sflag:s17] =	ssyncset.done $0x0  }
0x7a: {  	[sflag:s17] =	ssyncadd.s32 $0xFFFFFFB0  }
0x7b: {  	v1 =	vld [tilespmem:$0x8000];
	_ =	sdelay $0x1  }
0x7c: {  	v2 =	vld [tilespmem:$0x8010];
	_ =	sdelay $0x1  }
0x7d: {  	v3 =	vld [tilespmem:$0x8020]  }
0x7e: {  	v4 =	vshrl.u32 v1, $0x10  }
0x7f: {  	v63 =	vld [tilespmem:$0x8030];
	v1 =	vand.u32 $0xFFFF, v1;
	[tilespmem:$0x80] =	vst v4  }
0x80: {  	[tilespmem:$0x200] =	vst v1;
	v1 =	vshrl.u32 v2, $0x10  }
0x81: {  	[tilespmem:$0x90] =	vst v1;
	v1 =	vand.u32 $0xFFFF, v2;
	v2 =	vld [tilespmem:$0x8040]  }
0x82: {  	[tilespmem:$0x210] =	vst v1;
	v1 =	vshrl.u32 v3, $0x10  }
0x83: {  	[tilespmem:$0xA0] =	vst v1;
	v1 =	vand.u32 $0xFFFF, v3  }
0x84: {  	[tilespmem:$0x220] =	vst v1;
	v1 =	vshrl.u32 v63, $0x10  }
0x85: {  	[tilespmem:$0xB0] =	vst v1;
	v1 =	vand.u32 $0xFFFF, v63  }
0x86: {  	[tilespmem:$0x230] =	vst v1;
	v1 =	vshrl.u32 v2, $0x10  }
0x87: {  	[tilespmem:$0xC0] =	vst v1;
	v1 =	vand.u32 $0xFFFF, v2  }
0x88: {  	s20 =	simm.s32 $0x80;
	s22 =	simm.s32 $0x380;
	[tilespmem:$0x240] =	vst v1  }
0x89: {  	[tilespmem:s22], [sflag:$0x1] =	stream.indirect.gather [hbm4b:s0+s21], $0x80, s20, s21, $0xb8;
	[tilespmem:$0x1EB70] =	vst v63  }
0x8a: {  	s23 =	simm.s32 $0x7D00  }
0x8b: {  	[tilespmem:s23], [sflag:$0x4] =	stream.indirect.gather [spmem:s3], $0x1, s20, s21, $0xb8;
	[tilespmem:$0x1EB70] =	vst v63  }
0x8c: {  	s30 =	simm.s32 $0x2B80;
	s29 =	simm.s32 $0x7E80;
	s20 =	simm.s32 $0x0  }
0x8d: {  	[tilespmem:s29], [sflag:$0x4] =	stream.indirect.gather [spmem:s4], $0x1, s25, s21, $0xb8;
	[tilespmem:$0x1EB70] =	vst v63  }
.LBB2_2:
0x8e: {  	_ =	swait.ge [sflag:s28], $0x50  }
0x8f: {  	[sflag:s28] =	ssyncset.done $0x0  }
0x90: {  	[sflag:s28] =	ssyncadd.s32 $0xFFFFFFB0  }
0x91: {  	v1 =	vld [tilespmem:$0x8080];
	_ =	sdelay $0x1  }
0x92: {  	v2 =	vld [tilespmem:$0x8090];
	_ =	sdelay $0x1  }
0x93: {  	v3 =	vld [tilespmem:$0x80A0]  }
0x94: {  	v4 =	vshrl.u32 v1, $0x10  }
0x95: {  	v1 =	vand.u32 $0xFFFF, v1;
	[tilespmem:$0x100] =	vst v4;
	v4 =	vld [tilespmem:$0x80B0]  }
0x96: {  	[tilespmem:$0x280] =	vst v1;
	v1 =	vshrl.u32 v2, $0x10  }
0x97: {  	[tilespmem:$0x110] =	vst v1;
	v1 =	vand.u32 $0xFFFF, v2;
	v2 =	vld [tilespmem:$0x80C0]  }
0x98: {  	[tilespmem:$0x290] =	vst v1;
	v1 =	vshrl.u32 v3, $0x10  }
0x99: {  	[tilespmem:$0x120] =	vst v1;
	v1 =	vand.u32 $0xFFFF, v3  }
0x9a: {  	[tilespmem:$0x2A0] =	vst v1;
	v1 =	vshrl.u32 v4, $0x10  }
0x9b: {  	[tilespmem:$0x130] =	vst v1;
	v1 =	vand.u32 $0xFFFF, v4  }
0x9c: {  	[tilespmem:$0x2B0] =	vst v1;
	v1 =	vshrl.u32 v2, $0x10  }
0x9d: {  	[tilespmem:$0x140] =	vst v1;
	v1 =	vand.u32 $0xFFFF, v2  }
0x9e: {  	s9 =	simm.s32 $0x100;
	[tilespmem:$0x2C0] =	vst v1  }
0x9f: {  	[tilespmem:s30], [sflag:$0x2] =	stream.indirect.gather [hbm4b:s0+s21], $0x80, s9, s21, $0xb8;
	[tilespmem:$0x1EB70] =	vst v63  }
0xa0: {  	s14 =	simm.s32 $0x7D80  }
0xa1: {  	[tilespmem:s14], [sflag:$0x5] =	stream.indirect.gather [spmem:s3], $0x1, s9, s21, $0xb8;
	[tilespmem:$0x1EB70] =	vst v63  }
0xa2: {  	s22 =	simm.s32 $0x7F00;
	s23 =	rddreg [dreg:$0x10];
	s9 =	smul.u32 $0xF0, s20  }
0xa3: {  	[tilespmem:s22], [sflag:$0x5] =	stream.indirect.gather [spmem:s4], $0x1, s1, s21, $0xb8;
	[tilespmem:$0x1EB70] =	vst v63  }
0xa4: {  	s14 =	sadd.s32 s9, s23  }
0xa5: {  	s14 =	sshrl.u32 s14, $0x3  }
0xa6: {  	s22 =	simm.s32 $0x0;
	s23 =	simm.s32 $0x8100;
	s14 =	sadd.s32 s8, s14  }
0xa7: {  	[tilespmem:s23], [sflag:$0xC] =	stream.linear.gather [hbm4b:s14+s22], $0x50, $0x38;
	[tilespmem:$0x1EB70] =	vst v63  }
0xa8: {  	_ =	swait.ge [sflag:s16], $0x50  }
0xa9: {  	[sflag:s16] =	ssyncset.done $0x0  }
0xaa: {  	[sflag:s16] =	ssyncadd.s32 $0xFFFFFFB0  }
0xab: {  	_ =	swait.ge [sflag:s16], $0x50  }
0xac: {  	[sflag:s16] =	ssyncset.done $0x0  }
0xad: {  	[sflag:s16] =	ssyncadd.s32 $0xFFFFFFB0  }
0xae: {  	v1 =	vld [tilespmem:$0x7D00]  }
0xaf: {  	v2 =	vld [tilespmem:$0x7E80]  }
0xb0: {  	v3 =	vld [tilespmem:$0x7D10]  }
0xb1: {  	v4 =	vld [tilespmem:$0x7E90]  }
0xb2: {  	v5 =	vld [tilespmem:$0x7D20]  }
0xb3: {  	v6 =	vld [tilespmem:$0x7EA0]  }
0xb4: {  	v9 =	vld [tilespmem:$0x7D40]  }
0xb5: {  	v10 =	vld [tilespmem:$0x7EC0]  }
0xb6: {  	v7 =	vld [tilespmem:$0x7EB0]  }
0xb7: {  	v1 =	vadd.f32 v2, v1;
	v2 =	vld [tilespmem:$0x7D30];
	_ =	sdelay $0x1  }
0xb8: {  	v3 =	vadd.f32 v4, v3  }
0xb9: {  	v5 =	vadd.f32 v6, v5;
	v6 =	vadd.f32 v10, v9;
	v8 =	vmul.f32 $2.000000030e-01, v1  }
0xba: {  	vm0 =	vge.f32 v1, $0.0e+00;
	v4 =	vmul.f32 $2.000000030e-01, v3;
	vm12 =	vge.f32 v3, $0.0e+00  }
0xbb: {  	vm13 =	vge.f32 v5, $0.0e+00;
	vm15 =	vge.f32 v6, $0.0e+00;
	v2 =	vadd.f32 v7, v2  }
0xbc: {  	v1 =	vsel vm0, v1, v8;
	v3 =	vsel vm12, v3, v4;
	v4 =	vmul.f32 $2.000000030e-01, v5  }
0xbd: {  	v1 =	vsub.f32 v1, v0;
	v3 =	vsub.f32 v3, v0;
	v7 =	vmul.f32 $2.000000030e-01, v2  }
0xbe: {  	v4 =	vsel vm13, v5, v4;
	v5 =	vmul.f32 $2.000000030e-01, v6;
	vm14 =	vge.f32 v2, $0.0e+00  }
0xbf: {  	v1 =	vmul.f32 $1.442695020e+00, v1;
	v4 =	vsub.f32 v4, v0;
	v2 =	vsel vm14, v2, v7  }
0xc0: {  	v3 =	vmul.f32 $1.442695020e+00, v3;
	v5 =	vsel vm15, v6, v5;
	v2 =	vsub.f32 v2, v0  }
0xc1: {  	(erf) = vpow2.f32 v1;
	v1 =	vmul.f32 $1.442695020e+00, v4;
	v4 =	vsub.f32 v5, v0  }
0xc2: {  	(erf) = vpow2.f32 v3;
	v2 =	vmul.f32 $1.442695020e+00, v2  }
0xc3: {  	(erf) = vpow2.f32 v1;
	v1 =	vmul.f32 $1.442695020e+00, v4  }
0xc4: {  	(erf) = vpow2.f32 v2  }
0xc5: {  	(erf) = vpow2.f32 v1;
	_ =	sdelay $0x4  }
0xc6: {  	v1 =	vpop (erf)  }
0xc7: {  	v2 =	vpop (erf);
	[tilespmem:$0x7B80] =	vst v1;
	v1 =	vmov s22  }
0xc8: {  	v3 =	vpop (erf);
	[tilespmem:$0x7B90] =	vst v2;
	v1 =	vand.u32 $0xFFFFFFFE, v1  }
0xc9: {  	[tilespmem:$0x7BA0] =	vst v3;
	v1 =	vbroadcast v1, $0x0;
	v2 =	vpop (erf)  }
0xca: {  	[tilespmem:$0x7BB0] =	vst v2;
	v2 =	vpop (erf)  }
0xcb: {  	[tilespmem:$0x7BC0] =	vst v2  }
0xcc: {  	_ =	swait.ge [sflag:s15], $0x2800  }
0xcd: {  	[sflag:s15] =	ssyncset.done $0x0  }
0xce: {  	[sflag:s15] =	ssyncadd.s32 $0xFFFFD800  }
0xcf: {  	s14 =	simm.s32 $0x400;
	v2 =	vld.idx.msk [tilespmem:v1+s6+$0x0], $0xffff  }
0xd0: {  	v1 =	vld [tilespmem:s14+$0xFFFFFFF0]  }
0xd1: {  	v3 =	vld [tilespmem:s14+$0xFFFFFF80]  }
0xd2: {  	s30 =	simm.s32 $0x1;
	v6 =	vld [tilespmem:s14+$0xFFFFFF90]  }
0xd3: {  	v7 =	vmov s30;
	v8 =	vld [tilespmem:s14+$0xFFFFFFA0]  }
0xd4: {  	v11 =	vld [tilespmem:s14+$0xFFFFFFB0]  }
0xd5: {  	v5 =	vld [tilespmem:s14+$0xFFFFFFC0]  }
0xd6: {  	v4 =	vld [tilespmem:s14+$0xFFFFFFD0];
	v9 =	vmul.f32 v1, v2  }
0xd7: {  	v10 =	vmul.f32 v3, v2;
	v3 =	vld [tilespmem:s14+$0xFFFFFFE0]  }
0xd8: {  	v1 =	vld.idx.msk [tilespmem:v7+s6+$0x0], $0xffff;
	v6 =	vmul.f32 v6, v2;
	[tilespmem:s14+$0xFFFFFFF0] =	vst v9  }
0xd9: {  	s23 =	simm.s32 $0x2;
	v7 =	vld [tilespmem:s14+$0x0];
	[tilespmem:s14+$0xFFFFFF80] =	vst v10;
	v9 =	vmul.f32 v8, v2  }
0xda: {  	s29 =	simm.s32 $0x4;
	s22 =	simm.s32 $0x400;
	v10 =	vmov s23;
	[tilespmem:s14+$0xFFFFFF90] =	vst v6;
	v8 =	vmul.f32 v11, v2;
	v6 =	vld [tilespmem:s14+$0x10]  }
.LBB2_3:
0xdb: {  	p1 =	slt.u32 s29, $0x4E;
	v10 =	vand.u32 $0xFFFFFFFE, v10;
	s30 =	sadd.s32 $0x1, s23;
	[tilespmem:s14+$0xFFFFFFA0] =	vst v9;
	v5 =	vmul.f32 v5, v2;
	v9 =	vld [tilespmem:s14+$0x20];
	s23 =	smov.u32 s29  }
0xdc: {  	v10 =	vbroadcast v10, $0x0;
	v11 =	vmov s30;
	[tilespmem:s14+$0xFFFFFFB0] =	vst v8;
	v4 =	vmul.f32 v4, v2;
	v8 =	vld [tilespmem:s14+$0x30]  }
0xdd: {  	[tilespmem:s14+$0xFFFFFFC0] =	vst v5;
	v2 =	vmul.f32 v3, v2;
	v3 =	vld [tilespmem:s14+$0x40]  }
0xde: {  	[tilespmem:s14+$0xFFFFFFD0] =	vst v4;
	v4 =	vmul.f32 v7, v1;
	v5 =	vld [tilespmem:s14+$0x50]  }
0xdf: {  	[tilespmem:s14+$0xFFFFFFE0] =	vst v2;
	v2 =	vmul.f32 v6, v1;
	v6 =	vld [tilespmem:s14+$0x60]  }
0xe0: {  	[tilespmem:s14+$0x0] =	vst v4;
	v4 =	vmul.f32 v9, v1;
	v7 =	vld [tilespmem:s14+$0x70]  }
0xe1: {  	v9 =	vld.idx.msk [tilespmem:v11+s6+$0x0], $0xffff;
	[tilespmem:s14+$0x10] =	vst v2;
	v8 =	vmul.f32 v8, v1  }
0xe2: {  	s14 =	sadd.s32 $0x100, s14;
	v2 =	vld.idx.msk [tilespmem:v10+s6+$0x0], $0xffff;
	[tilespmem:s22+$0x20] =	vst v4;
	v3 =	vmul.f32 v3, v1  }
0xe3: {  	v4 =	vld [tilespmem:s14+$0xFFFFFFF0];
	[tilespmem:s22+$0x30] =	vst v8;
	v5 =	vmul.f32 v5, v1  }
0xe4: {  	v8 =	vld [tilespmem:s14+$0xFFFFFF80];
	[tilespmem:s22+$0x40] =	vst v3;
	v3 =	vmul.f32 v6, v1  }
0xe5: {  	v6 =	vld [tilespmem:s14+$0xFFFFFF90];
	[tilespmem:s22+$0x50] =	vst v5;
	v5 =	vmul.f32 v7, v1  }
0xe6: {  	v7 =	vld [tilespmem:s14+$0xFFFFFFA0];
	[tilespmem:s22+$0x60] =	vst v3  }
0xe7: {  	v1 =	vmov v9;
	v11 =	vld [tilespmem:s14+$0xFFFFFFB0];
	[tilespmem:s22+$0x70] =	vst v5;
	s22 =	smov.u32 s14  }
.Ltmp0:
0xe8: {  	v5 =	vld [tilespmem:s14+$0xFFFFFFC0];
	v9 =	vmul.f32 v4, v2;
	(pc) =	sbr.rel @p1 .LBB2_3-.Ltmp0, $4  }
0xe9: {  	v8 =	vmul.f32 v8, v2;
	v4 =	vld [tilespmem:s14+$0xFFFFFFD0]  }
0xea: {  	v6 =	vmul.f32 v6, v2;
	v3 =	vld [tilespmem:s14+$0xFFFFFFE0];
	[tilespmem:s14+$0xFFFFFFF0] =	vst v9  }
0xeb: {  	[tilespmem:s14+$0xFFFFFF80] =	vst v8;
	v9 =	vmul.f32 v7, v2;
	v7 =	vld [tilespmem:s14+$0x0]  }
0xec: {  	s29 =	sadd.s32 $0x2, s29;
	v10 =	vmov s23;
	[tilespmem:s14+$0xFFFFFF90] =	vst v6;
	v8 =	vmul.f32 v11, v2;
	v6 =	vld [tilespmem:s14+$0x10]  }
0xed: {  	v11 =	vld [tilespmem:s14+$0x20]  }
0xee: {  	v10 =	vand.u32 $0xFFFFFFFE, v10;
	s23 =	sadd.s32 $0x1, s23;
	v12 =	vld [tilespmem:s14+$0x30]  }
0xef: {  	v14 =	vld [tilespmem:s14+$0x40];
	[tilespmem:s14+$0xFFFFFFA0] =	vst v9;
	v5 =	vmul.f32 v5, v2;
	v10 =	vbroadcast v10, $0x0;
	v13 =	vmov s23  }
0xf0: {  	v9 =	vld [tilespmem:s14+$0x50];
	[tilespmem:s14+$0xFFFFFFB0] =	vst v8;
	v4 =	vmul.f32 v4, v2  }
0xf1: {  	v8 =	vld [tilespmem:s14+$0x60];
	[tilespmem:s14+$0xFFFFFFC0] =	vst v5;
	v7 =	vmul.f32 v7, v1  }
0xf2: {  	s30 =	sadd.s32 $0x100, s14;
	v2 =	vmul.f32 v3, v2;
	v3 =	vld [tilespmem:s14+$0x70];
	[tilespmem:s14+$0xFFFFFFD0] =	vst v4  }
0xf3: {  	v4 =	vmul.f32 v6, v1;
	[tilespmem:s14+$0x0] =	vst v7;
	v7 =	vld [tilespmem:s30+$0xFFFFFFF0]  }
0xf4: {  	[tilespmem:s14+$0xFFFFFFE0] =	vst v2;
	v2 =	vmul.f32 v11, v1;
	v5 =	vld.idx.msk [tilespmem:v13+s6+$0x0], $0xffff  }
0xf5: {  	[tilespmem:s14+$0x10] =	vst v4;
	v4 =	vmul.f32 v12, v1;
	v6 =	vld.idx.msk [tilespmem:v10+s6+$0x0], $0xffff  }
0xf6: {  	[tilespmem:s22+$0x20] =	vst v2;
	v2 =	vmul.f32 v14, v1;
	v10 =	vld [tilespmem:s30+$0xFFFFFF80]  }
0xf7: {  	[tilespmem:s22+$0x30] =	vst v4;
	v4 =	vmul.f32 v9, v1;
	v9 =	vld [tilespmem:s30+$0xFFFFFF90]  }
0xf8: {  	[tilespmem:s22+$0x40] =	vst v2;
	v2 =	vmul.f32 v8, v1;
	v8 =	vld [tilespmem:s30+$0xFFFFFFA0]  }
0xf9: {  	v1 =	vmul.f32 v3, v1;
	v3 =	vld [tilespmem:s30+$0xFFFFFFB0];
	[tilespmem:s22+$0x50] =	vst v4  }
0xfa: {  	[tilespmem:s22+$0x60] =	vst v2;
	v2 =	vld [tilespmem:s30+$0xFFFFFFC0];
	v4 =	vmul.f32 v7, v6  }
0xfb: {  	[tilespmem:s22+$0x70] =	vst v1;
	v1 =	vmul.f32 v10, v6;
	v7 =	vld [tilespmem:s30+$0xFFFFFFD0]  }
0xfc: {  	v10 =	vld [tilespmem:s30+$0xFFFFFFE0];
	v9 =	vmul.f32 v9, v6;
	[tilespmem:s30+$0xFFFFFFF0] =	vst v4  }
0xfd: {  	[tilespmem:s30+$0xFFFFFF80] =	vst v1;
	v1 =	vmul.f32 v8, v6;
	v4 =	vld [tilespmem:s30+$0x0]  }
0xfe: {  	v3 =	vmul.f32 v3, v6;
	v8 =	vld [tilespmem:s30+$0x10];
	[tilespmem:s30+$0xFFFFFF90] =	vst v9  }
0xff: {  	[tilespmem:s30+$0xFFFFFFA0] =	vst v1;
	v1 =	vmul.f32 v2, v6;
	v2 =	vld [tilespmem:s30+$0x20]  }
0x100: {  	[tilespmem:s30+$0xFFFFFFB0] =	vst v3;
	v3 =	vmul.f32 v7, v6;
	v7 =	vld [tilespmem:s30+$0x30]  }
0x101: {  	[tilespmem:s30+$0xFFFFFFC0] =	vst v1;
	v1 =	vmul.f32 v10, v6;
	v6 =	vld [tilespmem:s30+$0x40]  }
0x102: {  	[tilespmem:s30+$0xFFFFFFD0] =	vst v3;
	v3 =	vmul.f32 v4, v5;
	v4 =	vld [tilespmem:s30+$0x50]  }
0x103: {  	[tilespmem:s30+$0xFFFFFFE0] =	vst v1;
	v1 =	vmul.f32 v8, v5;
	v8 =	vld [tilespmem:s30+$0x60]  }
0x104: {  	[tilespmem:s30+$0x0] =	vst v3;
	v2 =	vmul.f32 v2, v5;
	v3 =	vld [tilespmem:s30+$0x70]  }
0x105: {  	[tilespmem:s30+$0x10] =	vst v1;
	v1 =	vmul.f32 v7, v5  }
0x106: {  	[tilespmem:s30+$0x20] =	vst v2;
	v2 =	vmul.f32 v6, v5  }
0x107: {  	[tilespmem:s30+$0x30] =	vst v1;
	v1 =	vmul.f32 v4, v5  }
0x108: {  	[tilespmem:s30+$0x40] =	vst v2;
	v2 =	vmul.f32 v8, v5  }
0x109: {  	[tilespmem:s30+$0x50] =	vst v1;
	v1 =	vmul.f32 v3, v5  }
0x10a: {  	[tilespmem:s30+$0x60] =	vst v2  }
0x10b: {  	p1 =	seq.s32 s20, $0x0;
	s22 =	simm.s32 $0x380;
	[tilespmem:s30+$0x70] =	vst v1  }
0x10c: {  	[spmem:s2] =	stream.indirect.scatter.add.f32 [tilespmem:s22], [sflag:$0x7], $0x80, s25, s21, $0xb8;
	[tilespmem:$0x1EB70] =	vst v63  }
0x10d: {  	s14 =	simm.s32 @!p1 $0x9  }
0x10e: {  	[spmem:s5] =	stream.indirect.scatter.add.f32 [tilespmem:s6], [sflag:$0x7], $0x1, s25, s21, $0xb8;
	[tilespmem:$0x1EB70] =	vst v63  }
0x10f: {  	_ =	swait.ge @!p1 [sflag:s14], $0x2800  }
0x110: {  	[sflag:s14] =	ssyncset.done @!p1 $0x0  }
0x111: {  	[sflag:s14] =	ssyncadd.s32 @!p1 $0xFFFFD800  }
0x112: {  	_ =	swait.ge @!p1 [sflag:s14], $0x50  }
0x113: {  	[sflag:s14] =	ssyncset.done @!p1 $0x0  }
0x114: {  	s23 =	simm.s32 $0xC;
	[sflag:s14] =	ssyncadd.s32 @!p1 $0xFFFFFFB0  }
0x115: {  	_ =	swait.ge [sflag:s23], $0x50  }
0x116: {  	[sflag:s23] =	ssyncset.done $0x0  }
0x117: {  	[sflag:s23] =	ssyncadd.s32 $0xFFFFFFB0  }
0x118: {  	v1 =	vld [tilespmem:$0x8100];
	_ =	sdelay $0x1  }
0x119: {  	v2 =	vld [tilespmem:$0x8110];
	_ =	sdelay $0x1  }
0x11a: {  	v3 =	vld [tilespmem:$0x8120]  }
0x11b: {  	v4 =	vshrl.u32 v1, $0x10  }
0x11c: {  	v1 =	vand.u32 $0xFFFF, v1;
	[tilespmem:$0x180] =	vst v4;
	v4 =	vld [tilespmem:$0x8130]  }
0x11d: {  	[tilespmem:$0x300] =	vst v1;
	v1 =	vshrl.u32 v2, $0x10  }
0x11e: {  	[tilespmem:$0x190] =	vst v1;
	v1 =	vand.u32 $0xFFFF, v2;
	v2 =	vld [tilespmem:$0x8140]  }
0x11f: {  	[tilespmem:$0x310] =	vst v1;
	v1 =	vshrl.u32 v3, $0x10  }
0x120: {  	[tilespmem:$0x1A0] =	vst v1;
	v1 =	vand.u32 $0xFFFF, v3  }
0x121: {  	[tilespmem:$0x320] =	vst v1;
	v1 =	vshrl.u32 v4, $0x10  }
0x122: {  	[tilespmem:$0x1B0] =	vst v1;
	v1 =	vand.u32 $0xFFFF, v4  }
0x123: {  	[tilespmem:$0x330] =	vst v1;
	v1 =	vshrl.u32 v2, $0x10  }
0x124: {  	[tilespmem:$0x1C0] =	vst v1;
	v1 =	vand.u32 $0xFFFF, v2  }
0x125: {  	s30 =	simm.s32 $0x5380;
	s14 =	simm.s32 $0x180;
	[tilespmem:$0x340] =	vst v1  }
0x126: {  	[tilespmem:s30], [sflag:$0x3] =	stream.indirect.gather [hbm4b:s0+s21], $0x80, s14, s21, $0xb8;
	[tilespmem:$0x1EB70] =	vst v63  }
0x127: {  	s22 =	rddreg [dreg:$0x11];
	s23 =	simm.s32 $0x7E00  }
0x128: {  	[tilespmem:s23], [sflag:$0x6] =	stream.indirect.gather [spmem:s3], $0x1, s14, s21, $0xb8;
	[tilespmem:$0x1EB70] =	vst v63  }
0x129: {  	s14 =	sadd.s32 s9, s22  }
0x12a: {  	s30 =	simm.s32 $0x7F80;
	s14 =	sshrl.u32 s14, $0x3  }
0x12b: {  	[tilespmem:s30], [sflag:$0x6] =	stream.indirect.gather [spmem:s4], $0x1, s12, s21, $0xb8;
	[tilespmem:$0x1EB70] =	vst v63  }
0x12c: {  	s23 =	simm.s32 $0x0;
	s14 =	sadd.s32 s8, s14  }
0x12d: {  	[tilespmem:s13], [sflag:$0xA] =	stream.linear.gather [hbm4b:s14+s23], $0x50, $0x38;
	[tilespmem:$0x1EB70] =	vst v63  }
0x12e: {  	_ =	swait.ge [sflag:s11], $0x50  }
0x12f: {  	[sflag:s11] =	ssyncset.done $0x0  }
0x130: {  	[sflag:s11] =	ssyncadd.s32 $0xFFFFFFB0  }
0x131: {  	_ =	swait.ge [sflag:s11], $0x50  }
0x132: {  	[sflag:s11] =	ssyncset.done $0x0  }
0x133: {  	[sflag:s11] =	ssyncadd.s32 $0xFFFFFFB0  }
0x134: {  	v1 =	vld [tilespmem:$0x7D80]  }
0x135: {  	v2 =	vld [tilespmem:$0x7F00]  }
0x136: {  	v3 =	vld [tilespmem:$0x7D90]  }
0x137: {  	v4 =	vld [tilespmem:$0x7F10]  }
0x138: {  	v5 =	vld [tilespmem:$0x7DA0]  }
0x139: {  	v6 =	vld [tilespmem:$0x7F20]  }
0x13a: {  	v9 =	vld [tilespmem:$0x7DC0]  }
0x13b: {  	v10 =	vld [tilespmem:$0x7F40]  }
0x13c: {  	v7 =	vld [tilespmem:$0x7F30]  }
0x13d: {  	v1 =	vadd.f32 v2, v1;
	v2 =	vld [tilespmem:$0x7DB0];
	_ =	sdelay $0x1  }
0x13e: {  	v3 =	vadd.f32 v4, v3  }
0x13f: {  	v5 =	vadd.f32 v6, v5;
	v6 =	vadd.f32 v10, v9;
	v8 =	vmul.f32 $2.000000030e-01, v1  }
0x140: {  	vm0 =	vge.f32 v1, $0.0e+00;
	v4 =	vmul.f32 $2.000000030e-01, v3;
	vm12 =	vge.f32 v3, $0.0e+00  }
0x141: {  	vm13 =	vge.f32 v5, $0.0e+00;
	vm15 =	vge.f32 v6, $0.0e+00;
	v2 =	vadd.f32 v7, v2  }
0x142: {  	v1 =	vsel vm0, v1, v8;
	v3 =	vsel vm12, v3, v4;
	v4 =	vmul.f32 $2.000000030e-01, v5  }
0x143: {  	v1 =	vsub.f32 v1, v0;
	v3 =	vsub.f32 v3, v0;
	v7 =	vmul.f32 $2.000000030e-01, v2  }
0x144: {  	v4 =	vsel vm13, v5, v4;
	v5 =	vmul.f32 $2.000000030e-01, v6;
	vm14 =	vge.f32 v2, $0.0e+00  }
0x145: {  	v1 =	vmul.f32 $1.442695020e+00, v1;
	v4 =	vsub.f32 v4, v0;
	v2 =	vsel vm14, v2, v7  }
0x146: {  	v3 =	vmul.f32 $1.442695020e+00, v3;
	v5 =	vsel vm15, v6, v5;
	v2 =	vsub.f32 v2, v0  }
0x147: {  	(erf) = vpow2.f32 v1;
	v1 =	vmul.f32 $1.442695020e+00, v4;
	v4 =	vsub.f32 v5, v0  }
0x148: {  	(erf) = vpow2.f32 v3;
	v2 =	vmul.f32 $1.442695020e+00, v2  }
0x149: {  	(erf) = vpow2.f32 v1;
	v1 =	vmul.f32 $1.442695020e+00, v4  }
0x14a: {  	(erf) = vpow2.f32 v2  }
0x14b: {  	(erf) = vpow2.f32 v1;
	_ =	sdelay $0x4  }
0x14c: {  	v1 =	vpop (erf)  }
0x14d: {  	v2 =	vpop (erf);
	[tilespmem:$0x7C00] =	vst v1;
	v1 =	vmov s23  }
0x14e: {  	v3 =	vpop (erf);
	[tilespmem:$0x7C10] =	vst v2;
	v1 =	vand.u32 $0xFFFFFFFE, v1  }
0x14f: {  	[tilespmem:$0x7C20] =	vst v3;
	v1 =	vbroadcast v1, $0x0;
	v2 =	vpop (erf)  }
0x150: {  	[tilespmem:$0x7C30] =	vst v2;
	v2 =	vpop (erf)  }
0x151: {  	[tilespmem:$0x7C40] =	vst v2  }
0x152: {  	_ =	swait.ge [sflag:s24], $0x2800  }
0x153: {  	[sflag:s24] =	ssyncset.done $0x0  }
0x154: {  	[sflag:s24] =	ssyncadd.s32 $0xFFFFD800  }
0x155: {  	s14 =	simm.s32 $0x2C00;
	v2 =	vld.idx.msk [tilespmem:v1+s26+$0x0], $0xffff  }
0x156: {  	v1 =	vld [tilespmem:s14+$0xFFFFFFF0]  }
0x157: {  	v3 =	vld [tilespmem:s14+$0xFFFFFF80]  }
0x158: {  	s30 =	simm.s32 $0x1;
	v6 =	vld [tilespmem:s14+$0xFFFFFF90]  }
0x159: {  	v7 =	vmov s30;
	v8 =	vld [tilespmem:s14+$0xFFFFFFA0]  }
0x15a: {  	v11 =	vld [tilespmem:s14+$0xFFFFFFB0]  }
0x15b: {  	v5 =	vld [tilespmem:s14+$0xFFFFFFC0]  }
0x15c: {  	v4 =	vld [tilespmem:s14+$0xFFFFFFD0];
	v9 =	vmul.f32 v1, v2  }
0x15d: {  	v10 =	vmul.f32 v3, v2;
	v3 =	vld [tilespmem:s14+$0xFFFFFFE0]  }
0x15e: {  	v1 =	vld.idx.msk [tilespmem:v7+s26+$0x0], $0xffff;
	v6 =	vmul.f32 v6, v2;
	[tilespmem:s14+$0xFFFFFFF0] =	vst v9  }
0x15f: {  	s23 =	simm.s32 $0x2;
	v7 =	vld [tilespmem:s14+$0x0];
	[tilespmem:s14+$0xFFFFFF80] =	vst v10;
	v9 =	vmul.f32 v8, v2  }
0x160: {  	s29 =	simm.s32 $0x4;
	s22 =	simm.s32 $0x2C00;
	v10 =	vmov s23;
	[tilespmem:s14+$0xFFFFFF90] =	vst v6;
	v8 =	vmul.f32 v11, v2;
	v6 =	vld [tilespmem:s14+$0x10]  }
.LBB2_5:
0x161: {  	p1 =	slt.u32 s29, $0x4E;
	v10 =	vand.u32 $0xFFFFFFFE, v10;
	s30 =	sadd.s32 $0x1, s23;
	[tilespmem:s14+$0xFFFFFFA0] =	vst v9;
	v5 =	vmul.f32 v5, v2;
	v9 =	vld [tilespmem:s14+$0x20];
	s23 =	smov.u32 s29  }
0x162: {  	v10 =	vbroadcast v10, $0x0;
	v11 =	vmov s30;
	[tilespmem:s14+$0xFFFFFFB0] =	vst v8;
	v4 =	vmul.f32 v4, v2;
	v8 =	vld [tilespmem:s14+$0x30]  }
0x163: {  	[tilespmem:s14+$0xFFFFFFC0] =	vst v5;
	v2 =	vmul.f32 v3, v2;
	v3 =	vld [tilespmem:s14+$0x40]  }
0x164: {  	[tilespmem:s14+$0xFFFFFFD0] =	vst v4;
	v4 =	vmul.f32 v7, v1;
	v5 =	vld [tilespmem:s14+$0x50]  }
0x165: {  	[tilespmem:s14+$0xFFFFFFE0] =	vst v2;
	v2 =	vmul.f32 v6, v1;
	v6 =	vld [tilespmem:s14+$0x60]  }
0x166: {  	[tilespmem:s14+$0x0] =	vst v4;
	v4 =	vmul.f32 v9, v1;
	v7 =	vld [tilespmem:s14+$0x70]  }
0x167: {  	v9 =	vld.idx.msk [tilespmem:v11+s26+$0x0], $0xffff;
	[tilespmem:s14+$0x10] =	vst v2;
	v8 =	vmul.f32 v8, v1  }
0x168: {  	s14 =	sadd.s32 $0x100, s14;
	v2 =	vld.idx.msk [tilespmem:v10+s26+$0x0], $0xffff;
	[tilespmem:s22+$0x20] =	vst v4;
	v3 =	vmul.f32 v3, v1  }
0x169: {  	v4 =	vld [tilespmem:s14+$0xFFFFFFF0];
	[tilespmem:s22+$0x30] =	vst v8;
	v5 =	vmul.f32 v5, v1  }
0x16a: {  	v8 =	vld [tilespmem:s14+$0xFFFFFF80];
	[tilespmem:s22+$0x40] =	vst v3;
	v3 =	vmul.f32 v6, v1  }
0x16b: {  	v6 =	vld [tilespmem:s14+$0xFFFFFF90];
	[tilespmem:s22+$0x50] =	vst v5;
	v5 =	vmul.f32 v7, v1  }
0x16c: {  	v7 =	vld [tilespmem:s14+$0xFFFFFFA0];
	[tilespmem:s22+$0x60] =	vst v3  }
0x16d: {  	v1 =	vmov v9;
	v11 =	vld [tilespmem:s14+$0xFFFFFFB0];
	[tilespmem:s22+$0x70] =	vst v5;
	s22 =	smov.u32 s14  }
.Ltmp1:
0x16e: {  	v5 =	vld [tilespmem:s14+$0xFFFFFFC0];
	v9 =	vmul.f32 v4, v2;
	(pc) =	sbr.rel @p1 .LBB2_5-.Ltmp1, $4  }
0x16f: {  	v8 =	vmul.f32 v8, v2;
	v4 =	vld [tilespmem:s14+$0xFFFFFFD0]  }
0x170: {  	v6 =	vmul.f32 v6, v2;
	v3 =	vld [tilespmem:s14+$0xFFFFFFE0];
	[tilespmem:s14+$0xFFFFFFF0] =	vst v9  }
0x171: {  	[tilespmem:s14+$0xFFFFFF80] =	vst v8;
	v9 =	vmul.f32 v7, v2;
	v7 =	vld [tilespmem:s14+$0x0]  }
0x172: {  	s29 =	sadd.s32 $0x2, s29;
	v10 =	vmov s23;
	[tilespmem:s14+$0xFFFFFF90] =	vst v6;
	v8 =	vmul.f32 v11, v2;
	v6 =	vld [tilespmem:s14+$0x10]  }
0x173: {  	v11 =	vld [tilespmem:s14+$0x20]  }
0x174: {  	v10 =	vand.u32 $0xFFFFFFFE, v10;
	s23 =	sadd.s32 $0x1, s23;
	v12 =	vld [tilespmem:s14+$0x30]  }
0x175: {  	v14 =	vld [tilespmem:s14+$0x40];
	[tilespmem:s14+$0xFFFFFFA0] =	vst v9;
	v5 =	vmul.f32 v5, v2;
	v10 =	vbroadcast v10, $0x0;
	v13 =	vmov s23  }
0x176: {  	v9 =	vld [tilespmem:s14+$0x50];
	[tilespmem:s14+$0xFFFFFFB0] =	vst v8;
	v4 =	vmul.f32 v4, v2  }
0x177: {  	v8 =	vld [tilespmem:s14+$0x60];
	[tilespmem:s14+$0xFFFFFFC0] =	vst v5;
	v7 =	vmul.f32 v7, v1  }
0x178: {  	s12 =	sadd.s32 $0x100, s14;
	v2 =	vmul.f32 v3, v2;
	v3 =	vld [tilespmem:s14+$0x70];
	[tilespmem:s14+$0xFFFFFFD0] =	vst v4  }
0x179: {  	v4 =	vmul.f32 v6, v1;
	[tilespmem:s14+$0x0] =	vst v7;
	v7 =	vld [tilespmem:s12+$0xFFFFFFF0]  }
0x17a: {  	[tilespmem:s14+$0xFFFFFFE0] =	vst v2;
	v2 =	vmul.f32 v11, v1;
	v5 =	vld.idx.msk [tilespmem:v13+s26+$0x0], $0xffff  }
0x17b: {  	[tilespmem:s14+$0x10] =	vst v4;
	v4 =	vmul.f32 v12, v1;
	v6 =	vld.idx.msk [tilespmem:v10+s26+$0x0], $0xffff  }
0x17c: {  	[tilespmem:s22+$0x20] =	vst v2;
	v2 =	vmul.f32 v14, v1;
	v10 =	vld [tilespmem:s12+$0xFFFFFF80]  }
0x17d: {  	[tilespmem:s22+$0x30] =	vst v4;
	v4 =	vmul.f32 v9, v1;
	v9 =	vld [tilespmem:s12+$0xFFFFFF90]  }
0x17e: {  	[tilespmem:s22+$0x40] =	vst v2;
	v2 =	vmul.f32 v8, v1;
	v8 =	vld [tilespmem:s12+$0xFFFFFFA0]  }
0x17f: {  	v1 =	vmul.f32 v3, v1;
	v3 =	vld [tilespmem:s12+$0xFFFFFFB0];
	[tilespmem:s22+$0x50] =	vst v4  }
0x180: {  	[tilespmem:s22+$0x60] =	vst v2;
	v2 =	vld [tilespmem:s12+$0xFFFFFFC0];
	v4 =	vmul.f32 v7, v6  }
0x181: {  	[tilespmem:s22+$0x70] =	vst v1;
	v1 =	vmul.f32 v10, v6;
	v7 =	vld [tilespmem:s12+$0xFFFFFFD0]  }
0x182: {  	v10 =	vld [tilespmem:s12+$0xFFFFFFE0];
	v9 =	vmul.f32 v9, v6;
	[tilespmem:s12+$0xFFFFFFF0] =	vst v4  }
0x183: {  	[tilespmem:s12+$0xFFFFFF80] =	vst v1;
	v1 =	vmul.f32 v8, v6;
	v4 =	vld [tilespmem:s12+$0x0]  }
0x184: {  	v3 =	vmul.f32 v3, v6;
	v8 =	vld [tilespmem:s12+$0x10];
	[tilespmem:s12+$0xFFFFFF90] =	vst v9  }
0x185: {  	[tilespmem:s12+$0xFFFFFFA0] =	vst v1;
	v1 =	vmul.f32 v2, v6;
	v2 =	vld [tilespmem:s12+$0x20]  }
0x186: {  	[tilespmem:s12+$0xFFFFFFB0] =	vst v3;
	v3 =	vmul.f32 v7, v6;
	v7 =	vld [tilespmem:s12+$0x30]  }
0x187: {  	[tilespmem:s12+$0xFFFFFFC0] =	vst v1;
	v1 =	vmul.f32 v10, v6;
	v6 =	vld [tilespmem:s12+$0x40]  }
0x188: {  	[tilespmem:s12+$0xFFFFFFD0] =	vst v3;
	v3 =	vmul.f32 v4, v5;
	v4 =	vld [tilespmem:s12+$0x50]  }
0x189: {  	[tilespmem:s12+$0xFFFFFFE0] =	vst v1;
	v1 =	vmul.f32 v8, v5;
	v8 =	vld [tilespmem:s12+$0x60]  }
0x18a: {  	[tilespmem:s12+$0x0] =	vst v3;
	v2 =	vmul.f32 v2, v5;
	v3 =	vld [tilespmem:s12+$0x70]  }
0x18b: {  	[tilespmem:s12+$0x10] =	vst v1;
	v1 =	vmul.f32 v7, v5  }
0x18c: {  	[tilespmem:s12+$0x20] =	vst v2;
	v2 =	vmul.f32 v6, v5  }
0x18d: {  	[tilespmem:s12+$0x30] =	vst v1;
	v1 =	vmul.f32 v4, v5  }
0x18e: {  	[tilespmem:s12+$0x40] =	vst v2;
	v2 =	vmul.f32 v8, v5  }
0x18f: {  	[tilespmem:s12+$0x50] =	vst v1;
	v1 =	vmul.f32 v3, v5  }
0x190: {  	[tilespmem:s12+$0x60] =	vst v2  }
0x191: {  	s30 =	simm.s32 $0x2B80;
	[tilespmem:s12+$0x70] =	vst v1  }
0x192: {  	[spmem:s2] =	stream.indirect.scatter.add.f32 [tilespmem:s30], [sflag:$0x8], $0x80, s1, s21, $0xb8;
	[tilespmem:$0x1EB70] =	vst v63  }
0x193: {  	_ = 	snop  }
0x194: {  	[spmem:s5] =	stream.indirect.scatter.add.f32 [tilespmem:s26], [sflag:$0x8], $0x1, s1, s21, $0xb8;
	[tilespmem:$0x1EB70] =	vst v63  }
0x195: {  	_ =	swait.ge [sflag:s31], $0x2800  }
0x196: {  	[sflag:s31] =	ssyncset.done $0x0  }
0x197: {  	[sflag:s31] =	ssyncadd.s32 $0xFFFFD800  }
0x198: {  	_ =	swait.ge [sflag:s31], $0x50  }
0x199: {  	[sflag:s31] =	ssyncset.done $0x0  }
0x19a: {  	[sflag:s31] =	ssyncadd.s32 $0xFFFFFFB0  }
0x19b: {  	_ =	swait.ge [sflag:s17], $0x50  }
0x19c: {  	[sflag:s17] =	ssyncset.done $0x0  }
0x19d: {  	[sflag:s17] =	ssyncadd.s32 $0xFFFFFFB0  }
0x19e: {  	v1 =	vld [tilespmem:$0x8000];
	_ =	sdelay $0x1  }
0x19f: {  	v2 =	vld [tilespmem:$0x8010];
	_ =	sdelay $0x1  }
0x1a0: {  	v3 =	vld [tilespmem:$0x8020]  }
0x1a1: {  	v4 =	vshrl.u32 v1, $0x10  }
0x1a2: {  	v1 =	vand.u32 $0xFFFF, v1;
	[tilespmem:$0x80] =	vst v4;
	v4 =	vld [tilespmem:$0x8030]  }
0x1a3: {  	[tilespmem:$0x200] =	vst v1;
	v1 =	vshrl.u32 v2, $0x10  }
0x1a4: {  	[tilespmem:$0x90] =	vst v1;
	v1 =	vand.u32 $0xFFFF, v2;
	v2 =	vld [tilespmem:$0x8040]  }
0x1a5: {  	[tilespmem:$0x210] =	vst v1;
	v1 =	vshrl.u32 v3, $0x10  }
0x1a6: {  	[tilespmem:$0xA0] =	vst v1;
	v1 =	vand.u32 $0xFFFF, v3  }
0x1a7: {  	[tilespmem:$0x220] =	vst v1;
	v1 =	vshrl.u32 v4, $0x10  }
0x1a8: {  	[tilespmem:$0xB0] =	vst v1;
	v1 =	vand.u32 $0xFFFF, v4  }
0x1a9: {  	[tilespmem:$0x230] =	vst v1;
	v1 =	vshrl.u32 v2, $0x10  }
0x1aa: {  	[tilespmem:$0xC0] =	vst v1;
	v1 =	vand.u32 $0xFFFF, v2  }
0x1ab: {  	s29 =	simm.s32 $0x380;
	s23 =	simm.s32 $0x80;
	[tilespmem:$0x240] =	vst v1  }
0x1ac: {  	[tilespmem:s29], [sflag:$0x1] =	stream.indirect.gather [hbm4b:s0+s21], $0x80, s23, s21, $0xb8;
	[tilespmem:$0x1EB70] =	vst v63  }
0x1ad: {  	s12 =	simm.s32 $0x7D00  }
0x1ae: {  	[tilespmem:s12], [sflag:$0x4] =	stream.indirect.gather [spmem:s3], $0x1, s23, s21, $0xb8;
	[tilespmem:$0x1EB70] =	vst v63  }
0x1af: {  	s23 =	rddreg [dreg:$0x12]  }
0x1b0: {  	s22 =	simm.s32 $0x7E80;
	s9 =	sadd.s32 s9, s23  }
0x1b1: {  	[tilespmem:s22], [sflag:$0x4] =	stream.indirect.gather [spmem:s4], $0x1, s25, s21, $0xb8;
	[tilespmem:$0x1EB70] =	vst v63  }
0x1b2: {  	s9 =	sshrl.u32 s9, $0x3  }
0x1b3: {  	s29 =	simm.s32 $0x0;
	s12 =	simm.s32 $0x8080;
	s9 =	sadd.s32 s8, s9  }
0x1b4: {  	[tilespmem:s12], [sflag:$0xB] =	stream.linear.gather [hbm4b:s9+s29], $0x50, $0x38;
	[tilespmem:$0x1EB70] =	vst v63  }
0x1b5: {  	_ =	swait.ge [sflag:s7], $0x50  }
0x1b6: {  	[sflag:s7] =	ssyncset.done $0x0  }
0x1b7: {  	[sflag:s7] =	ssyncadd.s32 $0xFFFFFFB0  }
0x1b8: {  	_ =	swait.ge [sflag:s7], $0x50  }
0x1b9: {  	[sflag:s7] =	ssyncset.done $0x0  }
0x1ba: {  	[sflag:s7] =	ssyncadd.s32 $0xFFFFFFB0  }
0x1bb: {  	v1 =	vld [tilespmem:$0x7E00]  }
0x1bc: {  	v2 =	vld [tilespmem:$0x7F80]  }
0x1bd: {  	v3 =	vld [tilespmem:$0x7E10]  }
0x1be: {  	v4 =	vld [tilespmem:$0x7F90]  }
0x1bf: {  	v5 =	vld [tilespmem:$0x7E20]  }
0x1c0: {  	v6 =	vld [tilespmem:$0x7FA0]  }
0x1c1: {  	v9 =	vld [tilespmem:$0x7E40]  }
0x1c2: {  	v10 =	vld [tilespmem:$0x7FC0]  }
0x1c3: {  	v7 =	vld [tilespmem:$0x7FB0]  }
0x1c4: {  	v1 =	vadd.f32 v2, v1;
	v2 =	vld [tilespmem:$0x7E30];
	_ =	sdelay $0x1  }
0x1c5: {  	v3 =	vadd.f32 v4, v3  }
0x1c6: {  	v5 =	vadd.f32 v6, v5;
	v6 =	vadd.f32 v10, v9;
	v8 =	vmul.f32 $2.000000030e-01, v1  }
0x1c7: {  	vm0 =	vge.f32 v1, $0.0e+00;
	v4 =	vmul.f32 $2.000000030e-01, v3;
	vm12 =	vge.f32 v3, $0.0e+00  }
0x1c8: {  	vm13 =	vge.f32 v5, $0.0e+00;
	vm15 =	vge.f32 v6, $0.0e+00;
	v2 =	vadd.f32 v7, v2  }
0x1c9: {  	v1 =	vsel vm0, v1, v8;
	v3 =	vsel vm12, v3, v4;
	v4 =	vmul.f32 $2.000000030e-01, v5  }
0x1ca: {  	v1 =	vsub.f32 v1, v0;
	v3 =	vsub.f32 v3, v0;
	v7 =	vmul.f32 $2.000000030e-01, v2  }
0x1cb: {  	v4 =	vsel vm13, v5, v4;
	v5 =	vmul.f32 $2.000000030e-01, v6;
	vm14 =	vge.f32 v2, $0.0e+00  }
0x1cc: {  	v1 =	vmul.f32 $1.442695020e+00, v1;
	v4 =	vsub.f32 v4, v0;
	v2 =	vsel vm14, v2, v7  }
0x1cd: {  	v3 =	vmul.f32 $1.442695020e+00, v3;
	v5 =	vsel vm15, v6, v5;
	v2 =	vsub.f32 v2, v0  }
0x1ce: {  	(erf) = vpow2.f32 v1;
	v1 =	vmul.f32 $1.442695020e+00, v4;
	v4 =	vsub.f32 v5, v0  }
0x1cf: {  	(erf) = vpow2.f32 v3;
	v2 =	vmul.f32 $1.442695020e+00, v2  }
0x1d0: {  	(erf) = vpow2.f32 v1;
	v1 =	vmul.f32 $1.442695020e+00, v4  }
0x1d1: {  	(erf) = vpow2.f32 v2  }
0x1d2: {  	(erf) = vpow2.f32 v1;
	_ =	sdelay $0x4  }
0x1d3: {  	v1 =	vpop (erf)  }
0x1d4: {  	v2 =	vpop (erf);
	[tilespmem:$0x7C80] =	vst v1;
	v1 =	vmov s29  }
0x1d5: {  	v3 =	vpop (erf);
	[tilespmem:$0x7C90] =	vst v2;
	v1 =	vand.u32 $0xFFFFFFFE, v1  }
0x1d6: {  	[tilespmem:$0x7CA0] =	vst v3;
	v1 =	vbroadcast v1, $0x0;
	v2 =	vpop (erf)  }
0x1d7: {  	[tilespmem:$0x7CB0] =	vst v2;
	v2 =	vpop (erf)  }
0x1d8: {  	s23 =	simm.s32 $0x3;
	[tilespmem:$0x7CC0] =	vst v2  }
0x1d9: {  	_ =	swait.ge [sflag:s23], $0x2800  }
0x1da: {  	[sflag:s23] =	ssyncset.done $0x0  }
0x1db: {  	[sflag:s23] =	ssyncadd.s32 $0xFFFFD800  }
0x1dc: {  	s9 =	simm.s32 $0x5400;
	v2 =	vld.idx.msk [tilespmem:v1+s18+$0x0], $0xffff  }
0x1dd: {  	v1 =	vld [tilespmem:s9+$0xFFFFFFF0]  }
0x1de: {  	v3 =	vld [tilespmem:s9+$0xFFFFFF80]  }
0x1df: {  	s29 =	simm.s32 $0x1;
	v6 =	vld [tilespmem:s9+$0xFFFFFF90]  }
0x1e0: {  	v7 =	vmov s29;
	v8 =	vld [tilespmem:s9+$0xFFFFFFA0]  }
0x1e1: {  	v11 =	vld [tilespmem:s9+$0xFFFFFFB0]  }
0x1e2: {  	v5 =	vld [tilespmem:s9+$0xFFFFFFC0]  }
0x1e3: {  	v4 =	vld [tilespmem:s9+$0xFFFFFFD0];
	v9 =	vmul.f32 v1, v2  }
0x1e4: {  	v10 =	vmul.f32 v3, v2;
	v3 =	vld [tilespmem:s9+$0xFFFFFFE0]  }
0x1e5: {  	v1 =	vld.idx.msk [tilespmem:v7+s18+$0x0], $0xffff;
	v6 =	vmul.f32 v6, v2;
	[tilespmem:s9+$0xFFFFFFF0] =	vst v9  }
0x1e6: {  	s22 =	simm.s32 $0x2;
	v7 =	vld [tilespmem:s9+$0x0];
	[tilespmem:s9+$0xFFFFFF80] =	vst v10;
	v9 =	vmul.f32 v8, v2  }
0x1e7: {  	s14 =	simm.s32 $0x5400;
	s23 =	simm.s32 $0x4;
	v10 =	vmov s22;
	[tilespmem:s9+$0xFFFFFF90] =	vst v6;
	v8 =	vmul.f32 v11, v2;
	v6 =	vld [tilespmem:s9+$0x10]  }
.LBB2_7:
0x1e8: {  	p1 =	slt.u32 s23, $0x4E;
	v10 =	vand.u32 $0xFFFFFFFE, v10;
	s29 =	sadd.s32 $0x1, s22;
	[tilespmem:s9+$0xFFFFFFA0] =	vst v9;
	v5 =	vmul.f32 v5, v2;
	v9 =	vld [tilespmem:s9+$0x20];
	s22 =	smov.u32 s23  }
0x1e9: {  	v10 =	vbroadcast v10, $0x0;
	v11 =	vmov s29;
	[tilespmem:s9+$0xFFFFFFB0] =	vst v8;
	v4 =	vmul.f32 v4, v2;
	v8 =	vld [tilespmem:s9+$0x30]  }
0x1ea: {  	[tilespmem:s9+$0xFFFFFFC0] =	vst v5;
	v2 =	vmul.f32 v3, v2;
	v3 =	vld [tilespmem:s9+$0x40]  }
0x1eb: {  	[tilespmem:s9+$0xFFFFFFD0] =	vst v4;
	v4 =	vmul.f32 v7, v1;
	v5 =	vld [tilespmem:s9+$0x50]  }
0x1ec: {  	[tilespmem:s9+$0xFFFFFFE0] =	vst v2;
	v2 =	vmul.f32 v6, v1;
	v6 =	vld [tilespmem:s9+$0x60]  }
0x1ed: {  	[tilespmem:s9+$0x0] =	vst v4;
	v4 =	vmul.f32 v9, v1;
	v7 =	vld [tilespmem:s9+$0x70]  }
0x1ee: {  	v9 =	vld.idx.msk [tilespmem:v11+s18+$0x0], $0xffff;
	[tilespmem:s9+$0x10] =	vst v2;
	v8 =	vmul.f32 v8, v1  }
0x1ef: {  	s9 =	sadd.s32 $0x100, s9;
	v2 =	vld.idx.msk [tilespmem:v10+s18+$0x0], $0xffff;
	[tilespmem:s14+$0x20] =	vst v4;
	v3 =	vmul.f32 v3, v1  }
0x1f0: {  	v4 =	vld [tilespmem:s9+$0xFFFFFFF0];
	[tilespmem:s14+$0x30] =	vst v8;
	v5 =	vmul.f32 v5, v1  }
0x1f1: {  	v8 =	vld [tilespmem:s9+$0xFFFFFF80];
	[tilespmem:s14+$0x40] =	vst v3;
	v3 =	vmul.f32 v6, v1  }
0x1f2: {  	v6 =	vld [tilespmem:s9+$0xFFFFFF90];
	[tilespmem:s14+$0x50] =	vst v5;
	v5 =	vmul.f32 v7, v1  }
0x1f3: {  	v7 =	vld [tilespmem:s9+$0xFFFFFFA0];
	[tilespmem:s14+$0x60] =	vst v3  }
0x1f4: {  	v1 =	vmov v9;
	v11 =	vld [tilespmem:s9+$0xFFFFFFB0];
	[tilespmem:s14+$0x70] =	vst v5;
	s14 =	smov.u32 s9  }
.Ltmp2:
0x1f5: {  	v5 =	vld [tilespmem:s9+$0xFFFFFFC0];
	v9 =	vmul.f32 v4, v2;
	(pc) =	sbr.rel @p1 .LBB2_7-.Ltmp2, $4  }
0x1f6: {  	v8 =	vmul.f32 v8, v2;
	v4 =	vld [tilespmem:s9+$0xFFFFFFD0]  }
0x1f7: {  	v6 =	vmul.f32 v6, v2;
	v3 =	vld [tilespmem:s9+$0xFFFFFFE0];
	[tilespmem:s9+$0xFFFFFFF0] =	vst v9  }
0x1f8: {  	[tilespmem:s9+$0xFFFFFF80] =	vst v8;
	v9 =	vmul.f32 v7, v2;
	v7 =	vld [tilespmem:s9+$0x0]  }
0x1f9: {  	s23 =	sadd.s32 $0x2, s23;
	v10 =	vmov s22;
	[tilespmem:s9+$0xFFFFFF90] =	vst v6;
	v8 =	vmul.f32 v11, v2;
	v6 =	vld [tilespmem:s9+$0x10]  }
0x1fa: {  	v11 =	vld [tilespmem:s9+$0x20]  }
0x1fb: {  	v10 =	vand.u32 $0xFFFFFFFE, v10;
	v12 =	vld [tilespmem:s9+$0x30]  }
0x1fc: {  	v14 =	vld [tilespmem:s9+$0x40];
	[tilespmem:s9+$0xFFFFFFA0] =	vst v9;
	v5 =	vmul.f32 v5, v2;
	v10 =	vbroadcast v10, $0x0  }
0x1fd: {  	v44 =	vld [tilespmem:s9+$0x50];
	[tilespmem:s9+$0xFFFFFFB0] =	vst v8;
	v4 =	vmul.f32 v4, v2  }
0x1fe: {  	v45 =	vld [tilespmem:s9+$0x60];
	s12 =	sadd.s32 $0x100, s9;
	[tilespmem:s9+$0xFFFFFFC0] =	vst v5;
	v2 =	vmul.f32 v3, v2  }
0x1ff: {  	v50 =	vld [tilespmem:s12+$0xFFFFFFF0];
	v7 =	vmul.f32 v7, v1;
	[tilespmem:s9+$0xFFFFFFD0] =	vst v4  }
0x200: {  	v51 =	vld [tilespmem:s12+$0xFFFFFF80];
	v46 =	vmul.f32 v6, v1;
	[tilespmem:s9+$0xFFFFFFE0] =	vst v2  }
0x201: {  	v3 =	vld [tilespmem:s9+$0x70];
	[tilespmem:s9+$0x0] =	vst v7;
	v2 =	vmul.f32 v11, v1  }
0x202: {  	v49 =	vmul.f32 v12, v1;
	[tilespmem:s9+$0x10] =	vst v46;
	v48 =	vld.idx.msk [tilespmem:v10+s18+$0x0], $0xffff  }
0x203: {  	v53 =	vld [tilespmem:s12+$0xFFFFFF90];
	[tilespmem:s14+$0x20] =	vst v2;
	v2 =	vmul.f32 v14, v1  }
0x204: {  	s22 =	sadd.s32 $0x1, s22;
	v54 =	vld [tilespmem:s12+$0xFFFFFFA0];
	v52 =	vmul.f32 v44, v1;
	[tilespmem:s14+$0x30] =	vst v49  }
0x205: {  	v13 =	vmov s22;
	v56 =	vld [tilespmem:s12+$0xFFFFFFD0];
	[tilespmem:s14+$0x40] =	vst v2;
	v2 =	vmul.f32 v45, v1  }
0x206: {  	[tilespmem:s14+$0x50] =	vst v52;
	v1 =	vmul.f32 v3, v1;
	v3 =	vld [tilespmem:s12+$0xFFFFFFB0]  }
0x207: {  	[tilespmem:s14+$0x60] =	vst v2;
	v2 =	vld [tilespmem:s12+$0xFFFFFFC0];
	v55 =	vmul.f32 v50, v48  }
0x208: {  	v57 =	vld [tilespmem:s12+$0xFFFFFFE0];
	[tilespmem:s14+$0x70] =	vst v1;
	v1 =	vmul.f32 v51, v48  }
0x209: {  	v58 =	vld [tilespmem:s12+$0x0];
	v9 =	vmul.f32 v53, v48;
	[tilespmem:s12+$0xFFFFFFF0] =	vst v55  }
0x20a: {  	v47 =	vld.idx.msk [tilespmem:v13+s18+$0x0], $0xffff;
	[tilespmem:s12+$0xFFFFFF80] =	vst v1;
	v1 =	vmul.f32 v54, v48  }
0x20b: {  	v59 =	vld [tilespmem:s12+$0x10];
	[tilespmem:s12+$0xFFFFFF90] =	vst v9;
	v3 =	vmul.f32 v3, v48  }
0x20c: {  	[tilespmem:s12+$0xFFFFFFA0] =	vst v1;
	v1 =	vmul.f32 v2, v48;
	v2 =	vld [tilespmem:s12+$0x20]  }
0x20d: {  	v60 =	vld [tilespmem:s12+$0x30];
	[tilespmem:s12+$0xFFFFFFB0] =	vst v3;
	v3 =	vmul.f32 v56, v48  }
0x20e: {  	v61 =	vld [tilespmem:s12+$0x40];
	[tilespmem:s12+$0xFFFFFFC0] =	vst v1;
	v1 =	vmul.f32 v57, v48  }
0x20f: {  	v62 =	vld [tilespmem:s12+$0x50];
	[tilespmem:s12+$0xFFFFFFD0] =	vst v3;
	v3 =	vmul.f32 v58, v47  }
0x210: {  	v63 =	vld [tilespmem:s12+$0x60];
	[tilespmem:s12+$0xFFFFFFE0] =	vst v1;
	v1 =	vmul.f32 v59, v47  }
0x211: {  	[tilespmem:s12+$0x0] =	vst v3;
	v3 =	vld [tilespmem:s12+$0x70];
	v2 =	vmul.f32 v2, v47  }
0x212: {  	[tilespmem:s12+$0x10] =	vst v1;
	v1 =	vmul.f32 v60, v47  }
0x213: {  	[tilespmem:s12+$0x20] =	vst v2;
	v2 =	vmul.f32 v61, v47  }
0x214: {  	[tilespmem:s12+$0x30] =	vst v1;
	v1 =	vmul.f32 v62, v47  }
0x215: {  	[tilespmem:s12+$0x40] =	vst v2;
	v2 =	vmul.f32 v63, v47  }
0x216: {  	[tilespmem:s12+$0x50] =	vst v1;
	v1 =	vmul.f32 v3, v47  }
0x217: {  	[tilespmem:s12+$0x60] =	vst v2  }
0x218: {  	s23 =	simm.s32 $0x5380;
	s29 =	simm.s32 $0x300;
	[tilespmem:s12+$0x70] =	vst v1  }
0x219: {  	[spmem:s2] =	stream.indirect.scatter.add.f32 [tilespmem:s23], [sflag:$0x9], $0x80, s29, s21, $0xb8;
	[tilespmem:$0x1EB70] =	vst v63  }
0x21a: {  	s20 =	sadd.s32 $0x1, s20  }
0x21b: {  	[spmem:s5] =	stream.indirect.scatter.add.f32 [tilespmem:s18], [sflag:$0x9], $0x1, s29, s21, $0xb8;
	[tilespmem:$0x1EB70] =	vst v63  }
0x21c: {  	p1 =	sne.s32 s20, $0x29;
	_ =	swait.ge [sflag:s19], $0x2800  }
.Ltmp3:
0x21d: {  	[sflag:s19] =	ssyncset.done $0x0;
	(pc) =	sbr.rel @p1 .LBB2_2-.Ltmp3, $4  }
0x21e: {  	[sflag:s19] =	ssyncadd.s32 $0xFFFFD800  }
0x21f: {  	_ =	swait.ge [sflag:s19], $0x50  }
0x220: {  	[sflag:s19] =	ssyncset.done $0x0  }
0x221: {  	s12 =	simm.s32 $0x300;
	[sflag:s19] =	ssyncadd.s32 $0xFFFFFFB0  }
0x222: {  	_ =	swait.ge [sflag:s28], $0x50  }
0x223: {  	[sflag:s28] =	ssyncset.done $0x0  }
0x224: {  	[sflag:s28] =	ssyncadd.s32 $0xFFFFFFB0  }
0x225: {  	v1 =	vld [tilespmem:$0x8080];
	_ =	sdelay $0x1  }
0x226: {  	v2 =	vld [tilespmem:$0x8090];
	_ =	sdelay $0x1  }
0x227: {  	v3 =	vld [tilespmem:$0x80A0]  }
0x228: {  	v4 =	vshrl.u32 v1, $0x10  }
0x229: {  	v1 =	vand.u32 $0xFFFF, v1;
	[tilespmem:$0x100] =	vst v4;
	v4 =	vld [tilespmem:$0x80B0]  }
0x22a: {  	[tilespmem:$0x280] =	vst v1;
	v1 =	vshrl.u32 v2, $0x10  }
0x22b: {  	[tilespmem:$0x110] =	vst v1;
	v1 =	vand.u32 $0xFFFF, v2;
	v2 =	vld [tilespmem:$0x80C0]  }
0x22c: {  	[tilespmem:$0x290] =	vst v1;
	v1 =	vshrl.u32 v3, $0x10  }
0x22d: {  	[tilespmem:$0x120] =	vst v1;
	v1 =	vand.u32 $0xFFFF, v3  }
0x22e: {  	[tilespmem:$0x2A0] =	vst v1;
	v1 =	vshrl.u32 v4, $0x10  }
0x22f: {  	[tilespmem:$0x130] =	vst v1;
	v1 =	vand.u32 $0xFFFF, v4  }
0x230: {  	[tilespmem:$0x2B0] =	vst v1;
	v1 =	vshrl.u32 v2, $0x10  }
0x231: {  	[tilespmem:$0x140] =	vst v1;
	v1 =	vand.u32 $0xFFFF, v2  }
0x232: {  	s9 =	simm.s32 $0x100;
	[tilespmem:$0x2C0] =	vst v1  }
0x233: {  	[tilespmem:s30], [sflag:$0x2] =	stream.indirect.gather [hbm4b:s0+s21], $0x80, s9, s21, $0xb8;
	[tilespmem:$0x1EB70] =	vst v63  }
0x234: {  	s13 =	simm.s32 $0x7D80  }
0x235: {  	[tilespmem:s13], [sflag:$0x5] =	stream.indirect.gather [spmem:s3], $0x1, s9, s21, $0xb8;
	[tilespmem:$0x1EB70] =	vst v63  }
0x236: {  	s23 =	simm.s32 $0x7F00  }
0x237: {  	[tilespmem:s23], [sflag:$0x5] =	stream.indirect.gather [spmem:s4], $0x1, s1, s21, $0xb8;
	[tilespmem:$0x1EB70] =	vst v63  }
0x238: {  	_ =	swait.ge [sflag:s16], $0x50  }
0x239: {  	[sflag:s16] =	ssyncset.done $0x0  }
0x23a: {  	[sflag:s16] =	ssyncadd.s32 $0xFFFFFFB0  }
0x23b: {  	_ =	swait.ge [sflag:s16], $0x50  }
0x23c: {  	[sflag:s16] =	ssyncset.done $0x0  }
0x23d: {  	[sflag:s16] =	ssyncadd.s32 $0xFFFFFFB0  }
0x23e: {  	v1 =	vld [tilespmem:$0x7D00]  }
0x23f: {  	v2 =	vld [tilespmem:$0x7E80]  }
0x240: {  	v3 =	vld [tilespmem:$0x7D10]  }
0x241: {  	v4 =	vld [tilespmem:$0x7E90]  }
0x242: {  	v5 =	vld [tilespmem:$0x7D20]  }
0x243: {  	v6 =	vld [tilespmem:$0x7EA0]  }
0x244: {  	v9 =	vld [tilespmem:$0x7D40]  }
0x245: {  	v10 =	vld [tilespmem:$0x7EC0]  }
0x246: {  	v7 =	vld [tilespmem:$0x7EB0]  }
0x247: {  	v1 =	vadd.f32 v2, v1;
	v2 =	vld [tilespmem:$0x7D30];
	_ =	sdelay $0x1  }
0x248: {  	v3 =	vadd.f32 v4, v3  }
0x249: {  	v5 =	vadd.f32 v6, v5;
	v6 =	vadd.f32 v10, v9;
	v8 =	vmul.f32 $2.000000030e-01, v1  }
0x24a: {  	vm0 =	vge.f32 v1, $0.0e+00;
	v4 =	vmul.f32 $2.000000030e-01, v3;
	vm12 =	vge.f32 v3, $0.0e+00  }
0x24b: {  	vm13 =	vge.f32 v5, $0.0e+00;
	vm15 =	vge.f32 v6, $0.0e+00;
	v2 =	vadd.f32 v7, v2  }
0x24c: {  	v1 =	vsel vm0, v1, v8;
	v3 =	vsel vm12, v3, v4;
	v4 =	vmul.f32 $2.000000030e-01, v5  }
0x24d: {  	v1 =	vsub.f32 v1, v0;
	v3 =	vsub.f32 v3, v0;
	v7 =	vmul.f32 $2.000000030e-01, v2  }
0x24e: {  	v4 =	vsel vm13, v5, v4;
	v5 =	vmul.f32 $2.000000030e-01, v6;
	vm14 =	vge.f32 v2, $0.0e+00  }
0x24f: {  	v1 =	vmul.f32 $1.442695020e+00, v1;
	v4 =	vsub.f32 v4, v0;
	v2 =	vsel vm14, v2, v7  }
0x250: {  	v3 =	vmul.f32 $1.442695020e+00, v3;
	v5 =	vsel vm15, v6, v5;
	v2 =	vsub.f32 v2, v0  }
0x251: {  	(erf) = vpow2.f32 v1;
	v1 =	vmul.f32 $1.442695020e+00, v4;
	v4 =	vsub.f32 v5, v0  }
0x252: {  	(erf) = vpow2.f32 v3;
	v2 =	vmul.f32 $1.442695020e+00, v2  }
0x253: {  	(erf) = vpow2.f32 v1;
	v1 =	vmul.f32 $1.442695020e+00, v4  }
0x254: {  	(erf) = vpow2.f32 v2  }
0x255: {  	(erf) = vpow2.f32 v1;
	_ =	sdelay $0x4  }
0x256: {  	s29 =	simm.s32 $0x0;
	v1 =	vpop (erf)  }
0x257: {  	v2 =	vpop (erf);
	[tilespmem:$0x7B80] =	vst v1;
	v1 =	vmov s29  }
0x258: {  	v3 =	vpop (erf);
	[tilespmem:$0x7B90] =	vst v2;
	v1 =	vand.u32 $0xFFFFFFFE, v1  }
0x259: {  	[tilespmem:$0x7BA0] =	vst v3;
	v1 =	vbroadcast v1, $0x0;
	v2 =	vpop (erf)  }
0x25a: {  	[tilespmem:$0x7BB0] =	vst v2;
	v2 =	vpop (erf)  }
0x25b: {  	[tilespmem:$0x7BC0] =	vst v2  }
0x25c: {  	_ =	swait.ge [sflag:s15], $0x2800  }
0x25d: {  	[sflag:s15] =	ssyncset.done $0x0  }
0x25e: {  	[sflag:s15] =	ssyncadd.s32 $0xFFFFD800  }
0x25f: {  	s9 =	simm.s32 $0x400;
	v2 =	vld.idx.msk [tilespmem:v1+s6+$0x0], $0xffff  }
0x260: {  	v1 =	vld [tilespmem:s9+$0xFFFFFFF0]  }
0x261: {  	v3 =	vld [tilespmem:s9+$0xFFFFFF80]  }
0x262: {  	s14 =	simm.s32 $0x1;
	v6 =	vld [tilespmem:s9+$0xFFFFFF90]  }
0x263: {  	v7 =	vmov s14;
	v8 =	vld [tilespmem:s9+$0xFFFFFFA0]  }
0x264: {  	v11 =	vld [tilespmem:s9+$0xFFFFFFB0]  }
0x265: {  	v5 =	vld [tilespmem:s9+$0xFFFFFFC0]  }
0x266: {  	v4 =	vld [tilespmem:s9+$0xFFFFFFD0];
	v9 =	vmul.f32 v1, v2  }
0x267: {  	v10 =	vmul.f32 v3, v2;
	v3 =	vld [tilespmem:s9+$0xFFFFFFE0]  }
0x268: {  	v1 =	vld.idx.msk [tilespmem:v7+s6+$0x0], $0xffff;
	v6 =	vmul.f32 v6, v2;
	[tilespmem:s9+$0xFFFFFFF0] =	vst v9  }
0x269: {  	s20 =	simm.s32 $0x2;
	v7 =	vld [tilespmem:s9+$0x0];
	[tilespmem:s9+$0xFFFFFF80] =	vst v10;
	v9 =	vmul.f32 v8, v2  }
0x26a: {  	s22 =	simm.s32 $0x4;
	s14 =	simm.s32 $0x400;
	v10 =	vmov s20;
	[tilespmem:s9+$0xFFFFFF90] =	vst v6;
	v8 =	vmul.f32 v11, v2;
	v6 =	vld [tilespmem:s9+$0x10]  }
.LBB2_10:
0x26b: {  	p1 =	slt.u32 s22, $0x4E;
	v10 =	vand.u32 $0xFFFFFFFE, v10;
	s23 =	sadd.s32 $0x1, s20;
	[tilespmem:s9+$0xFFFFFFA0] =	vst v9;
	v5 =	vmul.f32 v5, v2;
	v9 =	vld [tilespmem:s9+$0x20];
	s20 =	smov.u32 s22  }
0x26c: {  	v10 =	vbroadcast v10, $0x0;
	v11 =	vmov s23;
	[tilespmem:s9+$0xFFFFFFB0] =	vst v8;
	v4 =	vmul.f32 v4, v2;
	v8 =	vld [tilespmem:s9+$0x30]  }
0x26d: {  	[tilespmem:s9+$0xFFFFFFC0] =	vst v5;
	v2 =	vmul.f32 v3, v2;
	v3 =	vld [tilespmem:s9+$0x40]  }
0x26e: {  	[tilespmem:s9+$0xFFFFFFD0] =	vst v4;
	v4 =	vmul.f32 v7, v1;
	v5 =	vld [tilespmem:s9+$0x50]  }
0x26f: {  	[tilespmem:s9+$0xFFFFFFE0] =	vst v2;
	v2 =	vmul.f32 v6, v1;
	v6 =	vld [tilespmem:s9+$0x60]  }
0x270: {  	[tilespmem:s9+$0x0] =	vst v4;
	v4 =	vmul.f32 v9, v1;
	v7 =	vld [tilespmem:s9+$0x70]  }
0x271: {  	v9 =	vld.idx.msk [tilespmem:v11+s6+$0x0], $0xffff;
	[tilespmem:s9+$0x10] =	vst v2;
	v8 =	vmul.f32 v8, v1  }
0x272: {  	s9 =	sadd.s32 $0x100, s9;
	v2 =	vld.idx.msk [tilespmem:v10+s6+$0x0], $0xffff;
	[tilespmem:s14+$0x20] =	vst v4;
	v3 =	vmul.f32 v3, v1  }
0x273: {  	v4 =	vld [tilespmem:s9+$0xFFFFFFF0];
	[tilespmem:s14+$0x30] =	vst v8;
	v5 =	vmul.f32 v5, v1  }
0x274: {  	v8 =	vld [tilespmem:s9+$0xFFFFFF80];
	[tilespmem:s14+$0x40] =	vst v3;
	v3 =	vmul.f32 v6, v1  }
0x275: {  	v6 =	vld [tilespmem:s9+$0xFFFFFF90];
	[tilespmem:s14+$0x50] =	vst v5;
	v5 =	vmul.f32 v7, v1  }
0x276: {  	v7 =	vld [tilespmem:s9+$0xFFFFFFA0];
	[tilespmem:s14+$0x60] =	vst v3  }
0x277: {  	v1 =	vmov v9;
	v11 =	vld [tilespmem:s9+$0xFFFFFFB0];
	[tilespmem:s14+$0x70] =	vst v5;
	s14 =	smov.u32 s9  }
.Ltmp4:
0x278: {  	v5 =	vld [tilespmem:s9+$0xFFFFFFC0];
	v9 =	vmul.f32 v4, v2;
	(pc) =	sbr.rel @p1 .LBB2_10-.Ltmp4, $4  }
0x279: {  	v8 =	vmul.f32 v8, v2;
	v4 =	vld [tilespmem:s9+$0xFFFFFFD0]  }
0x27a: {  	v6 =	vmul.f32 v6, v2;
	v3 =	vld [tilespmem:s9+$0xFFFFFFE0];
	[tilespmem:s9+$0xFFFFFFF0] =	vst v9  }
0x27b: {  	[tilespmem:s9+$0xFFFFFF80] =	vst v8;
	v9 =	vmul.f32 v7, v2;
	v7 =	vld [tilespmem:s9+$0x0]  }
0x27c: {  	s22 =	sadd.s32 $0x2, s22;
	v10 =	vmov s20;
	[tilespmem:s9+$0xFFFFFF90] =	vst v6;
	v8 =	vmul.f32 v11, v2;
	v6 =	vld [tilespmem:s9+$0x10]  }
0x27d: {  	v11 =	vld [tilespmem:s9+$0x20]  }
0x27e: {  	v10 =	vand.u32 $0xFFFFFFFE, v10;
	s20 =	sadd.s32 $0x1, s20;
	v12 =	vld [tilespmem:s9+$0x30]  }
0x27f: {  	v14 =	vld [tilespmem:s9+$0x40];
	[tilespmem:s9+$0xFFFFFFA0] =	vst v9;
	v5 =	vmul.f32 v5, v2;
	v10 =	vbroadcast v10, $0x0;
	v13 =	vmov s20  }
0x280: {  	v9 =	vld [tilespmem:s9+$0x50];
	[tilespmem:s9+$0xFFFFFFB0] =	vst v8;
	v4 =	vmul.f32 v4, v2  }
0x281: {  	v8 =	vld [tilespmem:s9+$0x60];
	[tilespmem:s9+$0xFFFFFFC0] =	vst v5;
	v7 =	vmul.f32 v7, v1  }
0x282: {  	s17 =	sadd.s32 $0x100, s9;
	v2 =	vmul.f32 v3, v2;
	v3 =	vld [tilespmem:s9+$0x70];
	[tilespmem:s9+$0xFFFFFFD0] =	vst v4  }
0x283: {  	v4 =	vmul.f32 v6, v1;
	[tilespmem:s9+$0x0] =	vst v7;
	v7 =	vld [tilespmem:s17+$0xFFFFFFF0]  }
0x284: {  	[tilespmem:s9+$0xFFFFFFE0] =	vst v2;
	v2 =	vmul.f32 v11, v1;
	v5 =	vld.idx.msk [tilespmem:v13+s6+$0x0], $0xffff  }
0x285: {  	[tilespmem:s9+$0x10] =	vst v4;
	v4 =	vmul.f32 v12, v1;
	v6 =	vld.idx.msk [tilespmem:v10+s6+$0x0], $0xffff  }
0x286: {  	[tilespmem:s14+$0x20] =	vst v2;
	v2 =	vmul.f32 v14, v1;
	v10 =	vld [tilespmem:s17+$0xFFFFFF80]  }
0x287: {  	[tilespmem:s14+$0x30] =	vst v4;
	v4 =	vmul.f32 v9, v1;
	v9 =	vld [tilespmem:s17+$0xFFFFFF90]  }
0x288: {  	[tilespmem:s14+$0x40] =	vst v2;
	v2 =	vmul.f32 v8, v1;
	v8 =	vld [tilespmem:s17+$0xFFFFFFA0]  }
0x289: {  	v1 =	vmul.f32 v3, v1;
	v3 =	vld [tilespmem:s17+$0xFFFFFFB0];
	[tilespmem:s14+$0x50] =	vst v4  }
0x28a: {  	[tilespmem:s14+$0x60] =	vst v2;
	v2 =	vld [tilespmem:s17+$0xFFFFFFC0];
	v4 =	vmul.f32 v7, v6  }
0x28b: {  	[tilespmem:s14+$0x70] =	vst v1;
	v1 =	vmul.f32 v10, v6;
	v7 =	vld [tilespmem:s17+$0xFFFFFFD0]  }
0x28c: {  	v10 =	vld [tilespmem:s17+$0xFFFFFFE0];
	v9 =	vmul.f32 v9, v6;
	[tilespmem:s17+$0xFFFFFFF0] =	vst v4  }
0x28d: {  	[tilespmem:s17+$0xFFFFFF80] =	vst v1;
	v1 =	vmul.f32 v8, v6;
	v4 =	vld [tilespmem:s17+$0x0]  }
0x28e: {  	v3 =	vmul.f32 v3, v6;
	v8 =	vld [tilespmem:s17+$0x10];
	[tilespmem:s17+$0xFFFFFF90] =	vst v9  }
0x28f: {  	[tilespmem:s17+$0xFFFFFFA0] =	vst v1;
	v1 =	vmul.f32 v2, v6;
	v2 =	vld [tilespmem:s17+$0x20]  }
0x290: {  	[tilespmem:s17+$0xFFFFFFB0] =	vst v3;
	v3 =	vmul.f32 v7, v6;
	v7 =	vld [tilespmem:s17+$0x30]  }
0x291: {  	[tilespmem:s17+$0xFFFFFFC0] =	vst v1;
	v1 =	vmul.f32 v10, v6;
	v6 =	vld [tilespmem:s17+$0x40]  }
0x292: {  	[tilespmem:s17+$0xFFFFFFD0] =	vst v3;
	v3 =	vmul.f32 v4, v5;
	v4 =	vld [tilespmem:s17+$0x50]  }
0x293: {  	[tilespmem:s17+$0xFFFFFFE0] =	vst v1;
	v1 =	vmul.f32 v8, v5;
	v8 =	vld [tilespmem:s17+$0x60]  }
0x294: {  	[tilespmem:s17+$0x0] =	vst v3;
	v2 =	vmul.f32 v2, v5;
	v3 =	vld [tilespmem:s17+$0x70]  }
0x295: {  	[tilespmem:s17+$0x10] =	vst v1;
	v1 =	vmul.f32 v7, v5  }
0x296: {  	[tilespmem:s17+$0x20] =	vst v2;
	v2 =	vmul.f32 v6, v5  }
0x297: {  	[tilespmem:s17+$0x30] =	vst v1;
	v1 =	vmul.f32 v4, v5  }
0x298: {  	[tilespmem:s17+$0x40] =	vst v2;
	v2 =	vmul.f32 v8, v5  }
0x299: {  	[tilespmem:s17+$0x50] =	vst v1;
	v1 =	vmul.f32 v3, v5  }
0x29a: {  	[tilespmem:s17+$0x60] =	vst v2  }
0x29b: {  	s20 =	simm.s32 $0x380;
	[tilespmem:s17+$0x70] =	vst v1  }
0x29c: {  	[spmem:s2] =	stream.indirect.scatter.add.f32 [tilespmem:s20], [sflag:$0x7], $0x80, s25, s21, $0xb8;
	[tilespmem:$0x1EB70] =	vst v63  }
0x29d: {  	s22 =	simm.s32 $0x9  }
0x29e: {  	[spmem:s5] =	stream.indirect.scatter.add.f32 [tilespmem:s6], [sflag:$0x7], $0x1, s25, s21, $0xb8;
	[tilespmem:$0x1EB70] =	vst v63  }
0x29f: {  	_ =	swait.ge [sflag:s22], $0x2800  }
0x2a0: {  	[sflag:s22] =	ssyncset.done $0x0  }
0x2a1: {  	[sflag:s22] =	ssyncadd.s32 $0xFFFFD800  }
0x2a2: {  	_ =	swait.ge [sflag:s22], $0x50  }
0x2a3: {  	[sflag:s22] =	ssyncset.done $0x0  }
0x2a4: {  	[sflag:s22] =	ssyncadd.s32 $0xFFFFFFB0  }
0x2a5: {  	_ =	swait.ge [sflag:s11], $0x50  }
0x2a6: {  	[sflag:s11] =	ssyncset.done $0x0  }
0x2a7: {  	[sflag:s11] =	ssyncadd.s32 $0xFFFFFFB0  }
0x2a8: {  	_ =	swait.ge [sflag:s11], $0x50  }
0x2a9: {  	[sflag:s11] =	ssyncset.done $0x0  }
0x2aa: {  	[sflag:s11] =	ssyncadd.s32 $0xFFFFFFB0  }
0x2ab: {  	v1 =	vld [tilespmem:$0x7D80]  }
0x2ac: {  	v2 =	vld [tilespmem:$0x7F00]  }
0x2ad: {  	v3 =	vld [tilespmem:$0x7D90]  }
0x2ae: {  	v4 =	vld [tilespmem:$0x7F10]  }
0x2af: {  	v5 =	vld [tilespmem:$0x7DA0]  }
0x2b0: {  	v6 =	vld [tilespmem:$0x7F20]  }
0x2b1: {  	v9 =	vld [tilespmem:$0x7DC0]  }
0x2b2: {  	v10 =	vld [tilespmem:$0x7F40]  }
0x2b3: {  	v7 =	vld [tilespmem:$0x7F30]  }
0x2b4: {  	v1 =	vadd.f32 v2, v1;
	v2 =	vld [tilespmem:$0x7DB0];
	_ =	sdelay $0x1  }
0x2b5: {  	v3 =	vadd.f32 v4, v3  }
0x2b6: {  	v5 =	vadd.f32 v6, v5;
	v6 =	vadd.f32 v10, v9;
	v8 =	vmul.f32 $2.000000030e-01, v1  }
0x2b7: {  	vm0 =	vge.f32 v1, $0.0e+00;
	v4 =	vmul.f32 $2.000000030e-01, v3;
	vm12 =	vge.f32 v3, $0.0e+00  }
0x2b8: {  	vm13 =	vge.f32 v5, $0.0e+00;
	vm15 =	vge.f32 v6, $0.0e+00;
	v2 =	vadd.f32 v7, v2  }
0x2b9: {  	v1 =	vsel vm0, v1, v8;
	v3 =	vsel vm12, v3, v4;
	v4 =	vmul.f32 $2.000000030e-01, v5  }
0x2ba: {  	v1 =	vsub.f32 v1, v0;
	v3 =	vsub.f32 v3, v0;
	v7 =	vmul.f32 $2.000000030e-01, v2  }
0x2bb: {  	v4 =	vsel vm13, v5, v4;
	v5 =	vmul.f32 $2.000000030e-01, v6;
	vm14 =	vge.f32 v2, $0.0e+00  }
0x2bc: {  	v1 =	vmul.f32 $1.442695020e+00, v1;
	v4 =	vsub.f32 v4, v0;
	v2 =	vsel vm14, v2, v7  }
0x2bd: {  	v3 =	vmul.f32 $1.442695020e+00, v3;
	v5 =	vsel vm15, v6, v5;
	v2 =	vsub.f32 v2, v0  }
0x2be: {  	(erf) = vpow2.f32 v1;
	v1 =	vmul.f32 $1.442695020e+00, v4;
	v0 =	vsub.f32 v5, v0  }
0x2bf: {  	(erf) = vpow2.f32 v3;
	v2 =	vmul.f32 $1.442695020e+00, v2  }
0x2c0: {  	(erf) = vpow2.f32 v1;
	v0 =	vmul.f32 $1.442695020e+00, v0  }
0x2c1: {  	(erf) = vpow2.f32 v2  }
0x2c2: {  	(erf) = vpow2.f32 v0;
	_ =	sdelay $0x4  }
0x2c3: {  	s23 =	simm.s32 $0x0;
	v0 =	vpop (erf)  }
0x2c4: {  	v1 =	vpop (erf);
	[tilespmem:$0x7C00] =	vst v0;
	v0 =	vmov s23  }
0x2c5: {  	v2 =	vpop (erf);
	[tilespmem:$0x7C10] =	vst v1;
	v0 =	vand.u32 $0xFFFFFFFE, v0  }
0x2c6: {  	[tilespmem:$0x7C20] =	vst v2;
	v0 =	vbroadcast v0, $0x0;
	v1 =	vpop (erf)  }
0x2c7: {  	[tilespmem:$0x7C30] =	vst v1;
	v1 =	vpop (erf)  }
0x2c8: {  	[tilespmem:$0x7C40] =	vst v1  }
0x2c9: {  	_ =	swait.ge [sflag:s24], $0x2800  }
0x2ca: {  	[sflag:s24] =	ssyncset.done $0x0  }
0x2cb: {  	[sflag:s24] =	ssyncadd.s32 $0xFFFFD800  }
0x2cc: {  	s9 =	simm.s32 $0x2C00;
	v1 =	vld.idx.msk [tilespmem:v0+s26+$0x0], $0xffff  }
0x2cd: {  	v0 =	vld [tilespmem:s9+$0xFFFFFFF0]  }
0x2ce: {  	v2 =	vld [tilespmem:s9+$0xFFFFFF80]  }
0x2cf: {  	s29 =	simm.s32 $0x1;
	v5 =	vld [tilespmem:s9+$0xFFFFFF90]  }
0x2d0: {  	v6 =	vmov s29;
	v7 =	vld [tilespmem:s9+$0xFFFFFFA0]  }
0x2d1: {  	v10 =	vld [tilespmem:s9+$0xFFFFFFB0]  }
0x2d2: {  	v4 =	vld [tilespmem:s9+$0xFFFFFFC0];
	v8 =	vmul.f32 v0, v1  }
0x2d3: {  	v3 =	vld [tilespmem:s9+$0xFFFFFFD0];
	v9 =	vmul.f32 v2, v1  }
0x2d4: {  	v2 =	vld [tilespmem:s9+$0xFFFFFFE0];
	v5 =	vmul.f32 v5, v1;
	[tilespmem:s9+$0xFFFFFFF0] =	vst v8  }
0x2d5: {  	v0 =	vld.idx.msk [tilespmem:v6+s26+$0x0], $0xffff;
	[tilespmem:s9+$0xFFFFFF80] =	vst v9  }
0x2d6: {  	s20 =	simm.s32 $0x2;
	v6 =	vld [tilespmem:s9+$0x0];
	v8 =	vmul.f32 v7, v1;
	[tilespmem:s9+$0xFFFFFF90] =	vst v5  }
0x2d7: {  	s14 =	simm.s32 $0x2C00;
	s22 =	simm.s32 $0x4;
	v9 =	vmov s20;
	v7 =	vmul.f32 v10, v1;
	v5 =	vld [tilespmem:s9+$0x10];
	s17 =	rddreg [dreg:$0xd]  }
.LBB2_12:
0x2d8: {  	p1 =	slt.u32 s22, $0x4E;
	v9 =	vand.u32 $0xFFFFFFFE, v9;
	s23 =	sadd.s32 $0x1, s20;
	[tilespmem:s9+$0xFFFFFFA0] =	vst v8;
	v4 =	vmul.f32 v4, v1;
	v8 =	vld [tilespmem:s9+$0x20];
	s20 =	smov.u32 s22  }
0x2d9: {  	v9 =	vbroadcast v9, $0x0;
	v10 =	vmov s23;
	[tilespmem:s9+$0xFFFFFFB0] =	vst v7;
	v3 =	vmul.f32 v3, v1;
	v7 =	vld [tilespmem:s9+$0x30]  }
0x2da: {  	[tilespmem:s9+$0xFFFFFFC0] =	vst v4;
	v1 =	vmul.f32 v2, v1;
	v2 =	vld [tilespmem:s9+$0x40]  }
0x2db: {  	[tilespmem:s9+$0xFFFFFFD0] =	vst v3;
	v3 =	vmul.f32 v6, v0;
	v4 =	vld [tilespmem:s9+$0x50]  }
0x2dc: {  	[tilespmem:s9+$0xFFFFFFE0] =	vst v1;
	v1 =	vmul.f32 v5, v0;
	v5 =	vld [tilespmem:s9+$0x60]  }
0x2dd: {  	[tilespmem:s9+$0x0] =	vst v3;
	v3 =	vmul.f32 v8, v0;
	v6 =	vld [tilespmem:s9+$0x70]  }
0x2de: {  	v8 =	vld.idx.msk [tilespmem:v10+s26+$0x0], $0xffff;
	[tilespmem:s9+$0x10] =	vst v1;
	v7 =	vmul.f32 v7, v0  }
0x2df: {  	s9 =	sadd.s32 $0x100, s9;
	v1 =	vld.idx.msk [tilespmem:v9+s26+$0x0], $0xffff;
	[tilespmem:s14+$0x20] =	vst v3;
	v2 =	vmul.f32 v2, v0  }
0x2e0: {  	v3 =	vld [tilespmem:s9+$0xFFFFFFF0];
	[tilespmem:s14+$0x30] =	vst v7;
	v4 =	vmul.f32 v4, v0  }
0x2e1: {  	v7 =	vld [tilespmem:s9+$0xFFFFFF80];
	[tilespmem:s14+$0x40] =	vst v2;
	v2 =	vmul.f32 v5, v0  }
0x2e2: {  	v5 =	vld [tilespmem:s9+$0xFFFFFF90];
	[tilespmem:s14+$0x50] =	vst v4;
	v4 =	vmul.f32 v6, v0  }
0x2e3: {  	v6 =	vld [tilespmem:s9+$0xFFFFFFA0];
	[tilespmem:s14+$0x60] =	vst v2  }
0x2e4: {  	v0 =	vmov v8;
	v10 =	vld [tilespmem:s9+$0xFFFFFFB0];
	[tilespmem:s14+$0x70] =	vst v4;
	s14 =	smov.u32 s9  }
.Ltmp5:
0x2e5: {  	v4 =	vld [tilespmem:s9+$0xFFFFFFC0];
	v8 =	vmul.f32 v3, v1;
	(pc) =	sbr.rel @p1 .LBB2_12-.Ltmp5, $4  }
0x2e6: {  	v7 =	vmul.f32 v7, v1;
	v3 =	vld [tilespmem:s9+$0xFFFFFFD0]  }
0x2e7: {  	v5 =	vmul.f32 v5, v1;
	v2 =	vld [tilespmem:s9+$0xFFFFFFE0];
	[tilespmem:s9+$0xFFFFFFF0] =	vst v8  }
0x2e8: {  	[tilespmem:s9+$0xFFFFFF80] =	vst v7;
	v8 =	vmul.f32 v6, v1;
	v6 =	vld [tilespmem:s9+$0x0]  }
0x2e9: {  	s22 =	sadd.s32 $0x2, s22;
	v9 =	vmov s20;
	[tilespmem:s9+$0xFFFFFF90] =	vst v5;
	v7 =	vmul.f32 v10, v1;
	v5 =	vld [tilespmem:s9+$0x10]  }
0x2ea: {  	v10 =	vld [tilespmem:s9+$0x20]  }
0x2eb: {  	v11 =	vld [tilespmem:s9+$0x30]  }
0x2ec: {  	s20 =	sadd.s32 $0x1, s20;
	v13 =	vld [tilespmem:s9+$0x40];
	[tilespmem:s9+$0xFFFFFFA0] =	vst v8;
	v4 =	vmul.f32 v4, v1  }
0x2ed: {  	v22 =	vld [tilespmem:s9+$0x50];
	v12 =	vmov s20;
	[tilespmem:s9+$0xFFFFFFB0] =	vst v7;
	v3 =	vmul.f32 v3, v1  }
0x2ee: {  	v23 =	vld [tilespmem:s9+$0x60];
	[tilespmem:s9+$0xFFFFFFC0] =	vst v4;
	v24 =	vmul.f32 v2, v1  }
0x2ef: {  	v25 =	vld [tilespmem:s9+$0x70];
	s13 =	sadd.s32 $0x100, s9;
	v6 =	vmul.f32 v6, v0;
	[tilespmem:s9+$0xFFFFFFD0] =	vst v3  }
0x2f0: {  	v31 =	vld [tilespmem:s13+$0xFFFFFFF0];
	v26 =	vmul.f32 v5, v0;
	[tilespmem:s9+$0xFFFFFFE0] =	vst v24  }
0x2f1: {  	v46 =	vld [tilespmem:s13+$0x0];
	[tilespmem:s9+$0x0] =	vst v6;
	v28 =	vmul.f32 v10, v0  }
0x2f2: {  	v30 =	vmul.f32 v11, v0;
	v27 =	vld.idx.msk [tilespmem:v12+s26+$0x0], $0xffff;
	[tilespmem:s9+$0x10] =	vst v26  }
0x2f3: {  	v9 =	vand.u32 $0xFFFFFFFE, v9;
	v47 =	vld [tilespmem:s13+$0x10];
	v32 =	vmul.f32 v13, v0;
	[tilespmem:s14+$0x20] =	vst v28  }
0x2f4: {  	v9 =	vbroadcast v9, $0x0;
	v49 =	vld [tilespmem:s13+$0x20];
	v34 =	vmul.f32 v22, v0;
	[tilespmem:s14+$0x30] =	vst v30  }
0x2f5: {  	v51 =	vld [tilespmem:s13+$0x30];
	v36 =	vmul.f32 v23, v0;
	[tilespmem:s14+$0x40] =	vst v32  }
0x2f6: {  	v53 =	vld [tilespmem:s13+$0x40];
	v38 =	vmul.f32 v25, v0;
	[tilespmem:s14+$0x50] =	vst v34  }
0x2f7: {  	v55 =	vld [tilespmem:s13+$0x50];
	[tilespmem:s14+$0x60] =	vst v36;
	v54 =	vmul.f32 v46, v27  }
0x2f8: {  	v57 =	vld [tilespmem:s13+$0x60];
	[tilespmem:s14+$0x70] =	vst v38;
	v56 =	vmul.f32 v47, v27  }
0x2f9: {  	v58 =	vld [tilespmem:s13+$0x70];
	v1 =	vmul.f32 v49, v27;
	[tilespmem:s13+$0x0] =	vst v54  }
0x2fa: {  	v29 =	vld.idx.msk [tilespmem:v9+s26+$0x0], $0xffff;
	v59 =	vmul.f32 v51, v27;
	[tilespmem:s13+$0x10] =	vst v56  }
0x2fb: {  	v33 =	vld [tilespmem:s13+$0xFFFFFF80];
	v60 =	vmul.f32 v53, v27;
	[tilespmem:s13+$0x20] =	vst v1  }
0x2fc: {  	v35 =	vld [tilespmem:s13+$0xFFFFFF90];
	v61 =	vmul.f32 v55, v27;
	[tilespmem:s13+$0x30] =	vst v59  }
0x2fd: {  	v37 =	vld [tilespmem:s13+$0xFFFFFFA0];
	v62 =	vmul.f32 v57, v27;
	[tilespmem:s13+$0x40] =	vst v60  }
0x2fe: {  	v39 =	vld [tilespmem:s13+$0xFFFFFFB0];
	v63 =	vmul.f32 v58, v27;
	[tilespmem:s13+$0x50] =	vst v61  }
0x2ff: {  	v40 =	vld [tilespmem:s13+$0xFFFFFFC0];
	v41 =	vmul.f32 v31, v29;
	[tilespmem:s13+$0x60] =	vst v62  }
0x300: {  	v43 =	vld [tilespmem:s13+$0xFFFFFFD0];
	v42 =	vmul.f32 v33, v29;
	[tilespmem:s13+$0x70] =	vst v63  }
0x301: {  	v44 =	vld [tilespmem:s13+$0xFFFFFFE0];
	v8 =	vmul.f32 v35, v29;
	[tilespmem:s13+$0xFFFFFFF0] =	vst v41  }
0x302: {  	v45 =	vmul.f32 v37, v29;
	[tilespmem:s13+$0xFFFFFF80] =	vst v42  }
0x303: {  	v2 =	vmul.f32 v39, v29;
	[tilespmem:s13+$0xFFFFFF90] =	vst v8  }
0x304: {  	v48 =	vmul.f32 v40, v29;
	[tilespmem:s13+$0xFFFFFFA0] =	vst v45  }
0x305: {  	v50 =	vmul.f32 v43, v29;
	[tilespmem:s13+$0xFFFFFFB0] =	vst v2  }
0x306: {  	v52 =	vmul.f32 v44, v29;
	[tilespmem:s13+$0xFFFFFFC0] =	vst v48  }
0x307: {  	[tilespmem:s13+$0xFFFFFFD0] =	vst v50  }
0x308: {  	[tilespmem:s13+$0xFFFFFFE0] =	vst v52  }
0x309: {  	[spmem:s2] =	stream.indirect.scatter.add.f32 [tilespmem:s30], [sflag:$0x8], $0x80, s1, s21, $0xb8;
	[tilespmem:$0x1EB70] =	vst v63  }
0x30a: {  	_ = 	snop  }
0x30b: {  	[spmem:s5] =	stream.indirect.scatter.add.f32 [tilespmem:s26], [sflag:$0x8], $0x1, s1, s21, $0xb8;
	[tilespmem:$0x1EB70] =	vst v63  }
0x30c: {  	_ =	swait.ge [sflag:s31], $0x2800  }
0x30d: {  	[sflag:s31] =	ssyncset.done $0x0  }
0x30e: {  	[sflag:s31] =	ssyncadd.s32 $0xFFFFD800  }
0x30f: {  	_ =	swait.ge [sflag:s31], $0x50  }
0x310: {  	[sflag:s31] =	ssyncset.done $0x0  }
0x311: {  	[sflag:s31] =	ssyncadd.s32 $0xFFFFFFB0  }
0x312: {  	_ =	swait.ge [sflag:s19], $0x2800  }
0x313: {  	[sflag:s19] =	ssyncset.done $0x0  }
0x314: {  	[sflag:s19] =	ssyncadd.s32 $0xFFFFD800  }
0x315: {  	_ =	swait.ge [sflag:s19], $0x50  }
0x316: {  	[sflag:s19] =	ssyncset.done $0x0  }
0x317: {  	s22 =	stileid.u32;
	[sflag:s19] =	ssyncadd.s32 $0xFFFFFFB0  }
0x318: {  	s9 =	sshll.u32 s22, $0x6;
	[bflag:$0x0] =	sbarrier.arrive $0xFFFF  }
0x319: {  	s23 =	sshrl.u32 s17, $0x3;
	s9 =	sor.u32 $0x1C0D, s9;
	s29 =	rddreg [dreg:$0x13]  }
0x31a: {  	[hbm:s29], [sflag:s9] =	dma.local [spmem:s23], $0x2800  }
0x31b: {  	s13 =	simm.s32 $0x20;
	s20 =	rddreg [dreg:$0xe]  }
0x31c: {  	s23 =	simm.s32 $0x10;
	s22 =	rddreg [dreg:$0x14];
	s30 =	sshrl.u32 s20, $0x3  }
0x31d: {  	[hbm:s22@s13], [sflag:s9] =	dma.strided [spmem:s30@s23], $0x50, s15, $0x10   }
0x31e: {  	_ =	swait.ge [sflag:s10], $0x2800  }
0x31f: {  	[sflag:s10] =	ssyncset.done $0x0  }
0x320: {  	[sflag:s10] =	ssyncadd.s32 $0xFFFFD800  }
0x321: {  	_ =	swait.ge [sflag:s10], $0x50  }
0x322: {  	s29 =	rddreg [dreg:$0x1f]  }
0x323: {  	s30 =	rddreg [dreg:$0x15];
	s13 =	sadd.s32 $0x1, s29  }
0x324: {  	p1 =	sne.s32 s13, s30  }
.Ltmp6:
0x325: {  	_ = 	snop;
	(pc) =	sbr.rel @p1 .LBB2_1-.Ltmp6, $3  }
0x326: {  	_ =	sdelay $0x1  }
0x327: {  	[sflag:s10] =	ssyncset.done $0x0  }
0x328: {  	[sflag:s10] =	ssyncadd.s32 $0xFFFFFFB0  }
0x329: {  	_ =	sfence.sel $0x180000  }
0x32a: {  	[bflag:$0x0] =	sbarrier.arrive $0xFFFF  }
0x32b: {  	_ =	strace $0x90000047  }
0x32c: {  	[bflag:$0x2] =	sbarrier.arrive $0xFFFF  }
0x32d: {  	s0 =	rddreg [dreg:$0x6]  }
0x32e: {  	s0 =	sadd.s32 @!p0 $0x100000, s0  }
0x32f: {  	[sflag:s0] =	ssyncadd.tile.s32 @!p0 $0x1;
	_ =	shalt  }
.Lfunc_end2:
_tile_overlayer_lowered:
.L_overlay_start_2:
0x330: {  	(tag) =	ssettag $0x2  }
0x331: {  	s0 =	rddreg [dreg:$0x0];
	s2 =	stileid.u32  }
0x332: {  	s1 =	rddreg [dreg:$0x1];
	p0 =	sne.s32 s2, $0x0  }
0x333: {  	s3 =	rddreg [dreg:$0x2];
	[bflag:$0x3] =	sbarrier.arrive $0xFFFF;
	s2 =	simm.s32 @!p0 $0x1C0E  }
0x334: {  	[timem:s3], [sflag:s2] =	dma.local @!p0 [hbm:s0], s1  }
0x335: {  	s0 =	simm.s32 @!p0 $0xE  }
0x336: {  	_ =	swait.ge @!p0 [sflag:s0], s1  }
0x337: {  	s1 =	ssub.s32 @!p0 $0x0, s1;
	[sflag:s0] =	ssyncset.done @!p0 $0x0  }
0x338: {  	[sflag:s0] =	ssyncadd.s32 @!p0 s1  }
0x339: {  	[bflag:$0x3] =	sbarrier.arrive $0xFFFF  }
0x33a: {  	_ =	shalt  }

</sc_bundles>
